<compile_context>
chip_gen: v7x
topology: tpu7x:2x2x1
jax: 0.10.2.dev20260603
libtpu: 0.0.44.dev20260713+nightly
codegen_flags: <defaults>
</compile_context>

<pallas_src>
import numpy as np
import jax
import jax.numpy as jnp
from jax import lax
from jax.experimental import pallas as pl
from jax.experimental.pallas import tpu as pltpu
from jax.experimental.pallas import tpu_sc as plsc

_B, _NPC, _DF = 8, 2048, 64
_M = 256
_KNN = 64
_H1, _H2 = 128, 128
_R2 = float(np.float32(0.4) * np.float32(0.4))
_NW = 32
_CPW = (_B * _M) // _NW
_NBR_CAP = 80



def _fps_body(px_ref, py_ref, pz_ref, qx_ref, qy_ref, qz_ref):
    px = px_ref[:]
    py = py_ref[:]
    pz = pz_ref[:]
    iota = lax.broadcasted_iota(jnp.int32, (_B, _NPC), 1)
    iota_m = lax.broadcasted_iota(jnp.int32, (_B, _M), 1)

    p0x = px[:, 0:1]
    p0y = py[:, 0:1]
    p0z = pz[:, 0:1]
    dx = px - p0x
    dy = py - p0y
    dz = pz - p0z
    dist = (dx * dx + dy * dy) + dz * dz

    qx = jnp.where(iota_m == 0, p0x, 0.0)
    qy = jnp.where(iota_m == 0, p0y, 0.0)
    qz = jnp.where(iota_m == 0, p0z, 0.0)

    def step(t, carry):
        dist, qx, qy, qz = carry
        m = jnp.max(dist, axis=1, keepdims=True)
        onehot = dist == m
        pxw = jnp.sum(jnp.where(onehot, px, 0.0), axis=1, keepdims=True)
        pyw = jnp.sum(jnp.where(onehot, py, 0.0), axis=1, keepdims=True)
        pzw = jnp.sum(jnp.where(onehot, pz, 0.0), axis=1, keepdims=True)
        ddx = px - pxw
        ddy = py - pyw
        ddz = pz - pzw
        dnew = (ddx * ddx + ddy * ddy) + ddz * ddz
        dist = jnp.minimum(dist, dnew)
        cm = iota_m == t
        qx = jnp.where(cm, pxw, qx)
        qy = jnp.where(cm, pyw, qy)
        qz = jnp.where(cm, pzw, qz)
        return dist, qx, qy, qz

    _, qx, qy, qz = lax.fori_loop(1, _M, step, (dist, qx, qy, qz))
    qx_ref[:] = qx
    qy_ref[:] = qy
    qz_ref[:] = qz


def _fps_call(posx, posy, posz):
    return pl.pallas_call(
        _fps_body,
        out_shape=[jax.ShapeDtypeStruct((_B, _M), jnp.float32)] * 3,
    )(posx, posy, posz)



_FIRE = 8
_CH = _KNN
_SBUF = _FIRE * _CH


def _sc_body(px_hbm, py_hbm, pz_hbm, qx_hbm, qy_hbm, qz_hbm, x_hbm,
             xg_hbm, relx_hbm, rely_hbm, relz_hbm, valid_hbm,
             px_v, py_v, pz_v, qx_v, qy_v, qz_v,
             nbr_v, idxflat_v, relx_c, rely_c, relz_c, valid_c,
             rows_v, gsem, wsem):
    wid = lax.axis_index("s") * 2 + lax.axis_index("c")
    cloud = wid // 4
    pbase = cloud * _NPC
    qbase = wid * _CPW
    gbase = wid * (_CPW * _KNN)

    pltpu.sync_copy(px_hbm.at[pl.ds(pbase, _NPC)], px_v)
    pltpu.sync_copy(py_hbm.at[pl.ds(pbase, _NPC)], py_v)
    pltpu.sync_copy(pz_hbm.at[pl.ds(pbase, _NPC)], pz_v)
    pltpu.sync_copy(qx_hbm.at[pl.ds(qbase, _CPW)], qx_v)
    pltpu.sync_copy(qy_hbm.at[pl.ds(qbase, _CPW)], qy_v)
    pltpu.sync_copy(qz_hbm.at[pl.ds(qbase, _CPW)], qz_v)

    iota = lax.iota(jnp.int32, 16)
    zeros16 = jnp.zeros((16,), jnp.int32)

    _DEPTH = 4

    def scan_compact(c, idx_v):
        cidx = zeros16 + c
        qxs = plsc.load_gather(qx_v, [cidx])
        qys = plsc.load_gather(qy_v, [cidx])
        qzs = plsc.load_gather(qz_v, [cidx])

        def scan_step(i, cnt):
            msks = []
            for k in range(4):
                off = i * 64 + k * 16
                px = px_v[pl.ds(off, 16)]
                py = py_v[pl.ds(off, 16)]
                pz = pz_v[pl.ds(off, 16)]
                dx = px - qxs
                dy = py - qys
                dz = pz - qzs
                d2 = (dx * dx + dy * dy) + dz * dz
                msks.append(d2 <= _R2)
            for k in range(4):
                msk = msks[k]
                ones = jnp.where(msk, jnp.int32(1), jnp.int32(0))
                ofs = plsc.cumsum(ones)
                lidx = iota + (i * 64 + k * 16)
                plsc.store_scatter(nbr_v, [(cnt + ofs) - 1], lidx, mask=msk)
                cnt = jnp.minimum(
                    cnt + plsc.all_reduce_population_count(msk), _KNN)
            return cnt

        cnt = lax.fori_loop(0, _NPC // 64, scan_step, zeros16)

        for j in range(_KNN // 16):
            vm = (iota + (j * 16)) < cnt
            lidx = nbr_v[pl.ds(j * 16, 16)]
            lidx = jnp.where(vm, lidx, 0)
            rx = plsc.load_gather(px_v, [lidx]) - qxs
            ry = plsc.load_gather(py_v, [lidx]) - qys
            rz = plsc.load_gather(pz_v, [lidx]) - qzs
            off = c * _KNN + j * 16
            relx_c[pl.ds(off, 16)] = rx
            rely_c[pl.ds(off, 16)] = ry
            relz_c[pl.ds(off, 16)] = rz
            valid_c[pl.ds(off, 16)] = jnp.where(vm, 1.0, 0.0)
            idx_v[pl.ds(j * 16, 16)] = lidx + pbase

    def out_slice(c):
        return xg_hbm.at[pl.ds(gbase + c * _KNN, _KNN)]

    def quad(cp, carry):
        c0 = _DEPTH * cp
        for q in range(_DEPTH):
            scan_compact(c0 + q, idxflat_v.at[q])

        @pl.when(cp > 0)
        def _():
            for q in range(_DEPTH):
                pltpu.make_async_copy(rows_v.at[q], out_slice(c0),
                                      wsem.at[q]).wait()

        handles = [pltpu.async_copy(x_hbm.at[idxflat_v.at[q]],
                                    rows_v.at[q], gsem.at[q])
                   for q in range(_DEPTH)]
        for h in handles:
            h.wait()
        for q in range(_DEPTH):
            pltpu.async_copy(rows_v.at[q], out_slice(c0 + q), wsem.at[q])
        return carry

    lax.fori_loop(0, _CPW // _DEPTH, quad, 0)
    for q in range(_DEPTH):
        pltpu.make_async_copy(rows_v.at[q], out_slice(0), wsem.at[q]).wait()

    pltpu.sync_copy(relx_c, relx_hbm.at[pl.ds(gbase, _CPW * _KNN)])
    pltpu.sync_copy(rely_c, rely_hbm.at[pl.ds(gbase, _CPW * _KNN)])
    pltpu.sync_copy(relz_c, relz_hbm.at[pl.ds(gbase, _CPW * _KNN)])
    pltpu.sync_copy(valid_c, valid_hbm.at[pl.ds(gbase, _CPW * _KNN)])


def _sc_call(posx, posy, posz, qx, qy, qz, x):
    n = _B * _M * _KNN
    f = pl.kernel(
        _sc_body,
        out_type=[
            jax.ShapeDtypeStruct((n, _DF), jnp.float32),
            jax.ShapeDtypeStruct((n,), jnp.float32),
            jax.ShapeDtypeStruct((n,), jnp.float32),
            jax.ShapeDtypeStruct((n,), jnp.float32),
            jax.ShapeDtypeStruct((n,), jnp.float32),
        ],
        mesh=plsc.VectorSubcoreMesh(core_axis_name="c", subcore_axis_name="s"),
        compiler_params=pltpu.CompilerParams(
            needs_layout_passes=False, use_tc_tiling_on_sc=False),
        scratch_types=[
            pltpu.VMEM((_NPC,), jnp.float32),
            pltpu.VMEM((_NPC,), jnp.float32),
            pltpu.VMEM((_NPC,), jnp.float32),
            pltpu.VMEM((_CPW,), jnp.float32),
            pltpu.VMEM((_CPW,), jnp.float32),
            pltpu.VMEM((_CPW,), jnp.float32),
            pltpu.VMEM((_NBR_CAP,), jnp.int32),
            pltpu.VMEM((4, _KNN), jnp.int32),
            pltpu.VMEM((_CPW * _KNN,), jnp.float32),
            pltpu.VMEM((_CPW * _KNN,), jnp.float32),
            pltpu.VMEM((_CPW * _KNN,), jnp.float32),
            pltpu.VMEM((_CPW * _KNN,), jnp.float32),
            pltpu.VMEM((4, _KNN, _DF), jnp.float32),
            pltpu.SemaphoreType.DMA((4,)),
            pltpu.SemaphoreType.DMA((4,)),
        ],
    )
    return f(posx, posy, posz, qx, qy, qz, x)



_BLK = 64


def _mlp_body(xg_ref, rx_ref, ry_ref, rz_ref, vd_ref,
              w1a_ref, w1x_ref, w1y_ref, w1z_ref, b1_ref, w2_ref, b2_ref,
              out_ref):
    a = xg_ref[:].astype(jnp.bfloat16)
    h = jnp.dot(a, w1a_ref[:].astype(jnp.bfloat16),
                preferred_element_type=jnp.float32)
    h = h.reshape(_BLK, _KNN, _H1)
    h = h + rx_ref[:][:, :, None] * w1x_ref[:].reshape(1, 1, _H1)
    h = h + ry_ref[:][:, :, None] * w1y_ref[:].reshape(1, 1, _H1)
    h = h + rz_ref[:][:, :, None] * w1z_ref[:].reshape(1, 1, _H1)
    h = jnp.maximum(h + b1_ref[:].reshape(1, 1, _H1), 0.0)
    h2 = jnp.dot(h.reshape(_BLK * _KNN, _H1).astype(jnp.bfloat16),
                 w2_ref[:].astype(jnp.bfloat16),
                 preferred_element_type=jnp.float32)
    h2 = jnp.maximum(h2 + b2_ref[:], 0.0)
    h2 = h2.reshape(_BLK, _KNN, _H2) * vd_ref[:][:, :, None]
    out_ref[:] = jnp.max(h2, axis=1)


def _mlp_call(xg, relx, rely, relz, valid, w1a, w1x, w1y, w1z, b1, w2, b2):
    nq = _B * _M
    grid = nq // _BLK
    return pl.pallas_call(
        _mlp_body,
        grid=(grid,),
        in_specs=[
            pl.BlockSpec((_BLK * _KNN, _DF), lambda i: (i, 0)),
            pl.BlockSpec((_BLK, _KNN), lambda i: (i, 0)),
            pl.BlockSpec((_BLK, _KNN), lambda i: (i, 0)),
            pl.BlockSpec((_BLK, _KNN), lambda i: (i, 0)),
            pl.BlockSpec((_BLK, _KNN), lambda i: (i, 0)),
            pl.BlockSpec((_DF, _H1), lambda i: (0, 0)),
            pl.BlockSpec((1, _H1), lambda i: (0, 0)),
            pl.BlockSpec((1, _H1), lambda i: (0, 0)),
            pl.BlockSpec((1, _H1), lambda i: (0, 0)),
            pl.BlockSpec((1, _H1), lambda i: (0, 0)),
            pl.BlockSpec((_H1, _H2), lambda i: (0, 0)),
            pl.BlockSpec((1, _H2), lambda i: (0, 0)),
        ],
        out_specs=pl.BlockSpec((_BLK, _H2), lambda i: (i, 0)),
        out_shape=jax.ShapeDtypeStruct((nq, _H2), jnp.float32),
    )(xg, relx, rely, relz, valid, w1a, w1x, w1y, w1z, b1, w2, b2)



def kernel(x, pos, batch, W1, b1, W2, b2):
    posx = pos[:, 0].reshape(_B, _NPC)
    posy = pos[:, 1].reshape(_B, _NPC)
    posz = pos[:, 2].reshape(_B, _NPC)

    qx, qy, qz = _fps_call(posx, posy, posz)
    qxf, qyf, qzf = qx.reshape(-1), qy.reshape(-1), qz.reshape(-1)

    xg, relx, rely, relz, valid = _sc_call(
        posx.reshape(-1), posy.reshape(-1), posz.reshape(-1),
        qxf, qyf, qzf, x)

    nq = _B * _M
    out = _mlp_call(
        xg,
        relx.reshape(nq, _KNN), rely.reshape(nq, _KNN), relz.reshape(nq, _KNN),
        valid.reshape(nq, _KNN),
        W1[:_DF], W1[_DF:_DF + 1], W1[_DF + 1:_DF + 2], W1[_DF + 2:_DF + 3],
        b1.reshape(1, _H1), W2, b2.reshape(1, _H2))

    pos_out = jnp.stack([qxf, qyf, qzf], axis=-1)
    batch_out = jnp.repeat(jnp.arange(_B, dtype=batch.dtype), _M)
    return (out, pos_out, batch_out)

# --- scband reference (transcript-rebuilt; emitter-appended) ---
"""Pipeline reference for scband-samodule-80934363725909 (READ-ONLY COPY).

The authoritative reference and input builder live on the scoring server;
editing this copy changes nothing except your own understanding.
"""

import jax, jax.numpy as jnp
import numpy as np

B, NPC, DF = 8, 2048, 64      # 8 clouds x 2048 points = 16384 total
M = 256                        # sample_points=2048 total -> ratio 0.125 -> 256 per cloud
R = 0.4
KNN = 64                       # max_num_neighbors
H1, H2 = 128, 128              # PointConv local_nn MLP([67,128,128])


def setup_inputs(seed: int = 0) -> dict:
    key = jax.random.key(seed)
    k1, k2, k3, k4 = jax.random.split(key, 4)
    N = B * NPC
    x = jax.random.normal(k1, (N, DF), dtype=jnp.float32)
    pos = jax.random.normal(k2, (N, 3), dtype=jnp.float32)
    batch = jnp.repeat(jnp.arange(B, dtype=jnp.int32), NPC)
    W1 = jax.random.normal(k3, (DF + 3, H1), dtype=jnp.float32) * 0.05
    b1 = jnp.zeros((H1,), jnp.float32)
    W2 = jax.random.normal(k4, (H1, H2), dtype=jnp.float32) * 0.05
    b2 = jnp.zeros((H2,), jnp.float32)
    return {"x": x, "pos": pos, "batch": batch, "W1": W1, "b1": b1, "W2": W2, "b2": b2}


def _fps(pos_b, m):
    # farthest point sampling, vectorized over equal-sized clouds; start at index 0
    Bb, n, _ = pos_b.shape
    d0 = jnp.sum((pos_b - pos_b[:, :1, :]) ** 2, axis=-1)  # [B, n]

    def step(dist, _):
        nxt = jnp.argmax(dist, axis=1)                      # [B]
        p = pos_b[jnp.arange(Bb), nxt]                      # [B, 3]
        dist = jnp.minimum(dist, jnp.sum((pos_b - p[:, None, :]) ** 2, axis=-1))
        return dist, nxt.astype(jnp.int32)

    _, rest = jax.lax.scan(step, d0, None, length=m - 1)    # [m-1, B]
    idxs = jnp.concatenate([jnp.zeros((1, Bb), jnp.int32), rest], axis=0)
    return idxs.T                                           # [B, m]


def reference(x, pos, batch, W1, b1, W2, b2):
    pos_b = pos.reshape(B, NPC, 3)
    x_b = x.reshape(B, NPC, DF)

    # fps(pos, batch, ratio=sample_points/len(pos))
    idxs = _fps(pos_b, M)                                   # [B, M] local indices
    bi = jnp.arange(B)[:, None]
    qpos = pos_b[bi, idxs]                                  # [B, M, 3] = pos[idx]

    # radius(pos, pos[idx], r, batch, batch[idx], max_num_neighbors=64)
    d2 = jnp.sum((qpos[:, :, None, :] - pos_b[:, None, :, :]) ** 2, axis=-1)  # [B, M, NPC]
    masked = jnp.where(d2 <= R * R, d2, jnp.inf)
    negv, nbr = jax.lax.top_k(-masked, KNN)                 # nearest up-to-64 within radius
    valid = negv > -jnp.inf                                 # [B, M, KNN]

    # PointConv: message = nn(concat(x_j, pos_j - pos_i)); max aggregation
    bi3 = jnp.arange(B)[:, None, None]
    xj = x_b[bi3, nbr]                                      # [B, M, KNN, DF]
    pj = pos_b[bi3, nbr]                                    # [B, M, KNN, 3]
    rel = pj - qpos[:, :, None, :]
    h = jnp.concatenate([xj, rel], axis=-1)                 # [B, M, KNN, DF+3]
    h = jax.nn.relu(h @ W1 + b1)
    h = jax.nn.relu(h @ W2 + b2)
    h = jnp.where(valid[..., None], h, -jnp.inf)
    out = jnp.max(h, axis=2)                                # [B, M, H2]
    out = jnp.where(jnp.isfinite(out), out, 0.0)

    x_out = out.reshape(B * M, H2)
    pos_out = qpos.reshape(B * M, 3)
    batch_out = jnp.repeat(jnp.arange(B, dtype=batch.dtype), M)
    return (x_out, pos_out, batch_out)

if __name__ == "__main__":
    import jax
    _d = setup_inputs()
    print(jax.jit(kernel)(*tuple(_d.values())))

</pallas_src>

<mosaic_0001>
#map = affine_map<(d0, d1) -> (0)>
#map1 = affine_map<(d0, d1) -> (0, 0)>
module attributes {stable_mosaic.version = 14 : i64} {
  func.func @_sc_body(%arg0: i32, %arg1: i32, %arg2: memref<16384xf32, #tpu.memory_space<hbm>>, %arg3: memref<16384xf32, #tpu.memory_space<hbm>>, %arg4: memref<16384xf32, #tpu.memory_space<hbm>>, %arg5: memref<2048xf32, #tpu.memory_space<hbm>>, %arg6: memref<2048xf32, #tpu.memory_space<hbm>>, %arg7: memref<2048xf32, #tpu.memory_space<hbm>>, %arg8: memref<16384x64xf32, #tpu.memory_space<hbm>>, %arg9: memref<131072x64xf32, #tpu.memory_space<hbm>>, %arg10: memref<131072xf32, #tpu.memory_space<hbm>>, %arg11: memref<131072xf32, #tpu.memory_space<hbm>>, %arg12: memref<131072xf32, #tpu.memory_space<hbm>>, %arg13: memref<131072xf32, #tpu.memory_space<hbm>>, %arg14: memref<2048xf32, #tpu.memory_space<vmem>>, %arg15: memref<2048xf32, #tpu.memory_space<vmem>>, %arg16: memref<2048xf32, #tpu.memory_space<vmem>>, %arg17: memref<64xf32, #tpu.memory_space<vmem>>, %arg18: memref<64xf32, #tpu.memory_space<vmem>>, %arg19: memref<64xf32, #tpu.memory_space<vmem>>, %arg20: memref<80xi32, #tpu.memory_space<vmem>>, %arg21: memref<4x64xi32, #tpu.memory_space<vmem>>, %arg22: memref<4096xf32, #tpu.memory_space<vmem>>, %arg23: memref<4096xf32, #tpu.memory_space<vmem>>, %arg24: memref<4096xf32, #tpu.memory_space<vmem>>, %arg25: memref<4096xf32, #tpu.memory_space<vmem>>, %arg26: memref<4x64x64xf32, #tpu.memory_space<vmem>>, %arg27: memref<4x!tpu.dma_semaphore, #tpu.memory_space<semaphore_mem>>, %arg28: memref<4x!tpu.dma_semaphore, #tpu.memory_space<semaphore_mem>>) attributes {dimension_semantics = [#tpu.dimension_semantics<core_parallel>, #tpu.dimension_semantics<subcore_parallel>], iteration_bounds = array<i64: 2, 16>, scalar_prefetch = 0 : i64, scratch_operands = 15 : i64, tpu.core_type = #tpu.core_type<sc_vector_subcore>, window_params = [{transform_indices = #map}, {transform_indices = #map}, {transform_indices = #map}, {transform_indices = #map}, {transform_indices = #map}, {transform_indices = #map}, {transform_indices = #map1}, {transform_indices = #map1}, {transform_indices = #map}, {transform_indices = #map}, {transform_indices = #map}, {transform_indices = #map}]} {
    %mul3A = arith.constant 2 : i32
    %mul3A_0 = arith.muli %arg1, %mul3A : i32
    %add3A = arith.addi %mul3A_0, %arg0 : i32
    %jit3A = arith.constant 4 : i32
    %div3A = arith.divsi %add3A, %jit3A : i32
    %sign3A = arith.constant 0 : i32
    %sign3A_1 = arith.cmpi sgt, %add3A, %sign3A : i32
    %sign3A_2 = arith.extui %sign3A_1 : i1 to i32
    %sign3A_3 = arith.constant 0 : i32
    %sign3A_4 = arith.cmpi slt, %add3A, %sign3A_3 : i32
    %sign3A_5 = arith.extui %sign3A_4 : i1 to i32
    %sign3A_6 = arith.subi %sign3A_2, %sign3A_5 : i32
    %sign3A_7 = arith.constant 0 : i32
    %sign3A_8 = arith.cmpi sgt, %jit3A, %sign3A_7 : i32
    %sign3A_9 = arith.extui %sign3A_8 : i1 to i32
    %sign3A_10 = arith.constant 0 : i32
    %sign3A_11 = arith.cmpi slt, %jit3A, %sign3A_10 : i32
    %sign3A_12 = arith.extui %sign3A_11 : i1 to i32
    %sign3A_13 = arith.subi %sign3A_9, %sign3A_12 : i32
    %ne3A = arith.cmpi ne, %sign3A_6, %sign3A_13 : i32
    %rem3A = arith.remsi %add3A, %jit3A : i32
    %ne3A_14 = arith.constant 0 : i32
    %ne3A_15 = arith.cmpi ne, %rem3A, %ne3A_14 : i32
    %and3A = arith.andi %ne3A, %ne3A_15 : i1
    %sub3A = arith.constant 1 : i32
    %sub3A_16 = arith.subi %div3A, %sub3A : i32
    %select_n3A = arith.select %and3A, %sub3A_16, %div3A : i32
    %mul3A_17 = arith.constant 2048 : i32
    %mul3A_18 = arith.muli %select_n3A, %mul3A_17 : i32
    %mul3A_19 = arith.constant 64 : i32
    %mul3A_20 = arith.muli %add3A, %mul3A_19 : i32
    %mul3A_21 = arith.constant 4096 : i32
    %mul3A_22 = arith.muli %add3A, %mul3A_21 : i32
    "tpu.region"() ({
      %run_scoped3A = tpu.sem_alloc : memref<!tpu.dma_semaphore, #tpu.memory_space<semaphore_mem>>
      %dma_start3A = tpu.memref_slice %arg2[%mul3A_18] : memref<16384xf32, #tpu.memory_space<hbm>> -> memref<2048xf32, #tpu.memory_space<hbm>>
      %dma_start3A_100 = tpu.memref_slice %arg2[%mul3A_18] : memref<16384xf32, #tpu.memory_space<hbm>> -> memref<2048xf32, #tpu.memory_space<hbm>>
      tpu.enqueue_dma source(%dma_start3A_100 : memref<2048xf32, #tpu.memory_space<hbm>>) target(%arg14 : memref<2048xf32, #tpu.memory_space<vmem>>) target_semaphore(%run_scoped3A : memref<!tpu.dma_semaphore, #tpu.memory_space<semaphore_mem>>)
      %dma_wait3A_101 = tpu.memref_slice %arg2[%mul3A_18] : memref<16384xf32, #tpu.memory_space<hbm>> -> memref<2048xf32, #tpu.memory_space<hbm>>
      %dma_wait3A_102 = tpu.memref_slice %arg2[%mul3A_18] : memref<16384xf32, #tpu.memory_space<hbm>> -> memref<2048xf32, #tpu.memory_space<hbm>>
      tpu.wait_dma2 semaphore(%run_scoped3A : memref<!tpu.dma_semaphore, #tpu.memory_space<semaphore_mem>>) src(%dma_wait3A_102 : memref<2048xf32, #tpu.memory_space<hbm>>) dst(%arg14 : memref<2048xf32, #tpu.memory_space<vmem>>)
      tpu.yield
    }) : () -> ()
    "tpu.region"() ({
      %run_scoped3A = tpu.sem_alloc : memref<!tpu.dma_semaphore, #tpu.memory_space<semaphore_mem>>
      %dma_start3A = tpu.memref_slice %arg3[%mul3A_18] : memref<16384xf32, #tpu.memory_space<hbm>> -> memref<2048xf32, #tpu.memory_space<hbm>>
      %dma_start3A_100 = tpu.memref_slice %arg3[%mul3A_18] : memref<16384xf32, #tpu.memory_space<hbm>> -> memref<2048xf32, #tpu.memory_space<hbm>>
      tpu.enqueue_dma source(%dma_start3A_100 : memref<2048xf32, #tpu.memory_space<hbm>>) target(%arg15 : memref<2048xf32, #tpu.memory_space<vmem>>) target_semaphore(%run_scoped3A : memref<!tpu.dma_semaphore, #tpu.memory_space<semaphore_mem>>)
      %dma_wait3A_101 = tpu.memref_slice %arg3[%mul3A_18] : memref<16384xf32, #tpu.memory_space<hbm>> -> memref<2048xf32, #tpu.memory_space<hbm>>
      %dma_wait3A_102 = tpu.memref_slice %arg3[%mul3A_18] : memref<16384xf32, #tpu.memory_space<hbm>> -> memref<2048xf32, #tpu.memory_space<hbm>>
      tpu.wait_dma2 semaphore(%run_scoped3A : memref<!tpu.dma_semaphore, #tpu.memory_space<semaphore_mem>>) src(%dma_wait3A_102 : memref<2048xf32, #tpu.memory_space<hbm>>) dst(%arg15 : memref<2048xf32, #tpu.memory_space<vmem>>)
      tpu.yield
    }) : () -> ()
    "tpu.region"() ({
      %run_scoped3A = tpu.sem_alloc : memref<!tpu.dma_semaphore, #tpu.memory_space<semaphore_mem>>
      %dma_start3A = tpu.memref_slice %arg4[%mul3A_18] : memref<16384xf32, #tpu.memory_space<hbm>> -> memref<2048xf32, #tpu.memory_space<hbm>>
      %dma_start3A_100 = tpu.memref_slice %arg4[%mul3A_18] : memref<16384xf32, #tpu.memory_space<hbm>> -> memref<2048xf32, #tpu.memory_space<hbm>>
      tpu.enqueue_dma source(%dma_start3A_100 : memref<2048xf32, #tpu.memory_space<hbm>>) target(%arg16 : memref<2048xf32, #tpu.memory_space<vmem>>) target_semaphore(%run_scoped3A : memref<!tpu.dma_semaphore, #tpu.memory_space<semaphore_mem>>)
      %dma_wait3A_101 = tpu.memref_slice %arg4[%mul3A_18] : memref<16384xf32, #tpu.memory_space<hbm>> -> memref<2048xf32, #tpu.memory_space<hbm>>
      %dma_wait3A_102 = tpu.memref_slice %arg4[%mul3A_18] : memref<16384xf32, #tpu.memory_space<hbm>> -> memref<2048xf32, #tpu.memory_space<hbm>>
      tpu.wait_dma2 semaphore(%run_scoped3A : memref<!tpu.dma_semaphore, #tpu.memory_space<semaphore_mem>>) src(%dma_wait3A_102 : memref<2048xf32, #tpu.memory_space<hbm>>) dst(%arg16 : memref<2048xf32, #tpu.memory_space<vmem>>)
      tpu.yield
    }) : () -> ()
    "tpu.region"() ({
      %run_scoped3A = tpu.sem_alloc : memref<!tpu.dma_semaphore, #tpu.memory_space<semaphore_mem>>
      %dma_start3A = tpu.memref_slice %arg5[%mul3A_20] : memref<2048xf32, #tpu.memory_space<hbm>> -> memref<64xf32, #tpu.memory_space<hbm>>
      %dma_start3A_100 = tpu.memref_slice %arg5[%mul3A_20] : memref<2048xf32, #tpu.memory_space<hbm>> -> memref<64xf32, #tpu.memory_space<hbm>>
      tpu.enqueue_dma source(%dma_start3A_100 : memref<64xf32, #tpu.memory_space<hbm>>) target(%arg17 : memref<64xf32, #tpu.memory_space<vmem>>) target_semaphore(%run_scoped3A : memref<!tpu.dma_semaphore, #tpu.memory_space<semaphore_mem>>)
      %dma_wait3A_101 = tpu.memref_slice %arg5[%mul3A_20] : memref<2048xf32, #tpu.memory_space<hbm>> -> memref<64xf32, #tpu.memory_space<hbm>>
      %dma_wait3A_102 = tpu.memref_slice %arg5[%mul3A_20] : memref<2048xf32, #tpu.memory_space<hbm>> -> memref<64xf32, #tpu.memory_space<hbm>>
      tpu.wait_dma2 semaphore(%run_scoped3A : memref<!tpu.dma_semaphore, #tpu.memory_space<semaphore_mem>>) src(%dma_wait3A_102 : memref<64xf32, #tpu.memory_space<hbm>>) dst(%arg17 : memref<64xf32, #tpu.memory_space<vmem>>)
      tpu.yield
    }) : () -> ()
    "tpu.region"() ({
      %run_scoped3A = tpu.sem_alloc : memref<!tpu.dma_semaphore, #tpu.memory_space<semaphore_mem>>
      %dma_start3A = tpu.memref_slice %arg6[%mul3A_20] : memref<2048xf32, #tpu.memory_space<hbm>> -> memref<64xf32, #tpu.memory_space<hbm>>
      %dma_start3A_100 = tpu.memref_slice %arg6[%mul3A_20] : memref<2048xf32, #tpu.memory_space<hbm>> -> memref<64xf32, #tpu.memory_space<hbm>>
      tpu.enqueue_dma source(%dma_start3A_100 : memref<64xf32, #tpu.memory_space<hbm>>) target(%arg18 : memref<64xf32, #tpu.memory_space<vmem>>) target_semaphore(%run_scoped3A : memref<!tpu.dma_semaphore, #tpu.memory_space<semaphore_mem>>)
      %dma_wait3A_101 = tpu.memref_slice %arg6[%mul3A_20] : memref<2048xf32, #tpu.memory_space<hbm>> -> memref<64xf32, #tpu.memory_space<hbm>>
      %dma_wait3A_102 = tpu.memref_slice %arg6[%mul3A_20] : memref<2048xf32, #tpu.memory_space<hbm>> -> memref<64xf32, #tpu.memory_space<hbm>>
      tpu.wait_dma2 semaphore(%run_scoped3A : memref<!tpu.dma_semaphore, #tpu.memory_space<semaphore_mem>>) src(%dma_wait3A_102 : memref<64xf32, #tpu.memory_space<hbm>>) dst(%arg18 : memref<64xf32, #tpu.memory_space<vmem>>)
      tpu.yield
    }) : () -> ()
    "tpu.region"() ({
      %run_scoped3A = tpu.sem_alloc : memref<!tpu.dma_semaphore, #tpu.memory_space<semaphore_mem>>
      %dma_start3A = tpu.memref_slice %arg7[%mul3A_20] : memref<2048xf32, #tpu.memory_space<hbm>> -> memref<64xf32, #tpu.memory_space<hbm>>
      %dma_start3A_100 = tpu.memref_slice %arg7[%mul3A_20] : memref<2048xf32, #tpu.memory_space<hbm>> -> memref<64xf32, #tpu.memory_space<hbm>>
      tpu.enqueue_dma source(%dma_start3A_100 : memref<64xf32, #tpu.memory_space<hbm>>) target(%arg19 : memref<64xf32, #tpu.memory_space<vmem>>) target_semaphore(%run_scoped3A : memref<!tpu.dma_semaphore, #tpu.memory_space<semaphore_mem>>)
      %dma_wait3A_101 = tpu.memref_slice %arg7[%mul3A_20] : memref<2048xf32, #tpu.memory_space<hbm>> -> memref<64xf32, #tpu.memory_space<hbm>>
      %dma_wait3A_102 = tpu.memref_slice %arg7[%mul3A_20] : memref<2048xf32, #tpu.memory_space<hbm>> -> memref<64xf32, #tpu.memory_space<hbm>>
      tpu.wait_dma2 semaphore(%run_scoped3A : memref<!tpu.dma_semaphore, #tpu.memory_space<semaphore_mem>>) src(%dma_wait3A_102 : memref<64xf32, #tpu.memory_space<hbm>>) dst(%arg19 : memref<64xf32, #tpu.memory_space<vmem>>)
      tpu.yield
    }) : () -> ()
    %iota3A = tpu.iota {dimensions = array<i32: 0>} : vector<16xi32>
    %broadcast_in_dim3A = arith.constant 0 : i32
    %broadcast_in_dim3A_23 = vector.broadcast %broadcast_in_dim3A : i32 to vector<16xi32>
    %scan3A = arith.constant 0 : i32
    %scan3A_24 = arith.constant 0 : i32
    %scan3A_25 = arith.constant 16 : i32
    %scan3A_26 = arith.addi %scan3A_24, %scan3A_25 : i32
    %scan3A_27 = arith.constant 1 : i32
    scf.for %scan3A_100 = %scan3A_24 to %scan3A_26 step %scan3A_27  : i32 {
      %mul3A_101 = arith.constant 4 : i32
      %mul3A_102 = arith.muli %mul3A_101, %scan3A_100 : i32
      %add3A_103 = arith.constant 0 : i32
      %add3A_104 = arith.addi %mul3A_102, %add3A_103 : i32
      %add3A_105 = vector.broadcast %add3A_104 : i32 to vector<16xi32>
      %add3A_106 = arith.addi %broadcast_in_dim3A_23, %add3A_105 : vector<16xi32>
      %gather3A = tpu.vector_load_idx %arg17[%add3A_106] : memref<64xf32, #tpu.memory_space<vmem>>[vector<16xi32>], vector<16xf32>,
      %gather3A_107 = tpu.vector_load_idx %arg18[%add3A_106] : memref<64xf32, #tpu.memory_space<vmem>>[vector<16xi32>], vector<16xf32>,
      %gather3A_108 = tpu.vector_load_idx %arg19[%add3A_106] : memref<64xf32, #tpu.memory_space<vmem>>[vector<16xi32>], vector<16xf32>,
      %scan3A_109 = arith.constant 0 : i32
      %scan3A_110 = arith.constant 32 : i32
      %scan3A_111 = arith.addi %scan3A_109, %scan3A_110 : i32
      %scan3A_112 = arith.constant 1 : i32
      %scan3A_113 = scf.for %scan3A_996 = %scan3A_109 to %scan3A_111 step %scan3A_112 iter_args(%scan3A_997 = %broadcast_in_dim3A_23) -> (vector<16xi32>)  : i32 {
        %mul3A_998 = arith.constant 64 : i32
        %mul3A_999 = arith.muli %scan3A_996, %mul3A_998 : i32
        %add3A_1000 = arith.constant 0 : i32
        %add3A_1001 = arith.addi %mul3A_999, %add3A_1000 : i32
        %get3A_1002 = arith.index_cast %add3A_1001 : i32 to index
        %get3A_1003 = tpu.vector_load %arg14[%get3A_1002] {strides = array<i32>} : memref<2048xf32, #tpu.memory_space<vmem>>, vector<16xf32>,
        %get3A_1004 = arith.index_cast %add3A_1001 : i32 to index
        %get3A_1005 = tpu.vector_load %arg15[%get3A_1004] {strides = array<i32>} : memref<2048xf32, #tpu.memory_space<vmem>>, vector<16xf32>,
        %get3A_1006 = arith.index_cast %add3A_1001 : i32 to index
        %get3A_1007 = tpu.vector_load %arg16[%get3A_1006] {strides = array<i32>} : memref<2048xf32, #tpu.memory_space<vmem>>, vector<16xf32>,
        %sub3A_1008 = arith.subf %get3A_1003, %gather3A : vector<16xf32>
        %sub3A_1009 = arith.subf %get3A_1005, %gather3A_107 : vector<16xf32>
        %sub3A_1010 = arith.subf %get3A_1007, %gather3A_108 : vector<16xf32>
        %mul3A_1011 = arith.mulf %sub3A_1008, %sub3A_1008 : vector<16xf32>
        %mul3A_1012 = arith.mulf %sub3A_1009, %sub3A_1009 : vector<16xf32>
        %add3A_1013 = arith.addf %mul3A_1011, %mul3A_1012 : vector<16xf32>
        %mul3A_1014 = arith.mulf %sub3A_1010, %sub3A_1010 : vector<16xf32>
        %add3A_1015 = arith.addf %add3A_1013, %mul3A_1014 : vector<16xf32>
        %le3A = arith.constant 0.160000011 : f32
        %le3A_1016 = vector.broadcast %le3A : f32 to vector<16xf32>
        %le3A_1017 = arith.cmpf ole, %add3A_1015, %le3A_1016 : vector<16xf32>
        %mul3A_1018 = arith.constant 64 : i32
        %mul3A_1019 = arith.muli %scan3A_996, %mul3A_1018 : i32
        %add3A_1020 = arith.constant 16 : i32
        %add3A_1021 = arith.addi %mul3A_1019, %add3A_1020 : i32
        %get3A_1022 = arith.index_cast %add3A_1021 : i32 to index
        %get3A_1023 = tpu.vector_load %arg14[%get3A_1022] {strides = array<i32>} : memref<2048xf32, #tpu.memory_space<vmem>>, vector<16xf32>,
        %get3A_1024 = arith.index_cast %add3A_1021 : i32 to index
        %get3A_1025 = tpu.vector_load %arg15[%get3A_1024] {strides = array<i32>} : memref<2048xf32, #tpu.memory_space<vmem>>, vector<16xf32>,
        %get3A_1026 = arith.index_cast %add3A_1021 : i32 to index
        %get3A_1027 = tpu.vector_load %arg16[%get3A_1026] {strides = array<i32>} : memref<2048xf32, #tpu.memory_space<vmem>>, vector<16xf32>,
        %sub3A_1028 = arith.subf %get3A_1023, %gather3A : vector<16xf32>
        %sub3A_1029 = arith.subf %get3A_1025, %gather3A_107 : vector<16xf32>
        %sub3A_1030 = arith.subf %get3A_1027, %gather3A_108 : vector<16xf32>
        %mul3A_1031 = arith.mulf %sub3A_1028, %sub3A_1028 : vector<16xf32>
        %mul3A_1032 = arith.mulf %sub3A_1029, %sub3A_1029 : vector<16xf32>
        %add3A_1033 = arith.addf %mul3A_1031, %mul3A_1032 : vector<16xf32>
        %mul3A_1034 = arith.mulf %sub3A_1030, %sub3A_1030 : vector<16xf32>
        %add3A_1035 = arith.addf %add3A_1033, %mul3A_1034 : vector<16xf32>
        %le3A_1036 = arith.constant 0.160000011 : f32
        %le3A_1037 = vector.broadcast %le3A_1036 : f32 to vector<16xf32>
        %le3A_1038 = arith.cmpf ole, %add3A_1035, %le3A_1037 : vector<16xf32>
        %mul3A_1039 = arith.constant 64 : i32
        %mul3A_1040 = arith.muli %scan3A_996, %mul3A_1039 : i32
        %add3A_1041 = arith.constant 32 : i32
        %add3A_1042 = arith.addi %mul3A_1040, %add3A_1041 : i32
        %get3A_1043 = arith.index_cast %add3A_1042 : i32 to index
        %get3A_1044 = tpu.vector_load %arg14[%get3A_1043] {strides = array<i32>} : memref<2048xf32, #tpu.memory_space<vmem>>, vector<16xf32>,
        %get3A_1045 = arith.index_cast %add3A_1042 : i32 to index
        %get3A_1046 = tpu.vector_load %arg15[%get3A_1045] {strides = array<i32>} : memref<2048xf32, #tpu.memory_space<vmem>>, vector<16xf32>,
        %get3A_1047 = arith.index_cast %add3A_1042 : i32 to index
        %get3A_1048 = tpu.vector_load %arg16[%get3A_1047] {strides = array<i32>} : memref<2048xf32, #tpu.memory_space<vmem>>, vector<16xf32>,
        %sub3A_1049 = arith.subf %get3A_1044, %gather3A : vector<16xf32>
        %sub3A_1050 = arith.subf %get3A_1046, %gather3A_107 : vector<16xf32>
        %sub3A_1051 = arith.subf %get3A_1048, %gather3A_108 : vector<16xf32>
        %mul3A_1052 = arith.mulf %sub3A_1049, %sub3A_1049 : vector<16xf32>
        %mul3A_1053 = arith.mulf %sub3A_1050, %sub3A_1050 : vector<16xf32>
        %add3A_1054 = arith.addf %mul3A_1052, %mul3A_1053 : vector<16xf32>
        %mul3A_1055 = arith.mulf %sub3A_1051, %sub3A_1051 : vector<16xf32>
        %add3A_1056 = arith.addf %add3A_1054, %mul3A_1055 : vector<16xf32>
        %le3A_1057 = arith.constant 0.160000011 : f32
        %le3A_1058 = vector.broadcast %le3A_1057 : f32 to vector<16xf32>
        %le3A_1059 = arith.cmpf ole, %add3A_1056, %le3A_1058 : vector<16xf32>
        %mul3A_1060 = arith.constant 64 : i32
        %mul3A_1061 = arith.muli %scan3A_996, %mul3A_1060 : i32
        %add3A_1062 = arith.constant 48 : i32
        %add3A_1063 = arith.addi %mul3A_1061, %add3A_1062 : i32
        %get3A_1064 = arith.index_cast %add3A_1063 : i32 to index
        %get3A_1065 = tpu.vector_load %arg14[%get3A_1064] {strides = array<i32>} : memref<2048xf32, #tpu.memory_space<vmem>>, vector<16xf32>,
        %get3A_1066 = arith.index_cast %add3A_1063 : i32 to index
        %get3A_1067 = tpu.vector_load %arg15[%get3A_1066] {strides = array<i32>} : memref<2048xf32, #tpu.memory_space<vmem>>, vector<16xf32>,
        %get3A_1068 = arith.index_cast %add3A_1063 : i32 to index
        %get3A_1069 = tpu.vector_load %arg16[%get3A_1068] {strides = array<i32>} : memref<2048xf32, #tpu.memory_space<vmem>>, vector<16xf32>,
        %sub3A_1070 = arith.subf %get3A_1065, %gather3A : vector<16xf32>
        %sub3A_1071 = arith.subf %get3A_1067, %gather3A_107 : vector<16xf32>
        %sub3A_1072 = arith.subf %get3A_1069, %gather3A_108 : vector<16xf32>
        %mul3A_1073 = arith.mulf %sub3A_1070, %sub3A_1070 : vector<16xf32>
        %mul3A_1074 = arith.mulf %sub3A_1071, %sub3A_1071 : vector<16xf32>
        %add3A_1075 = arith.addf %mul3A_1073, %mul3A_1074 : vector<16xf32>
        %mul3A_1076 = arith.mulf %sub3A_1072, %sub3A_1072 : vector<16xf32>
        %add3A_1077 = arith.addf %add3A_1075, %mul3A_1076 : vector<16xf32>
        %le3A_1078 = arith.constant 0.160000011 : f32
        %le3A_1079 = vector.broadcast %le3A_1078 : f32 to vector<16xf32>
        %le3A_1080 = arith.cmpf ole, %add3A_1077, %le3A_1079 : vector<16xf32>
        %jit3A_1081 = arith.constant 1 : i32
        %jit3A_1082 = arith.constant 0 : i32
        %broadcast_in_dim3A_1083 = vector.broadcast %jit3A_1081 : i32 to vector<16xi32>
        %broadcast_in_dim3A_1084 = vector.broadcast %jit3A_1082 : i32 to vector<16xi32>
        %select_n3A_1085 = arith.select %le3A_1017, %broadcast_in_dim3A_1083, %broadcast_in_dim3A_1084 : vector<16xi1>, vector<16xi32>
        %broadcast_in_dim3A_1086 = arith.constant true
        %broadcast_in_dim3A_1087 = vector.broadcast %broadcast_in_dim3A_1086 : i1 to vector<16xi1>
        %masked_cumsum3A = tpu.scan <sum>, %select_n3A_1085 masked %broadcast_in_dim3A_1087 : vector<16xi32>, vector<16xi1> -> vector<16xi32>
        %mul3A_1088 = arith.constant 64 : i32
        %mul3A_1089 = arith.muli %scan3A_996, %mul3A_1088 : i32
        %add3A_1090 = arith.constant 0 : i32
        %add3A_1091 = arith.addi %mul3A_1089, %add3A_1090 : i32
        %add3A_1092 = vector.broadcast %add3A_1091 : i32 to vector<16xi32>
        %add3A_1093 = arith.addi %iota3A, %add3A_1092 : vector<16xi32>
        %add3A_1094 = arith.addi %scan3A_997, %masked_cumsum3A : vector<16xi32>
        %sub3A_1095 = arith.constant 1 : i32
        %sub3A_1096 = vector.broadcast %sub3A_1095 : i32 to vector<16xi32>
        %sub3A_1097 = arith.subi %add3A_1094, %sub3A_1096 : vector<16xi32>
        tpu.vector_store_idx %arg20[%sub3A_1097], %add3A_1093 masked %le3A_1017 : memref<80xi32, #tpu.memory_space<vmem>>[vector<16xi32>], vector<16xi32>, vector<16xi1>
        %all_reduce_population_count3A = tpu.all_reduce %le3A_1017 {dim = 0 : i64, kind = #tpu.reduction_kind<sum>} : vector<16xi1> -> vector<16xi32>
        %add3A_1098 = arith.addi %scan3A_997, %all_reduce_population_count3A : vector<16xi32>
        %min3A = arith.constant 64 : i32
        %min3A_1099 = vector.broadcast %min3A : i32 to vector<16xi32>
        %min3A_1100 = arith.minsi %add3A_1098, %min3A_1099 : vector<16xi32>
        %jit3A_1101 = arith.constant 1 : i32
        %jit3A_1102 = arith.constant 0 : i32
        %broadcast_in_dim3A_1103 = vector.broadcast %jit3A_1101 : i32 to vector<16xi32>
        %broadcast_in_dim3A_1104 = vector.broadcast %jit3A_1102 : i32 to vector<16xi32>
        %select_n3A_1105 = arith.select %le3A_1038, %broadcast_in_dim3A_1103, %broadcast_in_dim3A_1104 : vector<16xi1>, vector<16xi32>
        %broadcast_in_dim3A_1106 = arith.constant true
        %broadcast_in_dim3A_1107 = vector.broadcast %broadcast_in_dim3A_1106 : i1 to vector<16xi1>
        %masked_cumsum3A_1108 = tpu.scan <sum>, %select_n3A_1105 masked %broadcast_in_dim3A_1107 : vector<16xi32>, vector<16xi1> -> vector<16xi32>
        %mul3A_1109 = arith.constant 64 : i32
        %mul3A_1110 = arith.muli %scan3A_996, %mul3A_1109 : i32
        %add3A_1111 = arith.constant 16 : i32
        %add3A_1112 = arith.addi %mul3A_1110, %add3A_1111 : i32
        %add3A_1113 = vector.broadcast %add3A_1112 : i32 to vector<16xi32>
        %add3A_1114 = arith.addi %iota3A, %add3A_1113 : vector<16xi32>
        %add3A_1115 = arith.addi %min3A_1100, %masked_cumsum3A_1108 : vector<16xi32>
        %sub3A_1116 = arith.constant 1 : i32
        %sub3A_1117 = vector.broadcast %sub3A_1116 : i32 to vector<16xi32>
        %sub3A_1118 = arith.subi %add3A_1115, %sub3A_1117 : vector<16xi32>
        tpu.vector_store_idx %arg20[%sub3A_1118], %add3A_1114 masked %le3A_1038 : memref<80xi32, #tpu.memory_space<vmem>>[vector<16xi32>], vector<16xi32>, vector<16xi1>
        %all_reduce_population_count3A_1119 = tpu.all_reduce %le3A_1038 {dim = 0 : i64, kind = #tpu.reduction_kind<sum>} : vector<16xi1> -> vector<16xi32>
        %add3A_1120 = arith.addi %min3A_1100, %all_reduce_population_count3A_1119 : vector<16xi32>
        %min3A_1121 = arith.constant 64 : i32
        %min3A_1122 = vector.broadcast %min3A_1121 : i32 to vector<16xi32>
        %min3A_1123 = arith.minsi %add3A_1120, %min3A_1122 : vector<16xi32>
        %jit3A_1124 = arith.constant 1 : i32
        %jit3A_1125 = arith.constant 0 : i32
        %broadcast_in_dim3A_1126 = vector.broadcast %jit3A_1124 : i32 to vector<16xi32>
        %broadcast_in_dim3A_1127 = vector.broadcast %jit3A_1125 : i32 to vector<16xi32>
        %select_n3A_1128 = arith.select %le3A_1059, %broadcast_in_dim3A_1126, %broadcast_in_dim3A_1127 : vector<16xi1>, vector<16xi32>
        %broadcast_in_dim3A_1129 = arith.constant true
        %broadcast_in_dim3A_1130 = vector.broadcast %broadcast_in_dim3A_1129 : i1 to vector<16xi1>
        %masked_cumsum3A_1131 = tpu.scan <sum>, %select_n3A_1128 masked %broadcast_in_dim3A_1130 : vector<16xi32>, vector<16xi1> -> vector<16xi32>
        %mul3A_1132 = arith.constant 64 : i32
        %mul3A_1133 = arith.muli %scan3A_996, %mul3A_1132 : i32
        %add3A_1134 = arith.constant 32 : i32
        %add3A_1135 = arith.addi %mul3A_1133, %add3A_1134 : i32
        %add3A_1136 = vector.broadcast %add3A_1135 : i32 to vector<16xi32>
        %add3A_1137 = arith.addi %iota3A, %add3A_1136 : vector<16xi32>
        %add3A_1138 = arith.addi %min3A_1123, %masked_cumsum3A_1131 : vector<16xi32>
        %sub3A_1139 = arith.constant 1 : i32
        %sub3A_1140 = vector.broadcast %sub3A_1139 : i32 to vector<16xi32>
        %sub3A_1141 = arith.subi %add3A_1138, %sub3A_1140 : vector<16xi32>
        tpu.vector_store_idx %arg20[%sub3A_1141], %add3A_1137 masked %le3A_1059 : memref<80xi32, #tpu.memory_space<vmem>>[vector<16xi32>], vector<16xi32>, vector<16xi1>
        %all_reduce_population_count3A_1142 = tpu.all_reduce %le3A_1059 {dim = 0 : i64, kind = #tpu.reduction_kind<sum>} : vector<16xi1> -> vector<16xi32>
        %add3A_1143 = arith.addi %min3A_1123, %all_reduce_population_count3A_1142 : vector<16xi32>
        %min3A_1144 = arith.constant 64 : i32
        %min3A_1145 = vector.broadcast %min3A_1144 : i32 to vector<16xi32>
        %min3A_1146 = arith.minsi %add3A_1143, %min3A_1145 : vector<16xi32>
        %jit3A_1147 = arith.constant 1 : i32
        %jit3A_1148 = arith.constant 0 : i32
        %broadcast_in_dim3A_1149 = vector.broadcast %jit3A_1147 : i32 to vector<16xi32>
        %broadcast_in_dim3A_1150 = vector.broadcast %jit3A_1148 : i32 to vector<16xi32>
        %select_n3A_1151 = arith.select %le3A_1080, %broadcast_in_dim3A_1149, %broadcast_in_dim3A_1150 : vector<16xi1>, vector<16xi32>
        %broadcast_in_dim3A_1152 = arith.constant true
        %broadcast_in_dim3A_1153 = vector.broadcast %broadcast_in_dim3A_1152 : i1 to vector<16xi1>
        %masked_cumsum3A_1154 = tpu.scan <sum>, %select_n3A_1151 masked %broadcast_in_dim3A_1153 : vector<16xi32>, vector<16xi1> -> vector<16xi32>
        %mul3A_1155 = arith.constant 64 : i32
        %mul3A_1156 = arith.muli %scan3A_996, %mul3A_1155 : i32
        %add3A_1157 = arith.constant 48 : i32
        %add3A_1158 = arith.addi %mul3A_1156, %add3A_1157 : i32
        %add3A_1159 = vector.broadcast %add3A_1158 : i32 to vector<16xi32>
        %add3A_1160 = arith.addi %iota3A, %add3A_1159 : vector<16xi32>
        %add3A_1161 = arith.addi %min3A_1146, %masked_cumsum3A_1154 : vector<16xi32>
        %sub3A_1162 = arith.constant 1 : i32
        %sub3A_1163 = vector.broadcast %sub3A_1162 : i32 to vector<16xi32>
        %sub3A_1164 = arith.subi %add3A_1161, %sub3A_1163 : vector<16xi32>
        tpu.vector_store_idx %arg20[%sub3A_1164], %add3A_1160 masked %le3A_1080 : memref<80xi32, #tpu.memory_space<vmem>>[vector<16xi32>], vector<16xi32>, vector<16xi1>
        %all_reduce_population_count3A_1165 = tpu.all_reduce %le3A_1080 {dim = 0 : i64, kind = #tpu.reduction_kind<sum>} : vector<16xi1> -> vector<16xi32>
        %add3A_1166 = arith.addi %min3A_1146, %all_reduce_population_count3A_1165 : vector<16xi32>
        %min3A_1167 = arith.constant 64 : i32
        %min3A_1168 = vector.broadcast %min3A_1167 : i32 to vector<16xi32>
        %min3A_1169 = arith.minsi %add3A_1166, %min3A_1168 : vector<16xi32>
        scf.yield %min3A_1169 : vector<16xi32>
      }
      %scan3A_114 = arith.constant 32 : i32
      %add3A_115 = arith.constant 0 : i32
      %add3A_116 = vector.broadcast %add3A_115 : i32 to vector<16xi32>
      %add3A_117 = arith.addi %iota3A, %add3A_116 : vector<16xi32>
      %lt3A = arith.cmpi slt, %add3A_117, %scan3A_113 : vector<16xi32>
      %get3A = arith.constant 0 : index
      %get3A_118 = tpu.vector_load %arg20[%get3A] {strides = array<i32>} : memref<80xi32, #tpu.memory_space<vmem>>, vector<16xi32>,
      %jit3A_119 = arith.constant 0 : i32
      %broadcast_in_dim3A_120 = vector.broadcast %jit3A_119 : i32 to vector<16xi32>
      %select_n3A_121 = arith.select %lt3A, %get3A_118, %broadcast_in_dim3A_120 : vector<16xi1>, vector<16xi32>
      %gather3A_122 = tpu.vector_load_idx %arg14[%select_n3A_121] : memref<2048xf32, #tpu.memory_space<vmem>>[vector<16xi32>], vector<16xf32>,
      %sub3A_123 = arith.subf %gather3A_122, %gather3A : vector<16xf32>
      %gather3A_124 = tpu.vector_load_idx %arg15[%select_n3A_121] : memref<2048xf32, #tpu.memory_space<vmem>>[vector<16xi32>], vector<16xf32>,
      %sub3A_125 = arith.subf %gather3A_124, %gather3A_107 : vector<16xf32>
      %gather3A_126 = tpu.vector_load_idx %arg16[%select_n3A_121] : memref<2048xf32, #tpu.memory_space<vmem>>[vector<16xi32>], vector<16xf32>,
      %sub3A_127 = arith.subf %gather3A_126, %gather3A_108 : vector<16xf32>
      %mul3A_128 = arith.constant 64 : i32
      %mul3A_129 = arith.muli %add3A_104, %mul3A_128 : i32
      %add3A_130 = arith.constant 0 : i32
      %add3A_131 = arith.addi %mul3A_129, %add3A_130 : i32
      %swap3A = arith.index_cast %add3A_131 : i32 to index
      %swap3A_132 = tpu.vector_load %arg22[%swap3A] {strides = array<i32>} : memref<4096xf32, #tpu.memory_space<vmem>>, vector<16xf32>,
      tpu.vector_store %arg22[%swap3A], %sub3A_123 {strides = array<i32>} : memref<4096xf32, #tpu.memory_space<vmem>>, vector<16xf32>,
      %swap3A_133 = arith.index_cast %add3A_131 : i32 to index
      %swap3A_134 = tpu.vector_load %arg23[%swap3A_133] {strides = array<i32>} : memref<4096xf32, #tpu.memory_space<vmem>>, vector<16xf32>,
      tpu.vector_store %arg23[%swap3A_133], %sub3A_125 {strides = array<i32>} : memref<4096xf32, #tpu.memory_space<vmem>>, vector<16xf32>,
      %swap3A_135 = arith.index_cast %add3A_131 : i32 to index
      %swap3A_136 = tpu.vector_load %arg24[%swap3A_135] {strides = array<i32>} : memref<4096xf32, #tpu.memory_space<vmem>>, vector<16xf32>,
      tpu.vector_store %arg24[%swap3A_135], %sub3A_127 {strides = array<i32>} : memref<4096xf32, #tpu.memory_space<vmem>>, vector<16xf32>,
      %jit3A_137 = arith.constant 1.000000e+00 : f32
      %jit3A_138 = arith.constant 0.000000e+00 : f32
      %broadcast_in_dim3A_139 = vector.broadcast %jit3A_137 : f32 to vector<16xf32>
      %broadcast_in_dim3A_140 = vector.broadcast %jit3A_138 : f32 to vector<16xf32>
      %select_n3A_141 = arith.select %lt3A, %broadcast_in_dim3A_139, %broadcast_in_dim3A_140 : vector<16xi1>, vector<16xf32>
      %swap3A_142 = arith.index_cast %add3A_131 : i32 to index
      %swap3A_143 = tpu.vector_load %arg25[%swap3A_142] {strides = array<i32>} : memref<4096xf32, #tpu.memory_space<vmem>>, vector<16xf32>,
      tpu.vector_store %arg25[%swap3A_142], %select_n3A_141 {strides = array<i32>} : memref<4096xf32, #tpu.memory_space<vmem>>, vector<16xf32>,
      %add3A_144 = vector.broadcast %mul3A_18 : i32 to vector<16xi32>
      %add3A_145 = arith.addi %select_n3A_121, %add3A_144 : vector<16xi32>
      %swap3A_146 = arith.constant 0 : i32
      %swap3A_147 = arith.constant 0 : i32
      %swap3A_148 = tpu.memref_slice %arg21[%swap3A_146, %swap3A_147] : memref<4x64xi32, #tpu.memory_space<vmem>> -> memref<1x64xi32, #tpu.memory_space<vmem>>
      %swap3A_149 = tpu.memref_squeeze %swap3A_148 : memref<1x64xi32, #tpu.memory_space<vmem>> -> memref<64xi32, #tpu.memory_space<vmem>>
      %swap3A_150 = arith.constant 0 : index
      %swap3A_151 = tpu.vector_load %swap3A_149[%swap3A_150] {strides = array<i32>} : memref<64xi32, #tpu.memory_space<vmem>>, vector<16xi32>,
      tpu.vector_store %swap3A_149[%swap3A_150], %add3A_145 {strides = array<i32>} : memref<64xi32, #tpu.memory_space<vmem>>, vector<16xi32>,
      %add3A_152 = arith.constant 16 : i32
      %add3A_153 = vector.broadcast %add3A_152 : i32 to vector<16xi32>
      %add3A_154 = arith.addi %iota3A, %add3A_153 : vector<16xi32>
      %lt3A_155 = arith.cmpi slt, %add3A_154, %scan3A_113 : vector<16xi32>
      %get3A_156 = arith.constant 16 : index
      %get3A_157 = tpu.vector_load %arg20[%get3A_156] {strides = array<i32>} : memref<80xi32, #tpu.memory_space<vmem>>, vector<16xi32>,
      %jit3A_158 = arith.constant 0 : i32
      %broadcast_in_dim3A_159 = vector.broadcast %jit3A_158 : i32 to vector<16xi32>
      %select_n3A_160 = arith.select %lt3A_155, %get3A_157, %broadcast_in_dim3A_159 : vector<16xi1>, vector<16xi32>
      %gather3A_161 = tpu.vector_load_idx %arg14[%select_n3A_160] : memref<2048xf32, #tpu.memory_space<vmem>>[vector<16xi32>], vector<16xf32>,
      %sub3A_162 = arith.subf %gather3A_161, %gather3A : vector<16xf32>
      %gather3A_163 = tpu.vector_load_idx %arg15[%select_n3A_160] : memref<2048xf32, #tpu.memory_space<vmem>>[vector<16xi32>], vector<16xf32>,
      %sub3A_164 = arith.subf %gather3A_163, %gather3A_107 : vector<16xf32>
      %gather3A_165 = tpu.vector_load_idx %arg16[%select_n3A_160] : memref<2048xf32, #tpu.memory_space<vmem>>[vector<16xi32>], vector<16xf32>,
      %sub3A_166 = arith.subf %gather3A_165, %gather3A_108 : vector<16xf32>
      %mul3A_167 = arith.constant 64 : i32
      %mul3A_168 = arith.muli %add3A_104, %mul3A_167 : i32
      %add3A_169 = arith.constant 16 : i32
      %add3A_170 = arith.addi %mul3A_168, %add3A_169 : i32
      %swap3A_171 = arith.index_cast %add3A_170 : i32 to index
      %swap3A_172 = tpu.vector_load %arg22[%swap3A_171] {strides = array<i32>} : memref<4096xf32, #tpu.memory_space<vmem>>, vector<16xf32>,
      tpu.vector_store %arg22[%swap3A_171], %sub3A_162 {strides = array<i32>} : memref<4096xf32, #tpu.memory_space<vmem>>, vector<16xf32>,
      %swap3A_173 = arith.index_cast %add3A_170 : i32 to index
      %swap3A_174 = tpu.vector_load %arg23[%swap3A_173] {strides = array<i32>} : memref<4096xf32, #tpu.memory_space<vmem>>, vector<16xf32>,
      tpu.vector_store %arg23[%swap3A_173], %sub3A_164 {strides = array<i32>} : memref<4096xf32, #tpu.memory_space<vmem>>, vector<16xf32>,
      %swap3A_175 = arith.index_cast %add3A_170 : i32 to index
      %swap3A_176 = tpu.vector_load %arg24[%swap3A_175] {strides = array<i32>} : memref<4096xf32, #tpu.memory_space<vmem>>, vector<16xf32>,
      tpu.vector_store %arg24[%swap3A_175], %sub3A_166 {strides = array<i32>} : memref<4096xf32, #tpu.memory_space<vmem>>, vector<16xf32>,
      %jit3A_177 = arith.constant 1.000000e+00 : f32
      %jit3A_178 = arith.constant 0.000000e+00 : f32
      %broadcast_in_dim3A_179 = vector.broadcast %jit3A_177 : f32 to vector<16xf32>
      %broadcast_in_dim3A_180 = vector.broadcast %jit3A_178 : f32 to vector<16xf32>
      %select_n3A_181 = arith.select %lt3A_155, %broadcast_in_dim3A_179, %broadcast_in_dim3A_180 : vector<16xi1>, vector<16xf32>
      %swap3A_182 = arith.index_cast %add3A_170 : i32 to index
      %swap3A_183 = tpu.vector_load %arg25[%swap3A_182] {strides = array<i32>} : memref<4096xf32, #tpu.memory_space<vmem>>, vector<16xf32>,
      tpu.vector_store %arg25[%swap3A_182], %select_n3A_181 {strides = array<i32>} : memref<4096xf32, #tpu.memory_space<vmem>>, vector<16xf32>,
      %add3A_184 = vector.broadcast %mul3A_18 : i32 to vector<16xi32>
      %add3A_185 = arith.addi %select_n3A_160, %add3A_184 : vector<16xi32>
      %swap3A_186 = arith.constant 0 : i32
      %swap3A_187 = arith.constant 0 : i32
      %swap3A_188 = tpu.memref_slice %arg21[%swap3A_186, %swap3A_187] : memref<4x64xi32, #tpu.memory_space<vmem>> -> memref<1x64xi32, #tpu.memory_space<vmem>>
      %swap3A_189 = tpu.memref_squeeze %swap3A_188 : memref<1x64xi32, #tpu.memory_space<vmem>> -> memref<64xi32, #tpu.memory_space<vmem>>
      %swap3A_190 = arith.constant 16 : index
      %swap3A_191 = tpu.vector_load %swap3A_189[%swap3A_190] {strides = array<i32>} : memref<64xi32, #tpu.memory_space<vmem>>, vector<16xi32>,
      tpu.vector_store %swap3A_189[%swap3A_190], %add3A_185 {strides = array<i32>} : memref<64xi32, #tpu.memory_space<vmem>>, vector<16xi32>,
      %add3A_192 = arith.constant 32 : i32
      %add3A_193 = vector.broadcast %add3A_192 : i32 to vector<16xi32>
      %add3A_194 = arith.addi %iota3A, %add3A_193 : vector<16xi32>
      %lt3A_195 = arith.cmpi slt, %add3A_194, %scan3A_113 : vector<16xi32>
      %get3A_196 = arith.constant 32 : index
      %get3A_197 = tpu.vector_load %arg20[%get3A_196] {strides = array<i32>} : memref<80xi32, #tpu.memory_space<vmem>>, vector<16xi32>,
      %jit3A_198 = arith.constant 0 : i32
      %broadcast_in_dim3A_199 = vector.broadcast %jit3A_198 : i32 to vector<16xi32>
      %select_n3A_200 = arith.select %lt3A_195, %get3A_197, %broadcast_in_dim3A_199 : vector<16xi1>, vector<16xi32>
      %gather3A_201 = tpu.vector_load_idx %arg14[%select_n3A_200] : memref<2048xf32, #tpu.memory_space<vmem>>[vector<16xi32>], vector<16xf32>,
      %sub3A_202 = arith.subf %gather3A_201, %gather3A : vector<16xf32>
      %gather3A_203 = tpu.vector_load_idx %arg15[%select_n3A_200] : memref<2048xf32, #tpu.memory_space<vmem>>[vector<16xi32>], vector<16xf32>,
      %sub3A_204 = arith.subf %gather3A_203, %gather3A_107 : vector<16xf32>
      %gather3A_205 = tpu.vector_load_idx %arg16[%select_n3A_200] : memref<2048xf32, #tpu.memory_space<vmem>>[vector<16xi32>], vector<16xf32>,
      %sub3A_206 = arith.subf %gather3A_205, %gather3A_108 : vector<16xf32>
      %mul3A_207 = arith.constant 64 : i32
      %mul3A_208 = arith.muli %add3A_104, %mul3A_207 : i32
      %add3A_209 = arith.constant 32 : i32
      %add3A_210 = arith.addi %mul3A_208, %add3A_209 : i32
      %swap3A_211 = arith.index_cast %add3A_210 : i32 to index
      %swap3A_212 = tpu.vector_load %arg22[%swap3A_211] {strides = array<i32>} : memref<4096xf32, #tpu.memory_space<vmem>>, vector<16xf32>,
      tpu.vector_store %arg22[%swap3A_211], %sub3A_202 {strides = array<i32>} : memref<4096xf32, #tpu.memory_space<vmem>>, vector<16xf32>,
      %swap3A_213 = arith.index_cast %add3A_210 : i32 to index
      %swap3A_214 = tpu.vector_load %arg23[%swap3A_213] {strides = array<i32>} : memref<4096xf32, #tpu.memory_space<vmem>>, vector<16xf32>,
      tpu.vector_store %arg23[%swap3A_213], %sub3A_204 {strides = array<i32>} : memref<4096xf32, #tpu.memory_space<vmem>>, vector<16xf32>,
      %swap3A_215 = arith.index_cast %add3A_210 : i32 to index
      %swap3A_216 = tpu.vector_load %arg24[%swap3A_215] {strides = array<i32>} : memref<4096xf32, #tpu.memory_space<vmem>>, vector<16xf32>,
      tpu.vector_store %arg24[%swap3A_215], %sub3A_206 {strides = array<i32>} : memref<4096xf32, #tpu.memory_space<vmem>>, vector<16xf32>,
      %jit3A_217 = arith.constant 1.000000e+00 : f32
      %jit3A_218 = arith.constant 0.000000e+00 : f32
      %broadcast_in_dim3A_219 = vector.broadcast %jit3A_217 : f32 to vector<16xf32>
      %broadcast_in_dim3A_220 = vector.broadcast %jit3A_218 : f32 to vector<16xf32>
      %select_n3A_221 = arith.select %lt3A_195, %broadcast_in_dim3A_219, %broadcast_in_dim3A_220 : vector<16xi1>, vector<16xf32>
      %swap3A_222 = arith.index_cast %add3A_210 : i32 to index
      %swap3A_223 = tpu.vector_load %arg25[%swap3A_222] {strides = array<i32>} : memref<4096xf32, #tpu.memory_space<vmem>>, vector<16xf32>,
      tpu.vector_store %arg25[%swap3A_222], %select_n3A_221 {strides = array<i32>} : memref<4096xf32, #tpu.memory_space<vmem>>, vector<16xf32>,
      %add3A_224 = vector.broadcast %mul3A_18 : i32 to vector<16xi32>
      %add3A_225 = arith.addi %select_n3A_200, %add3A_224 : vector<16xi32>
      %swap3A_226 = arith.constant 0 : i32
      %swap3A_227 = arith.constant 0 : i32
      %swap3A_228 = tpu.memref_slice %arg21[%swap3A_226, %swap3A_227] : memref<4x64xi32, #tpu.memory_space<vmem>> -> memref<1x64xi32, #tpu.memory_space<vmem>>
      %swap3A_229 = tpu.memref_squeeze %swap3A_228 : memref<1x64xi32, #tpu.memory_space<vmem>> -> memref<64xi32, #tpu.memory_space<vmem>>
      %swap3A_230 = arith.constant 32 : index
      %swap3A_231 = tpu.vector_load %swap3A_229[%swap3A_230] {strides = array<i32>} : memref<64xi32, #tpu.memory_space<vmem>>, vector<16xi32>,
      tpu.vector_store %swap3A_229[%swap3A_230], %add3A_225 {strides = array<i32>} : memref<64xi32, #tpu.memory_space<vmem>>, vector<16xi32>,
      %add3A_232 = arith.constant 48 : i32
      %add3A_233 = vector.broadcast %add3A_232 : i32 to vector<16xi32>
      %add3A_234 = arith.addi %iota3A, %add3A_233 : vector<16xi32>
      %lt3A_235 = arith.cmpi slt, %add3A_234, %scan3A_113 : vector<16xi32>
      %get3A_236 = arith.constant 48 : index
      %get3A_237 = tpu.vector_load %arg20[%get3A_236] {strides = array<i32>} : memref<80xi32, #tpu.memory_space<vmem>>, vector<16xi32>,
      %jit3A_238 = arith.constant 0 : i32
      %broadcast_in_dim3A_239 = vector.broadcast %jit3A_238 : i32 to vector<16xi32>
      %select_n3A_240 = arith.select %lt3A_235, %get3A_237, %broadcast_in_dim3A_239 : vector<16xi1>, vector<16xi32>
      %gather3A_241 = tpu.vector_load_idx %arg14[%select_n3A_240] : memref<2048xf32, #tpu.memory_space<vmem>>[vector<16xi32>], vector<16xf32>,
      %sub3A_242 = arith.subf %gather3A_241, %gather3A : vector<16xf32>
      %gather3A_243 = tpu.vector_load_idx %arg15[%select_n3A_240] : memref<2048xf32, #tpu.memory_space<vmem>>[vector<16xi32>], vector<16xf32>,
      %sub3A_244 = arith.subf %gather3A_243, %gather3A_107 : vector<16xf32>
      %gather3A_245 = tpu.vector_load_idx %arg16[%select_n3A_240] : memref<2048xf32, #tpu.memory_space<vmem>>[vector<16xi32>], vector<16xf32>,
      %sub3A_246 = arith.subf %gather3A_245, %gather3A_108 : vector<16xf32>
      %mul3A_247 = arith.constant 64 : i32
      %mul3A_248 = arith.muli %add3A_104, %mul3A_247 : i32
      %add3A_249 = arith.constant 48 : i32
      %add3A_250 = arith.addi %mul3A_248, %add3A_249 : i32
      %swap3A_251 = arith.index_cast %add3A_250 : i32 to index
      %swap3A_252 = tpu.vector_load %arg22[%swap3A_251] {strides = array<i32>} : memref<4096xf32, #tpu.memory_space<vmem>>, vector<16xf32>,
      tpu.vector_store %arg22[%swap3A_251], %sub3A_242 {strides = array<i32>} : memref<4096xf32, #tpu.memory_space<vmem>>, vector<16xf32>,
      %swap3A_253 = arith.index_cast %add3A_250 : i32 to index
      %swap3A_254 = tpu.vector_load %arg23[%swap3A_253] {strides = array<i32>} : memref<4096xf32, #tpu.memory_space<vmem>>, vector<16xf32>,
      tpu.vector_store %arg23[%swap3A_253], %sub3A_244 {strides = array<i32>} : memref<4096xf32, #tpu.memory_space<vmem>>, vector<16xf32>,
      %swap3A_255 = arith.index_cast %add3A_250 : i32 to index
      %swap3A_256 = tpu.vector_load %arg24[%swap3A_255] {strides = array<i32>} : memref<4096xf32, #tpu.memory_space<vmem>>, vector<16xf32>,
      tpu.vector_store %arg24[%swap3A_255], %sub3A_246 {strides = array<i32>} : memref<4096xf32, #tpu.memory_space<vmem>>, vector<16xf32>,
      %jit3A_257 = arith.constant 1.000000e+00 : f32
      %jit3A_258 = arith.constant 0.000000e+00 : f32
      %broadcast_in_dim3A_259 = vector.broadcast %jit3A_257 : f32 to vector<16xf32>
      %broadcast_in_dim3A_260 = vector.broadcast %jit3A_258 : f32 to vector<16xf32>
      %select_n3A_261 = arith.select %lt3A_235, %broadcast_in_dim3A_259, %broadcast_in_dim3A_260 : vector<16xi1>, vector<16xf32>
      %swap3A_262 = arith.index_cast %add3A_250 : i32 to index
      %swap3A_263 = tpu.vector_load %arg25[%swap3A_262] {strides = array<i32>} : memref<4096xf32, #tpu.memory_space<vmem>>, vector<16xf32>,
      tpu.vector_store %arg25[%swap3A_262], %select_n3A_261 {strides = array<i32>} : memref<4096xf32, #tpu.memory_space<vmem>>, vector<16xf32>,
      %add3A_264 = vector.broadcast %mul3A_18 : i32 to vector<16xi32>
      %add3A_265 = arith.addi %select_n3A_240, %add3A_264 : vector<16xi32>
      %swap3A_266 = arith.constant 0 : i32
      %swap3A_267 = arith.constant 0 : i32
      %swap3A_268 = tpu.memref_slice %arg21[%swap3A_266, %swap3A_267] : memref<4x64xi32, #tpu.memory_space<vmem>> -> memref<1x64xi32, #tpu.memory_space<vmem>>
      %swap3A_269 = tpu.memref_squeeze %swap3A_268 : memref<1x64xi32, #tpu.memory_space<vmem>> -> memref<64xi32, #tpu.memory_space<vmem>>
      %swap3A_270 = arith.constant 48 : index
      %swap3A_271 = tpu.vector_load %swap3A_269[%swap3A_270] {strides = array<i32>} : memref<64xi32, #tpu.memory_space<vmem>>, vector<16xi32>,
      tpu.vector_store %swap3A_269[%swap3A_270], %add3A_265 {strides = array<i32>} : memref<64xi32, #tpu.memory_space<vmem>>, vector<16xi32>,
      %add3A_272 = arith.constant 1 : i32
      %add3A_273 = arith.addi %mul3A_102, %add3A_272 : i32
      %add3A_274 = vector.broadcast %add3A_273 : i32 to vector<16xi32>
      %add3A_275 = arith.addi %broadcast_in_dim3A_23, %add3A_274 : vector<16xi32>
      %gather3A_276 = tpu.vector_load_idx %arg17[%add3A_275] : memref<64xf32, #tpu.memory_space<vmem>>[vector<16xi32>], vector<16xf32>,
      %gather3A_277 = tpu.vector_load_idx %arg18[%add3A_275] : memref<64xf32, #tpu.memory_space<vmem>>[vector<16xi32>], vector<16xf32>,
      %gather3A_278 = tpu.vector_load_idx %arg19[%add3A_275] : memref<64xf32, #tpu.memory_space<vmem>>[vector<16xi32>], vector<16xf32>,
      %scan3A_279 = arith.constant 0 : i32
      %scan3A_280 = arith.constant 32 : i32
      %scan3A_281 = arith.addi %scan3A_279, %scan3A_280 : i32
      %scan3A_282 = arith.constant 1 : i32
      %scan3A_283 = scf.for %scan3A_996 = %scan3A_279 to %scan3A_281 step %scan3A_282 iter_args(%scan3A_997 = %broadcast_in_dim3A_23) -> (vector<16xi32>)  : i32 {
        %mul3A_998 = arith.constant 64 : i32
        %mul3A_999 = arith.muli %scan3A_996, %mul3A_998 : i32
        %add3A_1000 = arith.constant 0 : i32
        %add3A_1001 = arith.addi %mul3A_999, %add3A_1000 : i32
        %get3A_1002 = arith.index_cast %add3A_1001 : i32 to index
        %get3A_1003 = tpu.vector_load %arg14[%get3A_1002] {strides = array<i32>} : memref<2048xf32, #tpu.memory_space<vmem>>, vector<16xf32>,
        %get3A_1004 = arith.index_cast %add3A_1001 : i32 to index
        %get3A_1005 = tpu.vector_load %arg15[%get3A_1004] {strides = array<i32>} : memref<2048xf32, #tpu.memory_space<vmem>>, vector<16xf32>,
        %get3A_1006 = arith.index_cast %add3A_1001 : i32 to index
        %get3A_1007 = tpu.vector_load %arg16[%get3A_1006] {strides = array<i32>} : memref<2048xf32, #tpu.memory_space<vmem>>, vector<16xf32>,
        %sub3A_1008 = arith.subf %get3A_1003, %gather3A_276 : vector<16xf32>
        %sub3A_1009 = arith.subf %get3A_1005, %gather3A_277 : vector<16xf32>
        %sub3A_1010 = arith.subf %get3A_1007, %gather3A_278 : vector<16xf32>
        %mul3A_1011 = arith.mulf %sub3A_1008, %sub3A_1008 : vector<16xf32>
        %mul3A_1012 = arith.mulf %sub3A_1009, %sub3A_1009 : vector<16xf32>
        %add3A_1013 = arith.addf %mul3A_1011, %mul3A_1012 : vector<16xf32>
        %mul3A_1014 = arith.mulf %sub3A_1010, %sub3A_1010 : vector<16xf32>
        %add3A_1015 = arith.addf %add3A_1013, %mul3A_1014 : vector<16xf32>
        %le3A = arith.constant 0.160000011 : f32
        %le3A_1016 = vector.broadcast %le3A : f32 to vector<16xf32>
        %le3A_1017 = arith.cmpf ole, %add3A_1015, %le3A_1016 : vector<16xf32>
        %mul3A_1018 = arith.constant 64 : i32
        %mul3A_1019 = arith.muli %scan3A_996, %mul3A_1018 : i32
        %add3A_1020 = arith.constant 16 : i32
        %add3A_1021 = arith.addi %mul3A_1019, %add3A_1020 : i32
        %get3A_1022 = arith.index_cast %add3A_1021 : i32 to index
        %get3A_1023 = tpu.vector_load %arg14[%get3A_1022] {strides = array<i32>} : memref<2048xf32, #tpu.memory_space<vmem>>, vector<16xf32>,
        %get3A_1024 = arith.index_cast %add3A_1021 : i32 to index
        %get3A_1025 = tpu.vector_load %arg15[%get3A_1024] {strides = array<i32>} : memref<2048xf32, #tpu.memory_space<vmem>>, vector<16xf32>,
        %get3A_1026 = arith.index_cast %add3A_1021 : i32 to index
        %get3A_1027 = tpu.vector_load %arg16[%get3A_1026] {strides = array<i32>} : memref<2048xf32, #tpu.memory_space<vmem>>, vector<16xf32>,
        %sub3A_1028 = arith.subf %get3A_1023, %gather3A_276 : vector<16xf32>
        %sub3A_1029 = arith.subf %get3A_1025, %gather3A_277 : vector<16xf32>
        %sub3A_1030 = arith.subf %get3A_1027, %gather3A_278 : vector<16xf32>
        %mul3A_1031 = arith.mulf %sub3A_1028, %sub3A_1028 : vector<16xf32>
        %mul3A_1032 = arith.mulf %sub3A_1029, %sub3A_1029 : vector<16xf32>
        %add3A_1033 = arith.addf %mul3A_1031, %mul3A_1032 : vector<16xf32>
        %mul3A_1034 = arith.mulf %sub3A_1030, %sub3A_1030 : vector<16xf32>
        %add3A_1035 = arith.addf %add3A_1033, %mul3A_1034 : vector<16xf32>
        %le3A_1036 = arith.constant 0.160000011 : f32
        %le3A_1037 = vector.broadcast %le3A_1036 : f32 to vector<16xf32>
        %le3A_1038 = arith.cmpf ole, %add3A_1035, %le3A_1037 : vector<16xf32>
        %mul3A_1039 = arith.constant 64 : i32
        %mul3A_1040 = arith.muli %scan3A_996, %mul3A_1039 : i32
        %add3A_1041 = arith.constant 32 : i32
        %add3A_1042 = arith.addi %mul3A_1040, %add3A_1041 : i32
        %get3A_1043 = arith.index_cast %add3A_1042 : i32 to index
        %get3A_1044 = tpu.vector_load %arg14[%get3A_1043] {strides = array<i32>} : memref<2048xf32, #tpu.memory_space<vmem>>, vector<16xf32>,
        %get3A_1045 = arith.index_cast %add3A_1042 : i32 to index
        %get3A_1046 = tpu.vector_load %arg15[%get3A_1045] {strides = array<i32>} : memref<2048xf32, #tpu.memory_space<vmem>>, vector<16xf32>,
        %get3A_1047 = arith.index_cast %add3A_1042 : i32 to index
        %get3A_1048 = tpu.vector_load %arg16[%get3A_1047] {strides = array<i32>} : memref<2048xf32, #tpu.memory_space<vmem>>, vector<16xf32>,
        %sub3A_1049 = arith.subf %get3A_1044, %gather3A_276 : vector<16xf32>
        %sub3A_1050 = arith.subf %get3A_1046, %gather3A_277 : vector<16xf32>
        %sub3A_1051 = arith.subf %get3A_1048, %gather3A_278 : vector<16xf32>
        %mul3A_1052 = arith.mulf %sub3A_1049, %sub3A_1049 : vector<16xf32>
        %mul3A_1053 = arith.mulf %sub3A_1050, %sub3A_1050 : vector<16xf32>
        %add3A_1054 = arith.addf %mul3A_1052, %mul3A_1053 : vector<16xf32>
        %mul3A_1055 = arith.mulf %sub3A_1051, %sub3A_1051 : vector<16xf32>
        %add3A_1056 = arith.addf %add3A_1054, %mul3A_1055 : vector<16xf32>
        %le3A_1057 = arith.constant 0.160000011 : f32
        %le3A_1058 = vector.broadcast %le3A_1057 : f32 to vector<16xf32>
        %le3A_1059 = arith.cmpf ole, %add3A_1056, %le3A_1058 : vector<16xf32>
        %mul3A_1060 = arith.constant 64 : i32
        %mul3A_1061 = arith.muli %scan3A_996, %mul3A_1060 : i32
        %add3A_1062 = arith.constant 48 : i32
        %add3A_1063 = arith.addi %mul3A_1061, %add3A_1062 : i32
        %get3A_1064 = arith.index_cast %add3A_1063 : i32 to index
        %get3A_1065 = tpu.vector_load %arg14[%get3A_1064] {strides = array<i32>} : memref<2048xf32, #tpu.memory_space<vmem>>, vector<16xf32>,
        %get3A_1066 = arith.index_cast %add3A_1063 : i32 to index
        %get3A_1067 = tpu.vector_load %arg15[%get3A_1066] {strides = array<i32>} : memref<2048xf32, #tpu.memory_space<vmem>>, vector<16xf32>,
        %get3A_1068 = arith.index_cast %add3A_1063 : i32 to index
        %get3A_1069 = tpu.vector_load %arg16[%get3A_1068] {strides = array<i32>} : memref<2048xf32, #tpu.memory_space<vmem>>, vector<16xf32>,
        %sub3A_1070 = arith.subf %get3A_1065, %gather3A_276 : vector<16xf32>
        %sub3A_1071 = arith.subf %get3A_1067, %gather3A_277 : vector<16xf32>
        %sub3A_1072 = arith.subf %get3A_1069, %gather3A_278 : vector<16xf32>
        %mul3A_1073 = arith.mulf %sub3A_1070, %sub3A_1070 : vector<16xf32>
        %mul3A_1074 = arith.mulf %sub3A_1071, %sub3A_1071 : vector<16xf32>
        %add3A_1075 = arith.addf %mul3A_1073, %mul3A_1074 : vector<16xf32>
        %mul3A_1076 = arith.mulf %sub3A_1072, %sub3A_1072 : vector<16xf32>
        %add3A_1077 = arith.addf %add3A_1075, %mul3A_1076 : vector<16xf32>
        %le3A_1078 = arith.constant 0.160000011 : f32
        %le3A_1079 = vector.broadcast %le3A_1078 : f32 to vector<16xf32>
        %le3A_1080 = arith.cmpf ole, %add3A_1077, %le3A_1079 : vector<16xf32>
        %jit3A_1081 = arith.constant 1 : i32
        %jit3A_1082 = arith.constant 0 : i32
        %broadcast_in_dim3A_1083 = vector.broadcast %jit3A_1081 : i32 to vector<16xi32>
        %broadcast_in_dim3A_1084 = vector.broadcast %jit3A_1082 : i32 to vector<16xi32>
        %select_n3A_1085 = arith.select %le3A_1017, %broadcast_in_dim3A_1083, %broadcast_in_dim3A_1084 : vector<16xi1>, vector<16xi32>
        %broadcast_in_dim3A_1086 = arith.constant true
        %broadcast_in_dim3A_1087 = vector.broadcast %broadcast_in_dim3A_1086 : i1 to vector<16xi1>
        %masked_cumsum3A = tpu.scan <sum>, %select_n3A_1085 masked %broadcast_in_dim3A_1087 : vector<16xi32>, vector<16xi1> -> vector<16xi32>
        %mul3A_1088 = arith.constant 64 : i32
        %mul3A_1089 = arith.muli %scan3A_996, %mul3A_1088 : i32
        %add3A_1090 = arith.constant 0 : i32
        %add3A_1091 = arith.addi %mul3A_1089, %add3A_1090 : i32
        %add3A_1092 = vector.broadcast %add3A_1091 : i32 to vector<16xi32>
        %add3A_1093 = arith.addi %iota3A, %add3A_1092 : vector<16xi32>
        %add3A_1094 = arith.addi %scan3A_997, %masked_cumsum3A : vector<16xi32>
        %sub3A_1095 = arith.constant 1 : i32
        %sub3A_1096 = vector.broadcast %sub3A_1095 : i32 to vector<16xi32>
        %sub3A_1097 = arith.subi %add3A_1094, %sub3A_1096 : vector<16xi32>
        tpu.vector_store_idx %arg20[%sub3A_1097], %add3A_1093 masked %le3A_1017 : memref<80xi32, #tpu.memory_space<vmem>>[vector<16xi32>], vector<16xi32>, vector<16xi1>
        %all_reduce_population_count3A = tpu.all_reduce %le3A_1017 {dim = 0 : i64, kind = #tpu.reduction_kind<sum>} : vector<16xi1> -> vector<16xi32>
        %add3A_1098 = arith.addi %scan3A_997, %all_reduce_population_count3A : vector<16xi32>
        %min3A = arith.constant 64 : i32
        %min3A_1099 = vector.broadcast %min3A : i32 to vector<16xi32>
        %min3A_1100 = arith.minsi %add3A_1098, %min3A_1099 : vector<16xi32>
        %jit3A_1101 = arith.constant 1 : i32
        %jit3A_1102 = arith.constant 0 : i32
        %broadcast_in_dim3A_1103 = vector.broadcast %jit3A_1101 : i32 to vector<16xi32>
        %broadcast_in_dim3A_1104 = vector.broadcast %jit3A_1102 : i32 to vector<16xi32>
        %select_n3A_1105 = arith.select %le3A_1038, %broadcast_in_dim3A_1103, %broadcast_in_dim3A_1104 : vector<16xi1>, vector<16xi32>
        %broadcast_in_dim3A_1106 = arith.constant true
        %broadcast_in_dim3A_1107 = vector.broadcast %broadcast_in_dim3A_1106 : i1 to vector<16xi1>
        %masked_cumsum3A_1108 = tpu.scan <sum>, %select_n3A_1105 masked %broadcast_in_dim3A_1107 : vector<16xi32>, vector<16xi1> -> vector<16xi32>
        %mul3A_1109 = arith.constant 64 : i32
        %mul3A_1110 = arith.muli %scan3A_996, %mul3A_1109 : i32
        %add3A_1111 = arith.constant 16 : i32
        %add3A_1112 = arith.addi %mul3A_1110, %add3A_1111 : i32
        %add3A_1113 = vector.broadcast %add3A_1112 : i32 to vector<16xi32>
        %add3A_1114 = arith.addi %iota3A, %add3A_1113 : vector<16xi32>
        %add3A_1115 = arith.addi %min3A_1100, %masked_cumsum3A_1108 : vector<16xi32>
        %sub3A_1116 = arith.constant 1 : i32
        %sub3A_1117 = vector.broadcast %sub3A_1116 : i32 to vector<16xi32>
        %sub3A_1118 = arith.subi %add3A_1115, %sub3A_1117 : vector<16xi32>
        tpu.vector_store_idx %arg20[%sub3A_1118], %add3A_1114 masked %le3A_1038 : memref<80xi32, #tpu.memory_space<vmem>>[vector<16xi32>], vector<16xi32>, vector<16xi1>
        %all_reduce_population_count3A_1119 = tpu.all_reduce %le3A_1038 {dim = 0 : i64, kind = #tpu.reduction_kind<sum>} : vector<16xi1> -> vector<16xi32>
        %add3A_1120 = arith.addi %min3A_1100, %all_reduce_population_count3A_1119 : vector<16xi32>
        %min3A_1121 = arith.constant 64 : i32
        %min3A_1122 = vector.broadcast %min3A_1121 : i32 to vector<16xi32>
        %min3A_1123 = arith.minsi %add3A_1120, %min3A_1122 : vector<16xi32>
        %jit3A_1124 = arith.constant 1 : i32
        %jit3A_1125 = arith.constant 0 : i32
        %broadcast_in_dim3A_1126 = vector.broadcast %jit3A_1124 : i32 to vector<16xi32>
        %broadcast_in_dim3A_1127 = vector.broadcast %jit3A_1125 : i32 to vector<16xi32>
        %select_n3A_1128 = arith.select %le3A_1059, %broadcast_in_dim3A_1126, %broadcast_in_dim3A_1127 : vector<16xi1>, vector<16xi32>
        %broadcast_in_dim3A_1129 = arith.constant true
        %broadcast_in_dim3A_1130 = vector.broadcast %broadcast_in_dim3A_1129 : i1 to vector<16xi1>
        %masked_cumsum3A_1131 = tpu.scan <sum>, %select_n3A_1128 masked %broadcast_in_dim3A_1130 : vector<16xi32>, vector<16xi1> -> vector<16xi32>
        %mul3A_1132 = arith.constant 64 : i32
        %mul3A_1133 = arith.muli %scan3A_996, %mul3A_1132 : i32
        %add3A_1134 = arith.constant 32 : i32
        %add3A_1135 = arith.addi %mul3A_1133, %add3A_1134 : i32
        %add3A_1136 = vector.broadcast %add3A_1135 : i32 to vector<16xi32>
        %add3A_1137 = arith.addi %iota3A, %add3A_1136 : vector<16xi32>
        %add3A_1138 = arith.addi %min3A_1123, %masked_cumsum3A_1131 : vector<16xi32>
        %sub3A_1139 = arith.constant 1 : i32
        %sub3A_1140 = vector.broadcast %sub3A_1139 : i32 to vector<16xi32>
        %sub3A_1141 = arith.subi %add3A_1138, %sub3A_1140 : vector<16xi32>
        tpu.vector_store_idx %arg20[%sub3A_1141], %add3A_1137 masked %le3A_1059 : memref<80xi32, #tpu.memory_space<vmem>>[vector<16xi32>], vector<16xi32>, vector<16xi1>
        %all_reduce_population_count3A_1142 = tpu.all_reduce %le3A_1059 {dim = 0 : i64, kind = #tpu.reduction_kind<sum>} : vector<16xi1> -> vector<16xi32>
        %add3A_1143 = arith.addi %min3A_1123, %all_reduce_population_count3A_1142 : vector<16xi32>
        %min3A_1144 = arith.constant 64 : i32
        %min3A_1145 = vector.broadcast %min3A_1144 : i32 to vector<16xi32>
        %min3A_1146 = arith.minsi %add3A_1143, %min3A_1145 : vector<16xi32>
        %jit3A_1147 = arith.constant 1 : i32
        %jit3A_1148 = arith.constant 0 : i32
        %broadcast_in_dim3A_1149 = vector.broadcast %jit3A_1147 : i32 to vector<16xi32>
        %broadcast_in_dim3A_1150 = vector.broadcast %jit3A_1148 : i32 to vector<16xi32>
        %select_n3A_1151 = arith.select %le3A_1080, %broadcast_in_dim3A_1149, %broadcast_in_dim3A_1150 : vector<16xi1>, vector<16xi32>
        %broadcast_in_dim3A_1152 = arith.constant true
        %broadcast_in_dim3A_1153 = vector.broadcast %broadcast_in_dim3A_1152 : i1 to vector<16xi1>
        %masked_cumsum3A_1154 = tpu.scan <sum>, %select_n3A_1151 masked %broadcast_in_dim3A_1153 : vector<16xi32>, vector<16xi1> -> vector<16xi32>
        %mul3A_1155 = arith.constant 64 : i32
        %mul3A_1156 = arith.muli %scan3A_996, %mul3A_1155 : i32
        %add3A_1157 = arith.constant 48 : i32
        %add3A_1158 = arith.addi %mul3A_1156, %add3A_1157 : i32
        %add3A_1159 = vector.broadcast %add3A_1158 : i32 to vector<16xi32>
        %add3A_1160 = arith.addi %iota3A, %add3A_1159 : vector<16xi32>
        %add3A_1161 = arith.addi %min3A_1146, %masked_cumsum3A_1154 : vector<16xi32>
        %sub3A_1162 = arith.constant 1 : i32
        %sub3A_1163 = vector.broadcast %sub3A_1162 : i32 to vector<16xi32>
        %sub3A_1164 = arith.subi %add3A_1161, %sub3A_1163 : vector<16xi32>
        tpu.vector_store_idx %arg20[%sub3A_1164], %add3A_1160 masked %le3A_1080 : memref<80xi32, #tpu.memory_space<vmem>>[vector<16xi32>], vector<16xi32>, vector<16xi1>
        %all_reduce_population_count3A_1165 = tpu.all_reduce %le3A_1080 {dim = 0 : i64, kind = #tpu.reduction_kind<sum>} : vector<16xi1> -> vector<16xi32>
        %add3A_1166 = arith.addi %min3A_1146, %all_reduce_population_count3A_1165 : vector<16xi32>
        %min3A_1167 = arith.constant 64 : i32
        %min3A_1168 = vector.broadcast %min3A_1167 : i32 to vector<16xi32>
        %min3A_1169 = arith.minsi %add3A_1166, %min3A_1168 : vector<16xi32>
        scf.yield %min3A_1169 : vector<16xi32>
      }
      %scan3A_284 = arith.constant 32 : i32
      %add3A_285 = arith.constant 0 : i32
      %add3A_286 = vector.broadcast %add3A_285 : i32 to vector<16xi32>
      %add3A_287 = arith.addi %iota3A, %add3A_286 : vector<16xi32>
      %lt3A_288 = arith.cmpi slt, %add3A_287, %scan3A_283 : vector<16xi32>
      %get3A_289 = arith.constant 0 : index
      %get3A_290 = tpu.vector_load %arg20[%get3A_289] {strides = array<i32>} : memref<80xi32, #tpu.memory_space<vmem>>, vector<16xi32>,
      %jit3A_291 = arith.constant 0 : i32
      %broadcast_in_dim3A_292 = vector.broadcast %jit3A_291 : i32 to vector<16xi32>
      %select_n3A_293 = arith.select %lt3A_288, %get3A_290, %broadcast_in_dim3A_292 : vector<16xi1>, vector<16xi32>
      %gather3A_294 = tpu.vector_load_idx %arg14[%select_n3A_293] : memref<2048xf32, #tpu.memory_space<vmem>>[vector<16xi32>], vector<16xf32>,
      %sub3A_295 = arith.subf %gather3A_294, %gather3A_276 : vector<16xf32>
      %gather3A_296 = tpu.vector_load_idx %arg15[%select_n3A_293] : memref<2048xf32, #tpu.memory_space<vmem>>[vector<16xi32>], vector<16xf32>,
      %sub3A_297 = arith.subf %gather3A_296, %gather3A_277 : vector<16xf32>
      %gather3A_298 = tpu.vector_load_idx %arg16[%select_n3A_293] : memref<2048xf32, #tpu.memory_space<vmem>>[vector<16xi32>], vector<16xf32>,
      %sub3A_299 = arith.subf %gather3A_298, %gather3A_278 : vector<16xf32>
      %mul3A_300 = arith.constant 64 : i32
      %mul3A_301 = arith.muli %add3A_273, %mul3A_300 : i32
      %add3A_302 = arith.constant 0 : i32
      %add3A_303 = arith.addi %mul3A_301, %add3A_302 : i32
      %swap3A_304 = arith.index_cast %add3A_303 : i32 to index
      %swap3A_305 = tpu.vector_load %arg22[%swap3A_304] {strides = array<i32>} : memref<4096xf32, #tpu.memory_space<vmem>>, vector<16xf32>,
      tpu.vector_store %arg22[%swap3A_304], %sub3A_295 {strides = array<i32>} : memref<4096xf32, #tpu.memory_space<vmem>>, vector<16xf32>,
      %swap3A_306 = arith.index_cast %add3A_303 : i32 to index
      %swap3A_307 = tpu.vector_load %arg23[%swap3A_306] {strides = array<i32>} : memref<4096xf32, #tpu.memory_space<vmem>>, vector<16xf32>,
      tpu.vector_store %arg23[%swap3A_306], %sub3A_297 {strides = array<i32>} : memref<4096xf32, #tpu.memory_space<vmem>>, vector<16xf32>,
      %swap3A_308 = arith.index_cast %add3A_303 : i32 to index
      %swap3A_309 = tpu.vector_load %arg24[%swap3A_308] {strides = array<i32>} : memref<4096xf32, #tpu.memory_space<vmem>>, vector<16xf32>,
      tpu.vector_store %arg24[%swap3A_308], %sub3A_299 {strides = array<i32>} : memref<4096xf32, #tpu.memory_space<vmem>>, vector<16xf32>,
      %jit3A_310 = arith.constant 1.000000e+00 : f32
      %jit3A_311 = arith.constant 0.000000e+00 : f32
      %broadcast_in_dim3A_312 = vector.broadcast %jit3A_310 : f32 to vector<16xf32>
      %broadcast_in_dim3A_313 = vector.broadcast %jit3A_311 : f32 to vector<16xf32>
      %select_n3A_314 = arith.select %lt3A_288, %broadcast_in_dim3A_312, %broadcast_in_dim3A_313 : vector<16xi1>, vector<16xf32>
      %swap3A_315 = arith.index_cast %add3A_303 : i32 to index
      %swap3A_316 = tpu.vector_load %arg25[%swap3A_315] {strides = array<i32>} : memref<4096xf32, #tpu.memory_space<vmem>>, vector<16xf32>,
      tpu.vector_store %arg25[%swap3A_315], %select_n3A_314 {strides = array<i32>} : memref<4096xf32, #tpu.memory_space<vmem>>, vector<16xf32>,
      %add3A_317 = vector.broadcast %mul3A_18 : i32 to vector<16xi32>
      %add3A_318 = arith.addi %select_n3A_293, %add3A_317 : vector<16xi32>
      %swap3A_319 = arith.constant 1 : i32
      %swap3A_320 = arith.constant 0 : i32
      %swap3A_321 = tpu.memref_slice %arg21[%swap3A_319, %swap3A_320] : memref<4x64xi32, #tpu.memory_space<vmem>> -> memref<1x64xi32, #tpu.memory_space<vmem>>
      %swap3A_322 = tpu.memref_squeeze %swap3A_321 : memref<1x64xi32, #tpu.memory_space<vmem>> -> memref<64xi32, #tpu.memory_space<vmem>>
      %swap3A_323 = arith.constant 0 : index
      %swap3A_324 = tpu.vector_load %swap3A_322[%swap3A_323] {strides = array<i32>} : memref<64xi32, #tpu.memory_space<vmem>>, vector<16xi32>,
      tpu.vector_store %swap3A_322[%swap3A_323], %add3A_318 {strides = array<i32>} : memref<64xi32, #tpu.memory_space<vmem>>, vector<16xi32>,
      %add3A_325 = arith.constant 16 : i32
      %add3A_326 = vector.broadcast %add3A_325 : i32 to vector<16xi32>
      %add3A_327 = arith.addi %iota3A, %add3A_326 : vector<16xi32>
      %lt3A_328 = arith.cmpi slt, %add3A_327, %scan3A_283 : vector<16xi32>
      %get3A_329 = arith.constant 16 : index
      %get3A_330 = tpu.vector_load %arg20[%get3A_329] {strides = array<i32>} : memref<80xi32, #tpu.memory_space<vmem>>, vector<16xi32>,
      %jit3A_331 = arith.constant 0 : i32
      %broadcast_in_dim3A_332 = vector.broadcast %jit3A_331 : i32 to vector<16xi32>
      %select_n3A_333 = arith.select %lt3A_328, %get3A_330, %broadcast_in_dim3A_332 : vector<16xi1>, vector<16xi32>
      %gather3A_334 = tpu.vector_load_idx %arg14[%select_n3A_333] : memref<2048xf32, #tpu.memory_space<vmem>>[vector<16xi32>], vector<16xf32>,
      %sub3A_335 = arith.subf %gather3A_334, %gather3A_276 : vector<16xf32>
      %gather3A_336 = tpu.vector_load_idx %arg15[%select_n3A_333] : memref<2048xf32, #tpu.memory_space<vmem>>[vector<16xi32>], vector<16xf32>,
      %sub3A_337 = arith.subf %gather3A_336, %gather3A_277 : vector<16xf32>
      %gather3A_338 = tpu.vector_load_idx %arg16[%select_n3A_333] : memref<2048xf32, #tpu.memory_space<vmem>>[vector<16xi32>], vector<16xf32>,
      %sub3A_339 = arith.subf %gather3A_338, %gather3A_278 : vector<16xf32>
      %mul3A_340 = arith.constant 64 : i32
      %mul3A_341 = arith.muli %add3A_273, %mul3A_340 : i32
      %add3A_342 = arith.constant 16 : i32
      %add3A_343 = arith.addi %mul3A_341, %add3A_342 : i32
      %swap3A_344 = arith.index_cast %add3A_343 : i32 to index
      %swap3A_345 = tpu.vector_load %arg22[%swap3A_344] {strides = array<i32>} : memref<4096xf32, #tpu.memory_space<vmem>>, vector<16xf32>,
      tpu.vector_store %arg22[%swap3A_344], %sub3A_335 {strides = array<i32>} : memref<4096xf32, #tpu.memory_space<vmem>>, vector<16xf32>,
      %swap3A_346 = arith.index_cast %add3A_343 : i32 to index
      %swap3A_347 = tpu.vector_load %arg23[%swap3A_346] {strides = array<i32>} : memref<4096xf32, #tpu.memory_space<vmem>>, vector<16xf32>,
      tpu.vector_store %arg23[%swap3A_346], %sub3A_337 {strides = array<i32>} : memref<4096xf32, #tpu.memory_space<vmem>>, vector<16xf32>,
      %swap3A_348 = arith.index_cast %add3A_343 : i32 to index
      %swap3A_349 = tpu.vector_load %arg24[%swap3A_348] {strides = array<i32>} : memref<4096xf32, #tpu.memory_space<vmem>>, vector<16xf32>,
      tpu.vector_store %arg24[%swap3A_348], %sub3A_339 {strides = array<i32>} : memref<4096xf32, #tpu.memory_space<vmem>>, vector<16xf32>,
      %jit3A_350 = arith.constant 1.000000e+00 : f32
      %jit3A_351 = arith.constant 0.000000e+00 : f32
      %broadcast_in_dim3A_352 = vector.broadcast %jit3A_350 : f32 to vector<16xf32>
      %broadcast_in_dim3A_353 = vector.broadcast %jit3A_351 : f32 to vector<16xf32>
      %select_n3A_354 = arith.select %lt3A_328, %broadcast_in_dim3A_352, %broadcast_in_dim3A_353 : vector<16xi1>, vector<16xf32>
      %swap3A_355 = arith.index_cast %add3A_343 : i32 to index
      %swap3A_356 = tpu.vector_load %arg25[%swap3A_355] {strides = array<i32>} : memref<4096xf32, #tpu.memory_space<vmem>>, vector<16xf32>,
      tpu.vector_store %arg25[%swap3A_355], %select_n3A_354 {strides = array<i32>} : memref<4096xf32, #tpu.memory_space<vmem>>, vector<16xf32>,
      %add3A_357 = vector.broadcast %mul3A_18 : i32 to vector<16xi32>
      %add3A_358 = arith.addi %select_n3A_333, %add3A_357 : vector<16xi32>
      %swap3A_359 = arith.constant 1 : i32
      %swap3A_360 = arith.constant 0 : i32
      %swap3A_361 = tpu.memref_slice %arg21[%swap3A_359, %swap3A_360] : memref<4x64xi32, #tpu.memory_space<vmem>> -> memref<1x64xi32, #tpu.memory_space<vmem>>
      %swap3A_362 = tpu.memref_squeeze %swap3A_361 : memref<1x64xi32, #tpu.memory_space<vmem>> -> memref<64xi32, #tpu.memory_space<vmem>>
      %swap3A_363 = arith.constant 16 : index
      %swap3A_364 = tpu.vector_load %swap3A_362[%swap3A_363] {strides = array<i32>} : memref<64xi32, #tpu.memory_space<vmem>>, vector<16xi32>,
      tpu.vector_store %swap3A_362[%swap3A_363], %add3A_358 {strides = array<i32>} : memref<64xi32, #tpu.memory_space<vmem>>, vector<16xi32>,
      %add3A_365 = arith.constant 32 : i32
      %add3A_366 = vector.broadcast %add3A_365 : i32 to vector<16xi32>
      %add3A_367 = arith.addi %iota3A, %add3A_366 : vector<16xi32>
      %lt3A_368 = arith.cmpi slt, %add3A_367, %scan3A_283 : vector<16xi32>
      %get3A_369 = arith.constant 32 : index
      %get3A_370 = tpu.vector_load %arg20[%get3A_369] {strides = array<i32>} : memref<80xi32, #tpu.memory_space<vmem>>, vector<16xi32>,
      %jit3A_371 = arith.constant 0 : i32
      %broadcast_in_dim3A_372 = vector.broadcast %jit3A_371 : i32 to vector<16xi32>
      %select_n3A_373 = arith.select %lt3A_368, %get3A_370, %broadcast_in_dim3A_372 : vector<16xi1>, vector<16xi32>
      %gather3A_374 = tpu.vector_load_idx %arg14[%select_n3A_373] : memref<2048xf32, #tpu.memory_space<vmem>>[vector<16xi32>], vector<16xf32>,
      %sub3A_375 = arith.subf %gather3A_374, %gather3A_276 : vector<16xf32>
      %gather3A_376 = tpu.vector_load_idx %arg15[%select_n3A_373] : memref<2048xf32, #tpu.memory_space<vmem>>[vector<16xi32>], vector<16xf32>,
      %sub3A_377 = arith.subf %gather3A_376, %gather3A_277 : vector<16xf32>
      %gather3A_378 = tpu.vector_load_idx %arg16[%select_n3A_373] : memref<2048xf32, #tpu.memory_space<vmem>>[vector<16xi32>], vector<16xf32>,
      %sub3A_379 = arith.subf %gather3A_378, %gather3A_278 : vector<16xf32>
      %mul3A_380 = arith.constant 64 : i32
      %mul3A_381 = arith.muli %add3A_273, %mul3A_380 : i32
      %add3A_382 = arith.constant 32 : i32
      %add3A_383 = arith.addi %mul3A_381, %add3A_382 : i32
      %swap3A_384 = arith.index_cast %add3A_383 : i32 to index
      %swap3A_385 = tpu.vector_load %arg22[%swap3A_384] {strides = array<i32>} : memref<4096xf32, #tpu.memory_space<vmem>>, vector<16xf32>,
      tpu.vector_store %arg22[%swap3A_384], %sub3A_375 {strides = array<i32>} : memref<4096xf32, #tpu.memory_space<vmem>>, vector<16xf32>,
      %swap3A_386 = arith.index_cast %add3A_383 : i32 to index
      %swap3A_387 = tpu.vector_load %arg23[%swap3A_386] {strides = array<i32>} : memref<4096xf32, #tpu.memory_space<vmem>>, vector<16xf32>,
      tpu.vector_store %arg23[%swap3A_386], %sub3A_377 {strides = array<i32>} : memref<4096xf32, #tpu.memory_space<vmem>>, vector<16xf32>,
      %swap3A_388 = arith.index_cast %add3A_383 : i32 to index
      %swap3A_389 = tpu.vector_load %arg24[%swap3A_388] {strides = array<i32>} : memref<4096xf32, #tpu.memory_space<vmem>>, vector<16xf32>,
      tpu.vector_store %arg24[%swap3A_388], %sub3A_379 {strides = array<i32>} : memref<4096xf32, #tpu.memory_space<vmem>>, vector<16xf32>,
      %jit3A_390 = arith.constant 1.000000e+00 : f32
      %jit3A_391 = arith.constant 0.000000e+00 : f32
      %broadcast_in_dim3A_392 = vector.broadcast %jit3A_390 : f32 to vector<16xf32>
      %broadcast_in_dim3A_393 = vector.broadcast %jit3A_391 : f32 to vector<16xf32>
      %select_n3A_394 = arith.select %lt3A_368, %broadcast_in_dim3A_392, %broadcast_in_dim3A_393 : vector<16xi1>, vector<16xf32>
      %swap3A_395 = arith.index_cast %add3A_383 : i32 to index
      %swap3A_396 = tpu.vector_load %arg25[%swap3A_395] {strides = array<i32>} : memref<4096xf32, #tpu.memory_space<vmem>>, vector<16xf32>,
      tpu.vector_store %arg25[%swap3A_395], %select_n3A_394 {strides = array<i32>} : memref<4096xf32, #tpu.memory_space<vmem>>, vector<16xf32>,
      %add3A_397 = vector.broadcast %mul3A_18 : i32 to vector<16xi32>
      %add3A_398 = arith.addi %select_n3A_373, %add3A_397 : vector<16xi32>
      %swap3A_399 = arith.constant 1 : i32
      %swap3A_400 = arith.constant 0 : i32
      %swap3A_401 = tpu.memref_slice %arg21[%swap3A_399, %swap3A_400] : memref<4x64xi32, #tpu.memory_space<vmem>> -> memref<1x64xi32, #tpu.memory_space<vmem>>
      %swap3A_402 = tpu.memref_squeeze %swap3A_401 : memref<1x64xi32, #tpu.memory_space<vmem>> -> memref<64xi32, #tpu.memory_space<vmem>>
      %swap3A_403 = arith.constant 32 : index
      %swap3A_404 = tpu.vector_load %swap3A_402[%swap3A_403] {strides = array<i32>} : memref<64xi32, #tpu.memory_space<vmem>>, vector<16xi32>,
      tpu.vector_store %swap3A_402[%swap3A_403], %add3A_398 {strides = array<i32>} : memref<64xi32, #tpu.memory_space<vmem>>, vector<16xi32>,
      %add3A_405 = arith.constant 48 : i32
      %add3A_406 = vector.broadcast %add3A_405 : i32 to vector<16xi32>
      %add3A_407 = arith.addi %iota3A, %add3A_406 : vector<16xi32>
      %lt3A_408 = arith.cmpi slt, %add3A_407, %scan3A_283 : vector<16xi32>
      %get3A_409 = arith.constant 48 : index
      %get3A_410 = tpu.vector_load %arg20[%get3A_409] {strides = array<i32>} : memref<80xi32, #tpu.memory_space<vmem>>, vector<16xi32>,
      %jit3A_411 = arith.constant 0 : i32
      %broadcast_in_dim3A_412 = vector.broadcast %jit3A_411 : i32 to vector<16xi32>
      %select_n3A_413 = arith.select %lt3A_408, %get3A_410, %broadcast_in_dim3A_412 : vector<16xi1>, vector<16xi32>
      %gather3A_414 = tpu.vector_load_idx %arg14[%select_n3A_413] : memref<2048xf32, #tpu.memory_space<vmem>>[vector<16xi32>], vector<16xf32>,
      %sub3A_415 = arith.subf %gather3A_414, %gather3A_276 : vector<16xf32>
      %gather3A_416 = tpu.vector_load_idx %arg15[%select_n3A_413] : memref<2048xf32, #tpu.memory_space<vmem>>[vector<16xi32>], vector<16xf32>,
      %sub3A_417 = arith.subf %gather3A_416, %gather3A_277 : vector<16xf32>
      %gather3A_418 = tpu.vector_load_idx %arg16[%select_n3A_413] : memref<2048xf32, #tpu.memory_space<vmem>>[vector<16xi32>], vector<16xf32>,
      %sub3A_419 = arith.subf %gather3A_418, %gather3A_278 : vector<16xf32>
      %mul3A_420 = arith.constant 64 : i32
      %mul3A_421 = arith.muli %add3A_273, %mul3A_420 : i32
      %add3A_422 = arith.constant 48 : i32
      %add3A_423 = arith.addi %mul3A_421, %add3A_422 : i32
      %swap3A_424 = arith.index_cast %add3A_423 : i32 to index
      %swap3A_425 = tpu.vector_load %arg22[%swap3A_424] {strides = array<i32>} : memref<4096xf32, #tpu.memory_space<vmem>>, vector<16xf32>,
      tpu.vector_store %arg22[%swap3A_424], %sub3A_415 {strides = array<i32>} : memref<4096xf32, #tpu.memory_space<vmem>>, vector<16xf32>,
      %swap3A_426 = arith.index_cast %add3A_423 : i32 to index
      %swap3A_427 = tpu.vector_load %arg23[%swap3A_426] {strides = array<i32>} : memref<4096xf32, #tpu.memory_space<vmem>>, vector<16xf32>,
      tpu.vector_store %arg23[%swap3A_426], %sub3A_417 {strides = array<i32>} : memref<4096xf32, #tpu.memory_space<vmem>>, vector<16xf32>,
      %swap3A_428 = arith.index_cast %add3A_423 : i32 to index
      %swap3A_429 = tpu.vector_load %arg24[%swap3A_428] {strides = array<i32>} : memref<4096xf32, #tpu.memory_space<vmem>>, vector<16xf32>,
      tpu.vector_store %arg24[%swap3A_428], %sub3A_419 {strides = array<i32>} : memref<4096xf32, #tpu.memory_space<vmem>>, vector<16xf32>,
      %jit3A_430 = arith.constant 1.000000e+00 : f32
      %jit3A_431 = arith.constant 0.000000e+00 : f32
      %broadcast_in_dim3A_432 = vector.broadcast %jit3A_430 : f32 to vector<16xf32>
      %broadcast_in_dim3A_433 = vector.broadcast %jit3A_431 : f32 to vector<16xf32>
      %select_n3A_434 = arith.select %lt3A_408, %broadcast_in_dim3A_432, %broadcast_in_dim3A_433 : vector<16xi1>, vector<16xf32>
      %swap3A_435 = arith.index_cast %add3A_423 : i32 to index
      %swap3A_436 = tpu.vector_load %arg25[%swap3A_435] {strides = array<i32>} : memref<4096xf32, #tpu.memory_space<vmem>>, vector<16xf32>,
      tpu.vector_store %arg25[%swap3A_435], %select_n3A_434 {strides = array<i32>} : memref<4096xf32, #tpu.memory_space<vmem>>, vector<16xf32>,
      %add3A_437 = vector.broadcast %mul3A_18 : i32 to vector<16xi32>
      %add3A_438 = arith.addi %select_n3A_413, %add3A_437 : vector<16xi32>
      %swap3A_439 = arith.constant 1 : i32
      %swap3A_440 = arith.constant 0 : i32
      %swap3A_441 = tpu.memref_slice %arg21[%swap3A_439, %swap3A_440] : memref<4x64xi32, #tpu.memory_space<vmem>> -> memref<1x64xi32, #tpu.memory_space<vmem>>
      %swap3A_442 = tpu.memref_squeeze %swap3A_441 : memref<1x64xi32, #tpu.memory_space<vmem>> -> memref<64xi32, #tpu.memory_space<vmem>>
      %swap3A_443 = arith.constant 48 : index
      %swap3A_444 = tpu.vector_load %swap3A_442[%swap3A_443] {strides = array<i32>} : memref<64xi32, #tpu.memory_space<vmem>>, vector<16xi32>,
      tpu.vector_store %swap3A_442[%swap3A_443], %add3A_438 {strides = array<i32>} : memref<64xi32, #tpu.memory_space<vmem>>, vector<16xi32>,
      %add3A_445 = arith.constant 2 : i32
      %add3A_446 = arith.addi %mul3A_102, %add3A_445 : i32
      %add3A_447 = vector.broadcast %add3A_446 : i32 to vector<16xi32>
      %add3A_448 = arith.addi %broadcast_in_dim3A_23, %add3A_447 : vector<16xi32>
      %gather3A_449 = tpu.vector_load_idx %arg17[%add3A_448] : memref<64xf32, #tpu.memory_space<vmem>>[vector<16xi32>], vector<16xf32>,
      %gather3A_450 = tpu.vector_load_idx %arg18[%add3A_448] : memref<64xf32, #tpu.memory_space<vmem>>[vector<16xi32>], vector<16xf32>,
      %gather3A_451 = tpu.vector_load_idx %arg19[%add3A_448] : memref<64xf32, #tpu.memory_space<vmem>>[vector<16xi32>], vector<16xf32>,
      %scan3A_452 = arith.constant 0 : i32
      %scan3A_453 = arith.constant 32 : i32
      %scan3A_454 = arith.addi %scan3A_452, %scan3A_453 : i32
      %scan3A_455 = arith.constant 1 : i32
      %scan3A_456 = scf.for %scan3A_996 = %scan3A_452 to %scan3A_454 step %scan3A_455 iter_args(%scan3A_997 = %broadcast_in_dim3A_23) -> (vector<16xi32>)  : i32 {
        %mul3A_998 = arith.constant 64 : i32
        %mul3A_999 = arith.muli %scan3A_996, %mul3A_998 : i32
        %add3A_1000 = arith.constant 0 : i32
        %add3A_1001 = arith.addi %mul3A_999, %add3A_1000 : i32
        %get3A_1002 = arith.index_cast %add3A_1001 : i32 to index
        %get3A_1003 = tpu.vector_load %arg14[%get3A_1002] {strides = array<i32>} : memref<2048xf32, #tpu.memory_space<vmem>>, vector<16xf32>,
        %get3A_1004 = arith.index_cast %add3A_1001 : i32 to index
        %get3A_1005 = tpu.vector_load %arg15[%get3A_1004] {strides = array<i32>} : memref<2048xf32, #tpu.memory_space<vmem>>, vector<16xf32>,
        %get3A_1006 = arith.index_cast %add3A_1001 : i32 to index
        %get3A_1007 = tpu.vector_load %arg16[%get3A_1006] {strides = array<i32>} : memref<2048xf32, #tpu.memory_space<vmem>>, vector<16xf32>,
        %sub3A_1008 = arith.subf %get3A_1003, %gather3A_449 : vector<16xf32>
        %sub3A_1009 = arith.subf %get3A_1005, %gather3A_450 : vector<16xf32>
        %sub3A_1010 = arith.subf %get3A_1007, %gather3A_451 : vector<16xf32>
        %mul3A_1011 = arith.mulf %sub3A_1008, %sub3A_1008 : vector<16xf32>
        %mul3A_1012 = arith.mulf %sub3A_1009, %sub3A_1009 : vector<16xf32>
        %add3A_1013 = arith.addf %mul3A_1011, %mul3A_1012 : vector<16xf32>
        %mul3A_1014 = arith.mulf %sub3A_1010, %sub3A_1010 : vector<16xf32>
        %add3A_1015 = arith.addf %add3A_1013, %mul3A_1014 : vector<16xf32>
        %le3A = arith.constant 0.160000011 : f32
        %le3A_1016 = vector.broadcast %le3A : f32 to vector<16xf32>
        %le3A_1017 = arith.cmpf ole, %add3A_1015, %le3A_1016 : vector<16xf32>
        %mul3A_1018 = arith.constant 64 : i32
        %mul3A_1019 = arith.muli %scan3A_996, %mul3A_1018 : i32
        %add3A_1020 = arith.constant 16 : i32
        %add3A_1021 = arith.addi %mul3A_1019, %add3A_1020 : i32
        %get3A_1022 = arith.index_cast %add3A_1021 : i32 to index
        %get3A_1023 = tpu.vector_load %arg14[%get3A_1022] {strides = array<i32>} : memref<2048xf32, #tpu.memory_space<vmem>>, vector<16xf32>,
        %get3A_1024 = arith.index_cast %add3A_1021 : i32 to index
        %get3A_1025 = tpu.vector_load %arg15[%get3A_1024] {strides = array<i32>} : memref<2048xf32, #tpu.memory_space<vmem>>, vector<16xf32>,
        %get3A_1026 = arith.index_cast %add3A_1021 : i32 to index
        %get3A_1027 = tpu.vector_load %arg16[%get3A_1026] {strides = array<i32>} : memref<2048xf32, #tpu.memory_space<vmem>>, vector<16xf32>,
        %sub3A_1028 = arith.subf %get3A_1023, %gather3A_449 : vector<16xf32>
        %sub3A_1029 = arith.subf %get3A_1025, %gather3A_450 : vector<16xf32>
        %sub3A_1030 = arith.subf %get3A_1027, %gather3A_451 : vector<16xf32>
        %mul3A_1031 = arith.mulf %sub3A_1028, %sub3A_1028 : vector<16xf32>
        %mul3A_1032 = arith.mulf %sub3A_1029, %sub3A_1029 : vector<16xf32>
        %add3A_1033 = arith.addf %mul3A_1031, %mul3A_1032 : vector<16xf32>
        %mul3A_1034 = arith.mulf %sub3A_1030, %sub3A_1030 : vector<16xf32>
        %add3A_1035 = arith.addf %add3A_1033, %mul3A_1034 : vector<16xf32>
        %le3A_1036 = arith.constant 0.160000011 : f32
        %le3A_1037 = vector.broadcast %le3A_1036 : f32 to vector<16xf32>
        %le3A_1038 = arith.cmpf ole, %add3A_1035, %le3A_1037 : vector<16xf32>
        %mul3A_1039 = arith.constant 64 : i32
        %mul3A_1040 = arith.muli %scan3A_996, %mul3A_1039 : i32
        %add3A_1041 = arith.constant 32 : i32
        %add3A_1042 = arith.addi %mul3A_1040, %add3A_1041 : i32
        %get3A_1043 = arith.index_cast %add3A_1042 : i32 to index
        %get3A_1044 = tpu.vector_load %arg14[%get3A_1043] {strides = array<i32>} : memref<2048xf32, #tpu.memory_space<vmem>>, vector<16xf32>,
        %get3A_1045 = arith.index_cast %add3A_1042 : i32 to index
        %get3A_1046 = tpu.vector_load %arg15[%get3A_1045] {strides = array<i32>} : memref<2048xf32, #tpu.memory_space<vmem>>, vector<16xf32>,
        %get3A_1047 = arith.index_cast %add3A_1042 : i32 to index
        %get3A_1048 = tpu.vector_load %arg16[%get3A_1047] {strides = array<i32>} : memref<2048xf32, #tpu.memory_space<vmem>>, vector<16xf32>,
        %sub3A_1049 = arith.subf %get3A_1044, %gather3A_449 : vector<16xf32>
        %sub3A_1050 = arith.subf %get3A_1046, %gather3A_450 : vector<16xf32>
        %sub3A_1051 = arith.subf %get3A_1048, %gather3A_451 : vector<16xf32>
        %mul3A_1052 = arith.mulf %sub3A_1049, %sub3A_1049 : vector<16xf32>
        %mul3A_1053 = arith.mulf %sub3A_1050, %sub3A_1050 : vector<16xf32>
        %add3A_1054 = arith.addf %mul3A_1052, %mul3A_1053 : vector<16xf32>
        %mul3A_1055 = arith.mulf %sub3A_1051, %sub3A_1051 : vector<16xf32>
        %add3A_1056 = arith.addf %add3A_1054, %mul3A_1055 : vector<16xf32>
        %le3A_1057 = arith.constant 0.160000011 : f32
        %le3A_1058 = vector.broadcast %le3A_1057 : f32 to vector<16xf32>
        %le3A_1059 = arith.cmpf ole, %add3A_1056, %le3A_1058 : vector<16xf32>
        %mul3A_1060 = arith.constant 64 : i32
        %mul3A_1061 = arith.muli %scan3A_996, %mul3A_1060 : i32
        %add3A_1062 = arith.constant 48 : i32
        %add3A_1063 = arith.addi %mul3A_1061, %add3A_1062 : i32
        %get3A_1064 = arith.index_cast %add3A_1063 : i32 to index
        %get3A_1065 = tpu.vector_load %arg14[%get3A_1064] {strides = array<i32>} : memref<2048xf32, #tpu.memory_space<vmem>>, vector<16xf32>,
        %get3A_1066 = arith.index_cast %add3A_1063 : i32 to index
        %get3A_1067 = tpu.vector_load %arg15[%get3A_1066] {strides = array<i32>} : memref<2048xf32, #tpu.memory_space<vmem>>, vector<16xf32>,
        %get3A_1068 = arith.index_cast %add3A_1063 : i32 to index
        %get3A_1069 = tpu.vector_load %arg16[%get3A_1068] {strides = array<i32>} : memref<2048xf32, #tpu.memory_space<vmem>>, vector<16xf32>,
        %sub3A_1070 = arith.subf %get3A_1065, %gather3A_449 : vector<16xf32>
        %sub3A_1071 = arith.subf %get3A_1067, %gather3A_450 : vector<16xf32>
        %sub3A_1072 = arith.subf %get3A_1069, %gather3A_451 : vector<16xf32>
        %mul3A_1073 = arith.mulf %sub3A_1070, %sub3A_1070 : vector<16xf32>
        %mul3A_1074 = arith.mulf %sub3A_1071, %sub3A_1071 : vector<16xf32>
        %add3A_1075 = arith.addf %mul3A_1073, %mul3A_1074 : vector<16xf32>
        %mul3A_1076 = arith.mulf %sub3A_1072, %sub3A_1072 : vector<16xf32>
        %add3A_1077 = arith.addf %add3A_1075, %mul3A_1076 : vector<16xf32>
        %le3A_1078 = arith.constant 0.160000011 : f32
        %le3A_1079 = vector.broadcast %le3A_1078 : f32 to vector<16xf32>
        %le3A_1080 = arith.cmpf ole, %add3A_1077, %le3A_1079 : vector<16xf32>
        %jit3A_1081 = arith.constant 1 : i32
        %jit3A_1082 = arith.constant 0 : i32
        %broadcast_in_dim3A_1083 = vector.broadcast %jit3A_1081 : i32 to vector<16xi32>
        %broadcast_in_dim3A_1084 = vector.broadcast %jit3A_1082 : i32 to vector<16xi32>
        %select_n3A_1085 = arith.select %le3A_1017, %broadcast_in_dim3A_1083, %broadcast_in_dim3A_1084 : vector<16xi1>, vector<16xi32>
        %broadcast_in_dim3A_1086 = arith.constant true
        %broadcast_in_dim3A_1087 = vector.broadcast %broadcast_in_dim3A_1086 : i1 to vector<16xi1>
        %masked_cumsum3A = tpu.scan <sum>, %select_n3A_1085 masked %broadcast_in_dim3A_1087 : vector<16xi32>, vector<16xi1> -> vector<16xi32>
        %mul3A_1088 = arith.constant 64 : i32
        %mul3A_1089 = arith.muli %scan3A_996, %mul3A_1088 : i32
        %add3A_1090 = arith.constant 0 : i32
        %add3A_1091 = arith.addi %mul3A_1089, %add3A_1090 : i32
        %add3A_1092 = vector.broadcast %add3A_1091 : i32 to vector<16xi32>
        %add3A_1093 = arith.addi %iota3A, %add3A_1092 : vector<16xi32>
        %add3A_1094 = arith.addi %scan3A_997, %masked_cumsum3A : vector<16xi32>
        %sub3A_1095 = arith.constant 1 : i32
        %sub3A_1096 = vector.broadcast %sub3A_1095 : i32 to vector<16xi32>
        %sub3A_1097 = arith.subi %add3A_1094, %sub3A_1096 : vector<16xi32>
        tpu.vector_store_idx %arg20[%sub3A_1097], %add3A_1093 masked %le3A_1017 : memref<80xi32, #tpu.memory_space<vmem>>[vector<16xi32>], vector<16xi32>, vector<16xi1>
        %all_reduce_population_count3A = tpu.all_reduce %le3A_1017 {dim = 0 : i64, kind = #tpu.reduction_kind<sum>} : vector<16xi1> -> vector<16xi32>
        %add3A_1098 = arith.addi %scan3A_997, %all_reduce_population_count3A : vector<16xi32>
        %min3A = arith.constant 64 : i32
        %min3A_1099 = vector.broadcast %min3A : i32 to vector<16xi32>
        %min3A_1100 = arith.minsi %add3A_1098, %min3A_1099 : vector<16xi32>
        %jit3A_1101 = arith.constant 1 : i32
        %jit3A_1102 = arith.constant 0 : i32
        %broadcast_in_dim3A_1103 = vector.broadcast %jit3A_1101 : i32 to vector<16xi32>
        %broadcast_in_dim3A_1104 = vector.broadcast %jit3A_1102 : i32 to vector<16xi32>
        %select_n3A_1105 = arith.select %le3A_1038, %broadcast_in_dim3A_1103, %broadcast_in_dim3A_1104 : vector<16xi1>, vector<16xi32>
        %broadcast_in_dim3A_1106 = arith.constant true
        %broadcast_in_dim3A_1107 = vector.broadcast %broadcast_in_dim3A_1106 : i1 to vector<16xi1>
        %masked_cumsum3A_1108 = tpu.scan <sum>, %select_n3A_1105 masked %broadcast_in_dim3A_1107 : vector<16xi32>, vector<16xi1> -> vector<16xi32>
        %mul3A_1109 = arith.constant 64 : i32
        %mul3A_1110 = arith.muli %scan3A_996, %mul3A_1109 : i32
        %add3A_1111 = arith.constant 16 : i32
        %add3A_1112 = arith.addi %mul3A_1110, %add3A_1111 : i32
        %add3A_1113 = vector.broadcast %add3A_1112 : i32 to vector<16xi32>
        %add3A_1114 = arith.addi %iota3A, %add3A_1113 : vector<16xi32>
        %add3A_1115 = arith.addi %min3A_1100, %masked_cumsum3A_1108 : vector<16xi32>
        %sub3A_1116 = arith.constant 1 : i32
        %sub3A_1117 = vector.broadcast %sub3A_1116 : i32 to vector<16xi32>
        %sub3A_1118 = arith.subi %add3A_1115, %sub3A_1117 : vector<16xi32>
        tpu.vector_store_idx %arg20[%sub3A_1118], %add3A_1114 masked %le3A_1038 : memref<80xi32, #tpu.memory_space<vmem>>[vector<16xi32>], vector<16xi32>, vector<16xi1>
        %all_reduce_population_count3A_1119 = tpu.all_reduce %le3A_1038 {dim = 0 : i64, kind = #tpu.reduction_kind<sum>} : vector<16xi1> -> vector<16xi32>
        %add3A_1120 = arith.addi %min3A_1100, %all_reduce_population_count3A_1119 : vector<16xi32>
        %min3A_1121 = arith.constant 64 : i32
        %min3A_1122 = vector.broadcast %min3A_1121 : i32 to vector<16xi32>
        %min3A_1123 = arith.minsi %add3A_1120, %min3A_1122 : vector<16xi32>
        %jit3A_1124 = arith.constant 1 : i32
        %jit3A_1125 = arith.constant 0 : i32
        %broadcast_in_dim3A_1126 = vector.broadcast %jit3A_1124 : i32 to vector<16xi32>
        %broadcast_in_dim3A_1127 = vector.broadcast %jit3A_1125 : i32 to vector<16xi32>
        %select_n3A_1128 = arith.select %le3A_1059, %broadcast_in_dim3A_1126, %broadcast_in_dim3A_1127 : vector<16xi1>, vector<16xi32>
        %broadcast_in_dim3A_1129 = arith.constant true
        %broadcast_in_dim3A_1130 = vector.broadcast %broadcast_in_dim3A_1129 : i1 to vector<16xi1>
        %masked_cumsum3A_1131 = tpu.scan <sum>, %select_n3A_1128 masked %broadcast_in_dim3A_1130 : vector<16xi32>, vector<16xi1> -> vector<16xi32>
        %mul3A_1132 = arith.constant 64 : i32
        %mul3A_1133 = arith.muli %scan3A_996, %mul3A_1132 : i32
        %add3A_1134 = arith.constant 32 : i32
        %add3A_1135 = arith.addi %mul3A_1133, %add3A_1134 : i32
        %add3A_1136 = vector.broadcast %add3A_1135 : i32 to vector<16xi32>
        %add3A_1137 = arith.addi %iota3A, %add3A_1136 : vector<16xi32>
        %add3A_1138 = arith.addi %min3A_1123, %masked_cumsum3A_1131 : vector<16xi32>
        %sub3A_1139 = arith.constant 1 : i32
        %sub3A_1140 = vector.broadcast %sub3A_1139 : i32 to vector<16xi32>
        %sub3A_1141 = arith.subi %add3A_1138, %sub3A_1140 : vector<16xi32>
        tpu.vector_store_idx %arg20[%sub3A_1141], %add3A_1137 masked %le3A_1059 : memref<80xi32, #tpu.memory_space<vmem>>[vector<16xi32>], vector<16xi32>, vector<16xi1>
        %all_reduce_population_count3A_1142 = tpu.all_reduce %le3A_1059 {dim = 0 : i64, kind = #tpu.reduction_kind<sum>} : vector<16xi1> -> vector<16xi32>
        %add3A_1143 = arith.addi %min3A_1123, %all_reduce_population_count3A_1142 : vector<16xi32>
        %min3A_1144 = arith.constant 64 : i32
        %min3A_1145 = vector.broadcast %min3A_1144 : i32 to vector<16xi32>
        %min3A_1146 = arith.minsi %add3A_1143, %min3A_1145 : vector<16xi32>
        %jit3A_1147 = arith.constant 1 : i32
        %jit3A_1148 = arith.constant 0 : i32
        %broadcast_in_dim3A_1149 = vector.broadcast %jit3A_1147 : i32 to vector<16xi32>
        %broadcast_in_dim3A_1150 = vector.broadcast %jit3A_1148 : i32 to vector<16xi32>
        %select_n3A_1151 = arith.select %le3A_1080, %broadcast_in_dim3A_1149, %broadcast_in_dim3A_1150 : vector<16xi1>, vector<16xi32>
        %broadcast_in_dim3A_1152 = arith.constant true
        %broadcast_in_dim3A_1153 = vector.broadcast %broadcast_in_dim3A_1152 : i1 to vector<16xi1>
        %masked_cumsum3A_1154 = tpu.scan <sum>, %select_n3A_1151 masked %broadcast_in_dim3A_1153 : vector<16xi32>, vector<16xi1> -> vector<16xi32>
        %mul3A_1155 = arith.constant 64 : i32
        %mul3A_1156 = arith.muli %scan3A_996, %mul3A_1155 : i32
        %add3A_1157 = arith.constant 48 : i32
        %add3A_1158 = arith.addi %mul3A_1156, %add3A_1157 : i32
        %add3A_1159 = vector.broadcast %add3A_1158 : i32 to vector<16xi32>
        %add3A_1160 = arith.addi %iota3A, %add3A_1159 : vector<16xi32>
        %add3A_1161 = arith.addi %min3A_1146, %masked_cumsum3A_1154 : vector<16xi32>
        %sub3A_1162 = arith.constant 1 : i32
        %sub3A_1163 = vector.broadcast %sub3A_1162 : i32 to vector<16xi32>
        %sub3A_1164 = arith.subi %add3A_1161, %sub3A_1163 : vector<16xi32>
        tpu.vector_store_idx %arg20[%sub3A_1164], %add3A_1160 masked %le3A_1080 : memref<80xi32, #tpu.memory_space<vmem>>[vector<16xi32>], vector<16xi32>, vector<16xi1>
        %all_reduce_population_count3A_1165 = tpu.all_reduce %le3A_1080 {dim = 0 : i64, kind = #tpu.reduction_kind<sum>} : vector<16xi1> -> vector<16xi32>
        %add3A_1166 = arith.addi %min3A_1146, %all_reduce_population_count3A_1165 : vector<16xi32>
        %min3A_1167 = arith.constant 64 : i32
        %min3A_1168 = vector.broadcast %min3A_1167 : i32 to vector<16xi32>
        %min3A_1169 = arith.minsi %add3A_1166, %min3A_1168 : vector<16xi32>
        scf.yield %min3A_1169 : vector<16xi32>
      }
      %scan3A_457 = arith.constant 32 : i32
      %add3A_458 = arith.constant 0 : i32
      %add3A_459 = vector.broadcast %add3A_458 : i32 to vector<16xi32>
      %add3A_460 = arith.addi %iota3A, %add3A_459 : vector<16xi32>
      %lt3A_461 = arith.cmpi slt, %add3A_460, %scan3A_456 : vector<16xi32>
      %get3A_462 = arith.constant 0 : index
      %get3A_463 = tpu.vector_load %arg20[%get3A_462] {strides = array<i32>} : memref<80xi32, #tpu.memory_space<vmem>>, vector<16xi32>,
      %jit3A_464 = arith.constant 0 : i32
      %broadcast_in_dim3A_465 = vector.broadcast %jit3A_464 : i32 to vector<16xi32>
      %select_n3A_466 = arith.select %lt3A_461, %get3A_463, %broadcast_in_dim3A_465 : vector<16xi1>, vector<16xi32>
      %gather3A_467 = tpu.vector_load_idx %arg14[%select_n3A_466] : memref<2048xf32, #tpu.memory_space<vmem>>[vector<16xi32>], vector<16xf32>,
      %sub3A_468 = arith.subf %gather3A_467, %gather3A_449 : vector<16xf32>
      %gather3A_469 = tpu.vector_load_idx %arg15[%select_n3A_466] : memref<2048xf32, #tpu.memory_space<vmem>>[vector<16xi32>], vector<16xf32>,
      %sub3A_470 = arith.subf %gather3A_469, %gather3A_450 : vector<16xf32>
      %gather3A_471 = tpu.vector_load_idx %arg16[%select_n3A_466] : memref<2048xf32, #tpu.memory_space<vmem>>[vector<16xi32>], vector<16xf32>,
      %sub3A_472 = arith.subf %gather3A_471, %gather3A_451 : vector<16xf32>
      %mul3A_473 = arith.constant 64 : i32
      %mul3A_474 = arith.muli %add3A_446, %mul3A_473 : i32
      %add3A_475 = arith.constant 0 : i32
      %add3A_476 = arith.addi %mul3A_474, %add3A_475 : i32
      %swap3A_477 = arith.index_cast %add3A_476 : i32 to index
      %swap3A_478 = tpu.vector_load %arg22[%swap3A_477] {strides = array<i32>} : memref<4096xf32, #tpu.memory_space<vmem>>, vector<16xf32>,
      tpu.vector_store %arg22[%swap3A_477], %sub3A_468 {strides = array<i32>} : memref<4096xf32, #tpu.memory_space<vmem>>, vector<16xf32>,
      %swap3A_479 = arith.index_cast %add3A_476 : i32 to index
      %swap3A_480 = tpu.vector_load %arg23[%swap3A_479] {strides = array<i32>} : memref<4096xf32, #tpu.memory_space<vmem>>, vector<16xf32>,
      tpu.vector_store %arg23[%swap3A_479], %sub3A_470 {strides = array<i32>} : memref<4096xf32, #tpu.memory_space<vmem>>, vector<16xf32>,
      %swap3A_481 = arith.index_cast %add3A_476 : i32 to index
      %swap3A_482 = tpu.vector_load %arg24[%swap3A_481] {strides = array<i32>} : memref<4096xf32, #tpu.memory_space<vmem>>, vector<16xf32>,
      tpu.vector_store %arg24[%swap3A_481], %sub3A_472 {strides = array<i32>} : memref<4096xf32, #tpu.memory_space<vmem>>, vector<16xf32>,
      %jit3A_483 = arith.constant 1.000000e+00 : f32
      %jit3A_484 = arith.constant 0.000000e+00 : f32
      %broadcast_in_dim3A_485 = vector.broadcast %jit3A_483 : f32 to vector<16xf32>
      %broadcast_in_dim3A_486 = vector.broadcast %jit3A_484 : f32 to vector<16xf32>
      %select_n3A_487 = arith.select %lt3A_461, %broadcast_in_dim3A_485, %broadcast_in_dim3A_486 : vector<16xi1>, vector<16xf32>
      %swap3A_488 = arith.index_cast %add3A_476 : i32 to index
      %swap3A_489 = tpu.vector_load %arg25[%swap3A_488] {strides = array<i32>} : memref<4096xf32, #tpu.memory_space<vmem>>, vector<16xf32>,
      tpu.vector_store %arg25[%swap3A_488], %select_n3A_487 {strides = array<i32>} : memref<4096xf32, #tpu.memory_space<vmem>>, vector<16xf32>,
      %add3A_490 = vector.broadcast %mul3A_18 : i32 to vector<16xi32>
      %add3A_491 = arith.addi %select_n3A_466, %add3A_490 : vector<16xi32>
      %swap3A_492 = arith.constant 2 : i32
      %swap3A_493 = arith.constant 0 : i32
      %swap3A_494 = tpu.memref_slice %arg21[%swap3A_492, %swap3A_493] : memref<4x64xi32, #tpu.memory_space<vmem>> -> memref<1x64xi32, #tpu.memory_space<vmem>>
      %swap3A_495 = tpu.memref_squeeze %swap3A_494 : memref<1x64xi32, #tpu.memory_space<vmem>> -> memref<64xi32, #tpu.memory_space<vmem>>
      %swap3A_496 = arith.constant 0 : index
      %swap3A_497 = tpu.vector_load %swap3A_495[%swap3A_496] {strides = array<i32>} : memref<64xi32, #tpu.memory_space<vmem>>, vector<16xi32>,
      tpu.vector_store %swap3A_495[%swap3A_496], %add3A_491 {strides = array<i32>} : memref<64xi32, #tpu.memory_space<vmem>>, vector<16xi32>,
      %add3A_498 = arith.constant 16 : i32
      %add3A_499 = vector.broadcast %add3A_498 : i32 to vector<16xi32>
      %add3A_500 = arith.addi %iota3A, %add3A_499 : vector<16xi32>
      %lt3A_501 = arith.cmpi slt, %add3A_500, %scan3A_456 : vector<16xi32>
      %get3A_502 = arith.constant 16 : index
      %get3A_503 = tpu.vector_load %arg20[%get3A_502] {strides = array<i32>} : memref<80xi32, #tpu.memory_space<vmem>>, vector<16xi32>,
      %jit3A_504 = arith.constant 0 : i32
      %broadcast_in_dim3A_505 = vector.broadcast %jit3A_504 : i32 to vector<16xi32>
      %select_n3A_506 = arith.select %lt3A_501, %get3A_503, %broadcast_in_dim3A_505 : vector<16xi1>, vector<16xi32>
      %gather3A_507 = tpu.vector_load_idx %arg14[%select_n3A_506] : memref<2048xf32, #tpu.memory_space<vmem>>[vector<16xi32>], vector<16xf32>,
      %sub3A_508 = arith.subf %gather3A_507, %gather3A_449 : vector<16xf32>
      %gather3A_509 = tpu.vector_load_idx %arg15[%select_n3A_506] : memref<2048xf32, #tpu.memory_space<vmem>>[vector<16xi32>], vector<16xf32>,
      %sub3A_510 = arith.subf %gather3A_509, %gather3A_450 : vector<16xf32>
      %gather3A_511 = tpu.vector_load_idx %arg16[%select_n3A_506] : memref<2048xf32, #tpu.memory_space<vmem>>[vector<16xi32>], vector<16xf32>,
      %sub3A_512 = arith.subf %gather3A_511, %gather3A_451 : vector<16xf32>
      %mul3A_513 = arith.constant 64 : i32
      %mul3A_514 = arith.muli %add3A_446, %mul3A_513 : i32
      %add3A_515 = arith.constant 16 : i32
      %add3A_516 = arith.addi %mul3A_514, %add3A_515 : i32
      %swap3A_517 = arith.index_cast %add3A_516 : i32 to index
      %swap3A_518 = tpu.vector_load %arg22[%swap3A_517] {strides = array<i32>} : memref<4096xf32, #tpu.memory_space<vmem>>, vector<16xf32>,
      tpu.vector_store %arg22[%swap3A_517], %sub3A_508 {strides = array<i32>} : memref<4096xf32, #tpu.memory_space<vmem>>, vector<16xf32>,
      %swap3A_519 = arith.index_cast %add3A_516 : i32 to index
      %swap3A_520 = tpu.vector_load %arg23[%swap3A_519] {strides = array<i32>} : memref<4096xf32, #tpu.memory_space<vmem>>, vector<16xf32>,
      tpu.vector_store %arg23[%swap3A_519], %sub3A_510 {strides = array<i32>} : memref<4096xf32, #tpu.memory_space<vmem>>, vector<16xf32>,
      %swap3A_521 = arith.index_cast %add3A_516 : i32 to index
      %swap3A_522 = tpu.vector_load %arg24[%swap3A_521] {strides = array<i32>} : memref<4096xf32, #tpu.memory_space<vmem>>, vector<16xf32>,
      tpu.vector_store %arg24[%swap3A_521], %sub3A_512 {strides = array<i32>} : memref<4096xf32, #tpu.memory_space<vmem>>, vector<16xf32>,
      %jit3A_523 = arith.constant 1.000000e+00 : f32
      %jit3A_524 = arith.constant 0.000000e+00 : f32
      %broadcast_in_dim3A_525 = vector.broadcast %jit3A_523 : f32 to vector<16xf32>
      %broadcast_in_dim3A_526 = vector.broadcast %jit3A_524 : f32 to vector<16xf32>
      %select_n3A_527 = arith.select %lt3A_501, %broadcast_in_dim3A_525, %broadcast_in_dim3A_526 : vector<16xi1>, vector<16xf32>
      %swap3A_528 = arith.index_cast %add3A_516 : i32 to index
      %swap3A_529 = tpu.vector_load %arg25[%swap3A_528] {strides = array<i32>} : memref<4096xf32, #tpu.memory_space<vmem>>, vector<16xf32>,
      tpu.vector_store %arg25[%swap3A_528], %select_n3A_527 {strides = array<i32>} : memref<4096xf32, #tpu.memory_space<vmem>>, vector<16xf32>,
      %add3A_530 = vector.broadcast %mul3A_18 : i32 to vector<16xi32>
      %add3A_531 = arith.addi %select_n3A_506, %add3A_530 : vector<16xi32>
      %swap3A_532 = arith.constant 2 : i32
      %swap3A_533 = arith.constant 0 : i32
      %swap3A_534 = tpu.memref_slice %arg21[%swap3A_532, %swap3A_533] : memref<4x64xi32, #tpu.memory_space<vmem>> -> memref<1x64xi32, #tpu.memory_space<vmem>>
      %swap3A_535 = tpu.memref_squeeze %swap3A_534 : memref<1x64xi32, #tpu.memory_space<vmem>> -> memref<64xi32, #tpu.memory_space<vmem>>
      %swap3A_536 = arith.constant 16 : index
      %swap3A_537 = tpu.vector_load %swap3A_535[%swap3A_536] {strides = array<i32>} : memref<64xi32, #tpu.memory_space<vmem>>, vector<16xi32>,
      tpu.vector_store %swap3A_535[%swap3A_536], %add3A_531 {strides = array<i32>} : memref<64xi32, #tpu.memory_space<vmem>>, vector<16xi32>,
      %add3A_538 = arith.constant 32 : i32
      %add3A_539 = vector.broadcast %add3A_538 : i32 to vector<16xi32>
      %add3A_540 = arith.addi %iota3A, %add3A_539 : vector<16xi32>
      %lt3A_541 = arith.cmpi slt, %add3A_540, %scan3A_456 : vector<16xi32>
      %get3A_542 = arith.constant 32 : index
      %get3A_543 = tpu.vector_load %arg20[%get3A_542] {strides = array<i32>} : memref<80xi32, #tpu.memory_space<vmem>>, vector<16xi32>,
      %jit3A_544 = arith.constant 0 : i32
      %broadcast_in_dim3A_545 = vector.broadcast %jit3A_544 : i32 to vector<16xi32>
      %select_n3A_546 = arith.select %lt3A_541, %get3A_543, %broadcast_in_dim3A_545 : vector<16xi1>, vector<16xi32>
      %gather3A_547 = tpu.vector_load_idx %arg14[%select_n3A_546] : memref<2048xf32, #tpu.memory_space<vmem>>[vector<16xi32>], vector<16xf32>,
      %sub3A_548 = arith.subf %gather3A_547, %gather3A_449 : vector<16xf32>
      %gather3A_549 = tpu.vector_load_idx %arg15[%select_n3A_546] : memref<2048xf32, #tpu.memory_space<vmem>>[vector<16xi32>], vector<16xf32>,
      %sub3A_550 = arith.subf %gather3A_549, %gather3A_450 : vector<16xf32>
      %gather3A_551 = tpu.vector_load_idx %arg16[%select_n3A_546] : memref<2048xf32, #tpu.memory_space<vmem>>[vector<16xi32>], vector<16xf32>,
      %sub3A_552 = arith.subf %gather3A_551, %gather3A_451 : vector<16xf32>
      %mul3A_553 = arith.constant 64 : i32
      %mul3A_554 = arith.muli %add3A_446, %mul3A_553 : i32
      %add3A_555 = arith.constant 32 : i32
      %add3A_556 = arith.addi %mul3A_554, %add3A_555 : i32
      %swap3A_557 = arith.index_cast %add3A_556 : i32 to index
      %swap3A_558 = tpu.vector_load %arg22[%swap3A_557] {strides = array<i32>} : memref<4096xf32, #tpu.memory_space<vmem>>, vector<16xf32>,
      tpu.vector_store %arg22[%swap3A_557], %sub3A_548 {strides = array<i32>} : memref<4096xf32, #tpu.memory_space<vmem>>, vector<16xf32>,
      %swap3A_559 = arith.index_cast %add3A_556 : i32 to index
      %swap3A_560 = tpu.vector_load %arg23[%swap3A_559] {strides = array<i32>} : memref<4096xf32, #tpu.memory_space<vmem>>, vector<16xf32>,
      tpu.vector_store %arg23[%swap3A_559], %sub3A_550 {strides = array<i32>} : memref<4096xf32, #tpu.memory_space<vmem>>, vector<16xf32>,
      %swap3A_561 = arith.index_cast %add3A_556 : i32 to index
      %swap3A_562 = tpu.vector_load %arg24[%swap3A_561] {strides = array<i32>} : memref<4096xf32, #tpu.memory_space<vmem>>, vector<16xf32>,
      tpu.vector_store %arg24[%swap3A_561], %sub3A_552 {strides = array<i32>} : memref<4096xf32, #tpu.memory_space<vmem>>, vector<16xf32>,
      %jit3A_563 = arith.constant 1.000000e+00 : f32
      %jit3A_564 = arith.constant 0.000000e+00 : f32
      %broadcast_in_dim3A_565 = vector.broadcast %jit3A_563 : f32 to vector<16xf32>
      %broadcast_in_dim3A_566 = vector.broadcast %jit3A_564 : f32 to vector<16xf32>
      %select_n3A_567 = arith.select %lt3A_541, %broadcast_in_dim3A_565, %broadcast_in_dim3A_566 : vector<16xi1>, vector<16xf32>
      %swap3A_568 = arith.index_cast %add3A_556 : i32 to index
      %swap3A_569 = tpu.vector_load %arg25[%swap3A_568] {strides = array<i32>} : memref<4096xf32, #tpu.memory_space<vmem>>, vector<16xf32>,
      tpu.vector_store %arg25[%swap3A_568], %select_n3A_567 {strides = array<i32>} : memref<4096xf32, #tpu.memory_space<vmem>>, vector<16xf32>,
      %add3A_570 = vector.broadcast %mul3A_18 : i32 to vector<16xi32>
      %add3A_571 = arith.addi %select_n3A_546, %add3A_570 : vector<16xi32>
      %swap3A_572 = arith.constant 2 : i32
      %swap3A_573 = arith.constant 0 : i32
      %swap3A_574 = tpu.memref_slice %arg21[%swap3A_572, %swap3A_573] : memref<4x64xi32, #tpu.memory_space<vmem>> -> memref<1x64xi32, #tpu.memory_space<vmem>>
      %swap3A_575 = tpu.memref_squeeze %swap3A_574 : memref<1x64xi32, #tpu.memory_space<vmem>> -> memref<64xi32, #tpu.memory_space<vmem>>
      %swap3A_576 = arith.constant 32 : index
      %swap3A_577 = tpu.vector_load %swap3A_575[%swap3A_576] {strides = array<i32>} : memref<64xi32, #tpu.memory_space<vmem>>, vector<16xi32>,
      tpu.vector_store %swap3A_575[%swap3A_576], %add3A_571 {strides = array<i32>} : memref<64xi32, #tpu.memory_space<vmem>>, vector<16xi32>,
      %add3A_578 = arith.constant 48 : i32
      %add3A_579 = vector.broadcast %add3A_578 : i32 to vector<16xi32>
      %add3A_580 = arith.addi %iota3A, %add3A_579 : vector<16xi32>
      %lt3A_581 = arith.cmpi slt, %add3A_580, %scan3A_456 : vector<16xi32>
      %get3A_582 = arith.constant 48 : index
      %get3A_583 = tpu.vector_load %arg20[%get3A_582] {strides = array<i32>} : memref<80xi32, #tpu.memory_space<vmem>>, vector<16xi32>,
      %jit3A_584 = arith.constant 0 : i32
      %broadcast_in_dim3A_585 = vector.broadcast %jit3A_584 : i32 to vector<16xi32>
      %select_n3A_586 = arith.select %lt3A_581, %get3A_583, %broadcast_in_dim3A_585 : vector<16xi1>, vector<16xi32>
      %gather3A_587 = tpu.vector_load_idx %arg14[%select_n3A_586] : memref<2048xf32, #tpu.memory_space<vmem>>[vector<16xi32>], vector<16xf32>,
      %sub3A_588 = arith.subf %gather3A_587, %gather3A_449 : vector<16xf32>
      %gather3A_589 = tpu.vector_load_idx %arg15[%select_n3A_586] : memref<2048xf32, #tpu.memory_space<vmem>>[vector<16xi32>], vector<16xf32>,
      %sub3A_590 = arith.subf %gather3A_589, %gather3A_450 : vector<16xf32>
      %gather3A_591 = tpu.vector_load_idx %arg16[%select_n3A_586] : memref<2048xf32, #tpu.memory_space<vmem>>[vector<16xi32>], vector<16xf32>,
      %sub3A_592 = arith.subf %gather3A_591, %gather3A_451 : vector<16xf32>
      %mul3A_593 = arith.constant 64 : i32
      %mul3A_594 = arith.muli %add3A_446, %mul3A_593 : i32
      %add3A_595 = arith.constant 48 : i32
      %add3A_596 = arith.addi %mul3A_594, %add3A_595 : i32
      %swap3A_597 = arith.index_cast %add3A_596 : i32 to index
      %swap3A_598 = tpu.vector_load %arg22[%swap3A_597] {strides = array<i32>} : memref<4096xf32, #tpu.memory_space<vmem>>, vector<16xf32>,
      tpu.vector_store %arg22[%swap3A_597], %sub3A_588 {strides = array<i32>} : memref<4096xf32, #tpu.memory_space<vmem>>, vector<16xf32>,
      %swap3A_599 = arith.index_cast %add3A_596 : i32 to index
      %swap3A_600 = tpu.vector_load %arg23[%swap3A_599] {strides = array<i32>} : memref<4096xf32, #tpu.memory_space<vmem>>, vector<16xf32>,
      tpu.vector_store %arg23[%swap3A_599], %sub3A_590 {strides = array<i32>} : memref<4096xf32, #tpu.memory_space<vmem>>, vector<16xf32>,
      %swap3A_601 = arith.index_cast %add3A_596 : i32 to index
      %swap3A_602 = tpu.vector_load %arg24[%swap3A_601] {strides = array<i32>} : memref<4096xf32, #tpu.memory_space<vmem>>, vector<16xf32>,
      tpu.vector_store %arg24[%swap3A_601], %sub3A_592 {strides = array<i32>} : memref<4096xf32, #tpu.memory_space<vmem>>, vector<16xf32>,
      %jit3A_603 = arith.constant 1.000000e+00 : f32
      %jit3A_604 = arith.constant 0.000000e+00 : f32
      %broadcast_in_dim3A_605 = vector.broadcast %jit3A_603 : f32 to vector<16xf32>
      %broadcast_in_dim3A_606 = vector.broadcast %jit3A_604 : f32 to vector<16xf32>
      %select_n3A_607 = arith.select %lt3A_581, %broadcast_in_dim3A_605, %broadcast_in_dim3A_606 : vector<16xi1>, vector<16xf32>
      %swap3A_608 = arith.index_cast %add3A_596 : i32 to index
      %swap3A_609 = tpu.vector_load %arg25[%swap3A_608] {strides = array<i32>} : memref<4096xf32, #tpu.memory_space<vmem>>, vector<16xf32>,
      tpu.vector_store %arg25[%swap3A_608], %select_n3A_607 {strides = array<i32>} : memref<4096xf32, #tpu.memory_space<vmem>>, vector<16xf32>,
      %add3A_610 = vector.broadcast %mul3A_18 : i32 to vector<16xi32>
      %add3A_611 = arith.addi %select_n3A_586, %add3A_610 : vector<16xi32>
      %swap3A_612 = arith.constant 2 : i32
      %swap3A_613 = arith.constant 0 : i32
      %swap3A_614 = tpu.memref_slice %arg21[%swap3A_612, %swap3A_613] : memref<4x64xi32, #tpu.memory_space<vmem>> -> memref<1x64xi32, #tpu.memory_space<vmem>>
      %swap3A_615 = tpu.memref_squeeze %swap3A_614 : memref<1x64xi32, #tpu.memory_space<vmem>> -> memref<64xi32, #tpu.memory_space<vmem>>
      %swap3A_616 = arith.constant 48 : index
      %swap3A_617 = tpu.vector_load %swap3A_615[%swap3A_616] {strides = array<i32>} : memref<64xi32, #tpu.memory_space<vmem>>, vector<16xi32>,
      tpu.vector_store %swap3A_615[%swap3A_616], %add3A_611 {strides = array<i32>} : memref<64xi32, #tpu.memory_space<vmem>>, vector<16xi32>,
      %add3A_618 = arith.constant 3 : i32
      %add3A_619 = arith.addi %mul3A_102, %add3A_618 : i32
      %add3A_620 = vector.broadcast %add3A_619 : i32 to vector<16xi32>
      %add3A_621 = arith.addi %broadcast_in_dim3A_23, %add3A_620 : vector<16xi32>
      %gather3A_622 = tpu.vector_load_idx %arg17[%add3A_621] : memref<64xf32, #tpu.memory_space<vmem>>[vector<16xi32>], vector<16xf32>,
      %gather3A_623 = tpu.vector_load_idx %arg18[%add3A_621] : memref<64xf32, #tpu.memory_space<vmem>>[vector<16xi32>], vector<16xf32>,
      %gather3A_624 = tpu.vector_load_idx %arg19[%add3A_621] : memref<64xf32, #tpu.memory_space<vmem>>[vector<16xi32>], vector<16xf32>,
      %scan3A_625 = arith.constant 0 : i32
      %scan3A_626 = arith.constant 32 : i32
      %scan3A_627 = arith.addi %scan3A_625, %scan3A_626 : i32
      %scan3A_628 = arith.constant 1 : i32
      %scan3A_629 = scf.for %scan3A_996 = %scan3A_625 to %scan3A_627 step %scan3A_628 iter_args(%scan3A_997 = %broadcast_in_dim3A_23) -> (vector<16xi32>)  : i32 {
        %mul3A_998 = arith.constant 64 : i32
        %mul3A_999 = arith.muli %scan3A_996, %mul3A_998 : i32
        %add3A_1000 = arith.constant 0 : i32
        %add3A_1001 = arith.addi %mul3A_999, %add3A_1000 : i32
        %get3A_1002 = arith.index_cast %add3A_1001 : i32 to index
        %get3A_1003 = tpu.vector_load %arg14[%get3A_1002] {strides = array<i32>} : memref<2048xf32, #tpu.memory_space<vmem>>, vector<16xf32>,
        %get3A_1004 = arith.index_cast %add3A_1001 : i32 to index
        %get3A_1005 = tpu.vector_load %arg15[%get3A_1004] {strides = array<i32>} : memref<2048xf32, #tpu.memory_space<vmem>>, vector<16xf32>,
        %get3A_1006 = arith.index_cast %add3A_1001 : i32 to index
        %get3A_1007 = tpu.vector_load %arg16[%get3A_1006] {strides = array<i32>} : memref<2048xf32, #tpu.memory_space<vmem>>, vector<16xf32>,
        %sub3A_1008 = arith.subf %get3A_1003, %gather3A_622 : vector<16xf32>
        %sub3A_1009 = arith.subf %get3A_1005, %gather3A_623 : vector<16xf32>
        %sub3A_1010 = arith.subf %get3A_1007, %gather3A_624 : vector<16xf32>
        %mul3A_1011 = arith.mulf %sub3A_1008, %sub3A_1008 : vector<16xf32>
        %mul3A_1012 = arith.mulf %sub3A_1009, %sub3A_1009 : vector<16xf32>
        %add3A_1013 = arith.addf %mul3A_1011, %mul3A_1012 : vector<16xf32>
        %mul3A_1014 = arith.mulf %sub3A_1010, %sub3A_1010 : vector<16xf32>
        %add3A_1015 = arith.addf %add3A_1013, %mul3A_1014 : vector<16xf32>
        %le3A = arith.constant 0.160000011 : f32
        %le3A_1016 = vector.broadcast %le3A : f32 to vector<16xf32>
        %le3A_1017 = arith.cmpf ole, %add3A_1015, %le3A_1016 : vector<16xf32>
        %mul3A_1018 = arith.constant 64 : i32
        %mul3A_1019 = arith.muli %scan3A_996, %mul3A_1018 : i32
        %add3A_1020 = arith.constant 16 : i32
        %add3A_1021 = arith.addi %mul3A_1019, %add3A_1020 : i32
        %get3A_1022 = arith.index_cast %add3A_1021 : i32 to index
        %get3A_1023 = tpu.vector_load %arg14[%get3A_1022] {strides = array<i32>} : memref<2048xf32, #tpu.memory_space<vmem>>, vector<16xf32>,
        %get3A_1024 = arith.index_cast %add3A_1021 : i32 to index
        %get3A_1025 = tpu.vector_load %arg15[%get3A_1024] {strides = array<i32>} : memref<2048xf32, #tpu.memory_space<vmem>>, vector<16xf32>,
        %get3A_1026 = arith.index_cast %add3A_1021 : i32 to index
        %get3A_1027 = tpu.vector_load %arg16[%get3A_1026] {strides = array<i32>} : memref<2048xf32, #tpu.memory_space<vmem>>, vector<16xf32>,
        %sub3A_1028 = arith.subf %get3A_1023, %gather3A_622 : vector<16xf32>
        %sub3A_1029 = arith.subf %get3A_1025, %gather3A_623 : vector<16xf32>
        %sub3A_1030 = arith.subf %get3A_1027, %gather3A_624 : vector<16xf32>
        %mul3A_1031 = arith.mulf %sub3A_1028, %sub3A_1028 : vector<16xf32>
        %mul3A_1032 = arith.mulf %sub3A_1029, %sub3A_1029 : vector<16xf32>
        %add3A_1033 = arith.addf %mul3A_1031, %mul3A_1032 : vector<16xf32>
        %mul3A_1034 = arith.mulf %sub3A_1030, %sub3A_1030 : vector<16xf32>
        %add3A_1035 = arith.addf %add3A_1033, %mul3A_1034 : vector<16xf32>
        %le3A_1036 = arith.constant 0.160000011 : f32
        %le3A_1037 = vector.broadcast %le3A_1036 : f32 to vector<16xf32>
        %le3A_1038 = arith.cmpf ole, %add3A_1035, %le3A_1037 : vector<16xf32>
        %mul3A_1039 = arith.constant 64 : i32
        %mul3A_1040 = arith.muli %scan3A_996, %mul3A_1039 : i32
        %add3A_1041 = arith.constant 32 : i32
        %add3A_1042 = arith.addi %mul3A_1040, %add3A_1041 : i32
        %get3A_1043 = arith.index_cast %add3A_1042 : i32 to index
        %get3A_1044 = tpu.vector_load %arg14[%get3A_1043] {strides = array<i32>} : memref<2048xf32, #tpu.memory_space<vmem>>, vector<16xf32>,
        %get3A_1045 = arith.index_cast %add3A_1042 : i32 to index
        %get3A_1046 = tpu.vector_load %arg15[%get3A_1045] {strides = array<i32>} : memref<2048xf32, #tpu.memory_space<vmem>>, vector<16xf32>,
        %get3A_1047 = arith.index_cast %add3A_1042 : i32 to index
        %get3A_1048 = tpu.vector_load %arg16[%get3A_1047] {strides = array<i32>} : memref<2048xf32, #tpu.memory_space<vmem>>, vector<16xf32>,
        %sub3A_1049 = arith.subf %get3A_1044, %gather3A_622 : vector<16xf32>
        %sub3A_1050 = arith.subf %get3A_1046, %gather3A_623 : vector<16xf32>
        %sub3A_1051 = arith.subf %get3A_1048, %gather3A_624 : vector<16xf32>
        %mul3A_1052 = arith.mulf %sub3A_1049, %sub3A_1049 : vector<16xf32>
        %mul3A_1053 = arith.mulf %sub3A_1050, %sub3A_1050 : vector<16xf32>
        %add3A_1054 = arith.addf %mul3A_1052, %mul3A_1053 : vector<16xf32>
        %mul3A_1055 = arith.mulf %sub3A_1051, %sub3A_1051 : vector<16xf32>
        %add3A_1056 = arith.addf %add3A_1054, %mul3A_1055 : vector<16xf32>
        %le3A_1057 = arith.constant 0.160000011 : f32
        %le3A_1058 = vector.broadcast %le3A_1057 : f32 to vector<16xf32>
        %le3A_1059 = arith.cmpf ole, %add3A_1056, %le3A_1058 : vector<16xf32>
        %mul3A_1060 = arith.constant 64 : i32
        %mul3A_1061 = arith.muli %scan3A_996, %mul3A_1060 : i32
        %add3A_1062 = arith.constant 48 : i32
        %add3A_1063 = arith.addi %mul3A_1061, %add3A_1062 : i32
        %get3A_1064 = arith.index_cast %add3A_1063 : i32 to index
        %get3A_1065 = tpu.vector_load %arg14[%get3A_1064] {strides = array<i32>} : memref<2048xf32, #tpu.memory_space<vmem>>, vector<16xf32>,
        %get3A_1066 = arith.index_cast %add3A_1063 : i32 to index
        %get3A_1067 = tpu.vector_load %arg15[%get3A_1066] {strides = array<i32>} : memref<2048xf32, #tpu.memory_space<vmem>>, vector<16xf32>,
        %get3A_1068 = arith.index_cast %add3A_1063 : i32 to index
        %get3A_1069 = tpu.vector_load %arg16[%get3A_1068] {strides = array<i32>} : memref<2048xf32, #tpu.memory_space<vmem>>, vector<16xf32>,
        %sub3A_1070 = arith.subf %get3A_1065, %gather3A_622 : vector<16xf32>
        %sub3A_1071 = arith.subf %get3A_1067, %gather3A_623 : vector<16xf32>
        %sub3A_1072 = arith.subf %get3A_1069, %gather3A_624 : vector<16xf32>
        %mul3A_1073 = arith.mulf %sub3A_1070, %sub3A_1070 : vector<16xf32>
        %mul3A_1074 = arith.mulf %sub3A_1071, %sub3A_1071 : vector<16xf32>
        %add3A_1075 = arith.addf %mul3A_1073, %mul3A_1074 : vector<16xf32>
        %mul3A_1076 = arith.mulf %sub3A_1072, %sub3A_1072 : vector<16xf32>
        %add3A_1077 = arith.addf %add3A_1075, %mul3A_1076 : vector<16xf32>
        %le3A_1078 = arith.constant 0.160000011 : f32
        %le3A_1079 = vector.broadcast %le3A_1078 : f32 to vector<16xf32>
        %le3A_1080 = arith.cmpf ole, %add3A_1077, %le3A_1079 : vector<16xf32>
        %jit3A_1081 = arith.constant 1 : i32
        %jit3A_1082 = arith.constant 0 : i32
        %broadcast_in_dim3A_1083 = vector.broadcast %jit3A_1081 : i32 to vector<16xi32>
        %broadcast_in_dim3A_1084 = vector.broadcast %jit3A_1082 : i32 to vector<16xi32>
        %select_n3A_1085 = arith.select %le3A_1017, %broadcast_in_dim3A_1083, %broadcast_in_dim3A_1084 : vector<16xi1>, vector<16xi32>
        %broadcast_in_dim3A_1086 = arith.constant true
        %broadcast_in_dim3A_1087 = vector.broadcast %broadcast_in_dim3A_1086 : i1 to vector<16xi1>
        %masked_cumsum3A = tpu.scan <sum>, %select_n3A_1085 masked %broadcast_in_dim3A_1087 : vector<16xi32>, vector<16xi1> -> vector<16xi32>
        %mul3A_1088 = arith.constant 64 : i32
        %mul3A_1089 = arith.muli %scan3A_996, %mul3A_1088 : i32
        %add3A_1090 = arith.constant 0 : i32
        %add3A_1091 = arith.addi %mul3A_1089, %add3A_1090 : i32
        %add3A_1092 = vector.broadcast %add3A_1091 : i32 to vector<16xi32>
        %add3A_1093 = arith.addi %iota3A, %add3A_1092 : vector<16xi32>
        %add3A_1094 = arith.addi %scan3A_997, %masked_cumsum3A : vector<16xi32>
        %sub3A_1095 = arith.constant 1 : i32
        %sub3A_1096 = vector.broadcast %sub3A_1095 : i32 to vector<16xi32>
        %sub3A_1097 = arith.subi %add3A_1094, %sub3A_1096 : vector<16xi32>
        tpu.vector_store_idx %arg20[%sub3A_1097], %add3A_1093 masked %le3A_1017 : memref<80xi32, #tpu.memory_space<vmem>>[vector<16xi32>], vector<16xi32>, vector<16xi1>
        %all_reduce_population_count3A = tpu.all_reduce %le3A_1017 {dim = 0 : i64, kind = #tpu.reduction_kind<sum>} : vector<16xi1> -> vector<16xi32>
        %add3A_1098 = arith.addi %scan3A_997, %all_reduce_population_count3A : vector<16xi32>
        %min3A = arith.constant 64 : i32
        %min3A_1099 = vector.broadcast %min3A : i32 to vector<16xi32>
        %min3A_1100 = arith.minsi %add3A_1098, %min3A_1099 : vector<16xi32>
        %jit3A_1101 = arith.constant 1 : i32
        %jit3A_1102 = arith.constant 0 : i32
        %broadcast_in_dim3A_1103 = vector.broadcast %jit3A_1101 : i32 to vector<16xi32>
        %broadcast_in_dim3A_1104 = vector.broadcast %jit3A_1102 : i32 to vector<16xi32>
        %select_n3A_1105 = arith.select %le3A_1038, %broadcast_in_dim3A_1103, %broadcast_in_dim3A_1104 : vector<16xi1>, vector<16xi32>
        %broadcast_in_dim3A_1106 = arith.constant true
        %broadcast_in_dim3A_1107 = vector.broadcast %broadcast_in_dim3A_1106 : i1 to vector<16xi1>
        %masked_cumsum3A_1108 = tpu.scan <sum>, %select_n3A_1105 masked %broadcast_in_dim3A_1107 : vector<16xi32>, vector<16xi1> -> vector<16xi32>
        %mul3A_1109 = arith.constant 64 : i32
        %mul3A_1110 = arith.muli %scan3A_996, %mul3A_1109 : i32
        %add3A_1111 = arith.constant 16 : i32
        %add3A_1112 = arith.addi %mul3A_1110, %add3A_1111 : i32
        %add3A_1113 = vector.broadcast %add3A_1112 : i32 to vector<16xi32>
        %add3A_1114 = arith.addi %iota3A, %add3A_1113 : vector<16xi32>
        %add3A_1115 = arith.addi %min3A_1100, %masked_cumsum3A_1108 : vector<16xi32>
        %sub3A_1116 = arith.constant 1 : i32
        %sub3A_1117 = vector.broadcast %sub3A_1116 : i32 to vector<16xi32>
        %sub3A_1118 = arith.subi %add3A_1115, %sub3A_1117 : vector<16xi32>
        tpu.vector_store_idx %arg20[%sub3A_1118], %add3A_1114 masked %le3A_1038 : memref<80xi32, #tpu.memory_space<vmem>>[vector<16xi32>], vector<16xi32>, vector<16xi1>
        %all_reduce_population_count3A_1119 = tpu.all_reduce %le3A_1038 {dim = 0 : i64, kind = #tpu.reduction_kind<sum>} : vector<16xi1> -> vector<16xi32>
        %add3A_1120 = arith.addi %min3A_1100, %all_reduce_population_count3A_1119 : vector<16xi32>
        %min3A_1121 = arith.constant 64 : i32
        %min3A_1122 = vector.broadcast %min3A_1121 : i32 to vector<16xi32>
        %min3A_1123 = arith.minsi %add3A_1120, %min3A_1122 : vector<16xi32>
        %jit3A_1124 = arith.constant 1 : i32
        %jit3A_1125 = arith.constant 0 : i32
        %broadcast_in_dim3A_1126 = vector.broadcast %jit3A_1124 : i32 to vector<16xi32>
        %broadcast_in_dim3A_1127 = vector.broadcast %jit3A_1125 : i32 to vector<16xi32>
        %select_n3A_1128 = arith.select %le3A_1059, %broadcast_in_dim3A_1126, %broadcast_in_dim3A_1127 : vector<16xi1>, vector<16xi32>
        %broadcast_in_dim3A_1129 = arith.constant true
        %broadcast_in_dim3A_1130 = vector.broadcast %broadcast_in_dim3A_1129 : i1 to vector<16xi1>
        %masked_cumsum3A_1131 = tpu.scan <sum>, %select_n3A_1128 masked %broadcast_in_dim3A_1130 : vector<16xi32>, vector<16xi1> -> vector<16xi32>
        %mul3A_1132 = arith.constant 64 : i32
        %mul3A_1133 = arith.muli %scan3A_996, %mul3A_1132 : i32
        %add3A_1134 = arith.constant 32 : i32
        %add3A_1135 = arith.addi %mul3A_1133, %add3A_1134 : i32
        %add3A_1136 = vector.broadcast %add3A_1135 : i32 to vector<16xi32>
        %add3A_1137 = arith.addi %iota3A, %add3A_1136 : vector<16xi32>
        %add3A_1138 = arith.addi %min3A_1123, %masked_cumsum3A_1131 : vector<16xi32>
        %sub3A_1139 = arith.constant 1 : i32
        %sub3A_1140 = vector.broadcast %sub3A_1139 : i32 to vector<16xi32>
        %sub3A_1141 = arith.subi %add3A_1138, %sub3A_1140 : vector<16xi32>
        tpu.vector_store_idx %arg20[%sub3A_1141], %add3A_1137 masked %le3A_1059 : memref<80xi32, #tpu.memory_space<vmem>>[vector<16xi32>], vector<16xi32>, vector<16xi1>
        %all_reduce_population_count3A_1142 = tpu.all_reduce %le3A_1059 {dim = 0 : i64, kind = #tpu.reduction_kind<sum>} : vector<16xi1> -> vector<16xi32>
        %add3A_1143 = arith.addi %min3A_1123, %all_reduce_population_count3A_1142 : vector<16xi32>
        %min3A_1144 = arith.constant 64 : i32
        %min3A_1145 = vector.broadcast %min3A_1144 : i32 to vector<16xi32>
        %min3A_1146 = arith.minsi %add3A_1143, %min3A_1145 : vector<16xi32>
        %jit3A_1147 = arith.constant 1 : i32
        %jit3A_1148 = arith.constant 0 : i32
        %broadcast_in_dim3A_1149 = vector.broadcast %jit3A_1147 : i32 to vector<16xi32>
        %broadcast_in_dim3A_1150 = vector.broadcast %jit3A_1148 : i32 to vector<16xi32>
        %select_n3A_1151 = arith.select %le3A_1080, %broadcast_in_dim3A_1149, %broadcast_in_dim3A_1150 : vector<16xi1>, vector<16xi32>
        %broadcast_in_dim3A_1152 = arith.constant true
        %broadcast_in_dim3A_1153 = vector.broadcast %broadcast_in_dim3A_1152 : i1 to vector<16xi1>
        %masked_cumsum3A_1154 = tpu.scan <sum>, %select_n3A_1151 masked %broadcast_in_dim3A_1153 : vector<16xi32>, vector<16xi1> -> vector<16xi32>
        %mul3A_1155 = arith.constant 64 : i32
        %mul3A_1156 = arith.muli %scan3A_996, %mul3A_1155 : i32
        %add3A_1157 = arith.constant 48 : i32
        %add3A_1158 = arith.addi %mul3A_1156, %add3A_1157 : i32
        %add3A_1159 = vector.broadcast %add3A_1158 : i32 to vector<16xi32>
        %add3A_1160 = arith.addi %iota3A, %add3A_1159 : vector<16xi32>
        %add3A_1161 = arith.addi %min3A_1146, %masked_cumsum3A_1154 : vector<16xi32>
        %sub3A_1162 = arith.constant 1 : i32
        %sub3A_1163 = vector.broadcast %sub3A_1162 : i32 to vector<16xi32>
        %sub3A_1164 = arith.subi %add3A_1161, %sub3A_1163 : vector<16xi32>
        tpu.vector_store_idx %arg20[%sub3A_1164], %add3A_1160 masked %le3A_1080 : memref<80xi32, #tpu.memory_space<vmem>>[vector<16xi32>], vector<16xi32>, vector<16xi1>
        %all_reduce_population_count3A_1165 = tpu.all_reduce %le3A_1080 {dim = 0 : i64, kind = #tpu.reduction_kind<sum>} : vector<16xi1> -> vector<16xi32>
        %add3A_1166 = arith.addi %min3A_1146, %all_reduce_population_count3A_1165 : vector<16xi32>
        %min3A_1167 = arith.constant 64 : i32
        %min3A_1168 = vector.broadcast %min3A_1167 : i32 to vector<16xi32>
        %min3A_1169 = arith.minsi %add3A_1166, %min3A_1168 : vector<16xi32>
        scf.yield %min3A_1169 : vector<16xi32>
      }
      %scan3A_630 = arith.constant 32 : i32
      %add3A_631 = arith.constant 0 : i32
      %add3A_632 = vector.broadcast %add3A_631 : i32 to vector<16xi32>
      %add3A_633 = arith.addi %iota3A, %add3A_632 : vector<16xi32>
      %lt3A_634 = arith.cmpi slt, %add3A_633, %scan3A_629 : vector<16xi32>
      %get3A_635 = arith.constant 0 : index
      %get3A_636 = tpu.vector_load %arg20[%get3A_635] {strides = array<i32>} : memref<80xi32, #tpu.memory_space<vmem>>, vector<16xi32>,
      %jit3A_637 = arith.constant 0 : i32
      %broadcast_in_dim3A_638 = vector.broadcast %jit3A_637 : i32 to vector<16xi32>
      %select_n3A_639 = arith.select %lt3A_634, %get3A_636, %broadcast_in_dim3A_638 : vector<16xi1>, vector<16xi32>
      %gather3A_640 = tpu.vector_load_idx %arg14[%select_n3A_639] : memref<2048xf32, #tpu.memory_space<vmem>>[vector<16xi32>], vector<16xf32>,
      %sub3A_641 = arith.subf %gather3A_640, %gather3A_622 : vector<16xf32>
      %gather3A_642 = tpu.vector_load_idx %arg15[%select_n3A_639] : memref<2048xf32, #tpu.memory_space<vmem>>[vector<16xi32>], vector<16xf32>,
      %sub3A_643 = arith.subf %gather3A_642, %gather3A_623 : vector<16xf32>
      %gather3A_644 = tpu.vector_load_idx %arg16[%select_n3A_639] : memref<2048xf32, #tpu.memory_space<vmem>>[vector<16xi32>], vector<16xf32>,
      %sub3A_645 = arith.subf %gather3A_644, %gather3A_624 : vector<16xf32>
      %mul3A_646 = arith.constant 64 : i32
      %mul3A_647 = arith.muli %add3A_619, %mul3A_646 : i32
      %add3A_648 = arith.constant 0 : i32
      %add3A_649 = arith.addi %mul3A_647, %add3A_648 : i32
      %swap3A_650 = arith.index_cast %add3A_649 : i32 to index
      %swap3A_651 = tpu.vector_load %arg22[%swap3A_650] {strides = array<i32>} : memref<4096xf32, #tpu.memory_space<vmem>>, vector<16xf32>,
      tpu.vector_store %arg22[%swap3A_650], %sub3A_641 {strides = array<i32>} : memref<4096xf32, #tpu.memory_space<vmem>>, vector<16xf32>,
      %swap3A_652 = arith.index_cast %add3A_649 : i32 to index
      %swap3A_653 = tpu.vector_load %arg23[%swap3A_652] {strides = array<i32>} : memref<4096xf32, #tpu.memory_space<vmem>>, vector<16xf32>,
      tpu.vector_store %arg23[%swap3A_652], %sub3A_643 {strides = array<i32>} : memref<4096xf32, #tpu.memory_space<vmem>>, vector<16xf32>,
      %swap3A_654 = arith.index_cast %add3A_649 : i32 to index
      %swap3A_655 = tpu.vector_load %arg24[%swap3A_654] {strides = array<i32>} : memref<4096xf32, #tpu.memory_space<vmem>>, vector<16xf32>,
      tpu.vector_store %arg24[%swap3A_654], %sub3A_645 {strides = array<i32>} : memref<4096xf32, #tpu.memory_space<vmem>>, vector<16xf32>,
      %jit3A_656 = arith.constant 1.000000e+00 : f32
      %jit3A_657 = arith.constant 0.000000e+00 : f32
      %broadcast_in_dim3A_658 = vector.broadcast %jit3A_656 : f32 to vector<16xf32>
      %broadcast_in_dim3A_659 = vector.broadcast %jit3A_657 : f32 to vector<16xf32>
      %select_n3A_660 = arith.select %lt3A_634, %broadcast_in_dim3A_658, %broadcast_in_dim3A_659 : vector<16xi1>, vector<16xf32>
      %swap3A_661 = arith.index_cast %add3A_649 : i32 to index
      %swap3A_662 = tpu.vector_load %arg25[%swap3A_661] {strides = array<i32>} : memref<4096xf32, #tpu.memory_space<vmem>>, vector<16xf32>,
      tpu.vector_store %arg25[%swap3A_661], %select_n3A_660 {strides = array<i32>} : memref<4096xf32, #tpu.memory_space<vmem>>, vector<16xf32>,
      %add3A_663 = vector.broadcast %mul3A_18 : i32 to vector<16xi32>
      %add3A_664 = arith.addi %select_n3A_639, %add3A_663 : vector<16xi32>
      %swap3A_665 = arith.constant 3 : i32
      %swap3A_666 = arith.constant 0 : i32
      %swap3A_667 = tpu.memref_slice %arg21[%swap3A_665, %swap3A_666] : memref<4x64xi32, #tpu.memory_space<vmem>> -> memref<1x64xi32, #tpu.memory_space<vmem>>
      %swap3A_668 = tpu.memref_squeeze %swap3A_667 : memref<1x64xi32, #tpu.memory_space<vmem>> -> memref<64xi32, #tpu.memory_space<vmem>>
      %swap3A_669 = arith.constant 0 : index
      %swap3A_670 = tpu.vector_load %swap3A_668[%swap3A_669] {strides = array<i32>} : memref<64xi32, #tpu.memory_space<vmem>>, vector<16xi32>,
      tpu.vector_store %swap3A_668[%swap3A_669], %add3A_664 {strides = array<i32>} : memref<64xi32, #tpu.memory_space<vmem>>, vector<16xi32>,
      %add3A_671 = arith.constant 16 : i32
      %add3A_672 = vector.broadcast %add3A_671 : i32 to vector<16xi32>
      %add3A_673 = arith.addi %iota3A, %add3A_672 : vector<16xi32>
      %lt3A_674 = arith.cmpi slt, %add3A_673, %scan3A_629 : vector<16xi32>
      %get3A_675 = arith.constant 16 : index
      %get3A_676 = tpu.vector_load %arg20[%get3A_675] {strides = array<i32>} : memref<80xi32, #tpu.memory_space<vmem>>, vector<16xi32>,
      %jit3A_677 = arith.constant 0 : i32
      %broadcast_in_dim3A_678 = vector.broadcast %jit3A_677 : i32 to vector<16xi32>
      %select_n3A_679 = arith.select %lt3A_674, %get3A_676, %broadcast_in_dim3A_678 : vector<16xi1>, vector<16xi32>
      %gather3A_680 = tpu.vector_load_idx %arg14[%select_n3A_679] : memref<2048xf32, #tpu.memory_space<vmem>>[vector<16xi32>], vector<16xf32>,
      %sub3A_681 = arith.subf %gather3A_680, %gather3A_622 : vector<16xf32>
      %gather3A_682 = tpu.vector_load_idx %arg15[%select_n3A_679] : memref<2048xf32, #tpu.memory_space<vmem>>[vector<16xi32>], vector<16xf32>,
      %sub3A_683 = arith.subf %gather3A_682, %gather3A_623 : vector<16xf32>
      %gather3A_684 = tpu.vector_load_idx %arg16[%select_n3A_679] : memref<2048xf32, #tpu.memory_space<vmem>>[vector<16xi32>], vector<16xf32>,
      %sub3A_685 = arith.subf %gather3A_684, %gather3A_624 : vector<16xf32>
      %mul3A_686 = arith.constant 64 : i32
      %mul3A_687 = arith.muli %add3A_619, %mul3A_686 : i32
      %add3A_688 = arith.constant 16 : i32
      %add3A_689 = arith.addi %mul3A_687, %add3A_688 : i32
      %swap3A_690 = arith.index_cast %add3A_689 : i32 to index
      %swap3A_691 = tpu.vector_load %arg22[%swap3A_690] {strides = array<i32>} : memref<4096xf32, #tpu.memory_space<vmem>>, vector<16xf32>,
      tpu.vector_store %arg22[%swap3A_690], %sub3A_681 {strides = array<i32>} : memref<4096xf32, #tpu.memory_space<vmem>>, vector<16xf32>,
      %swap3A_692 = arith.index_cast %add3A_689 : i32 to index
      %swap3A_693 = tpu.vector_load %arg23[%swap3A_692] {strides = array<i32>} : memref<4096xf32, #tpu.memory_space<vmem>>, vector<16xf32>,
      tpu.vector_store %arg23[%swap3A_692], %sub3A_683 {strides = array<i32>} : memref<4096xf32, #tpu.memory_space<vmem>>, vector<16xf32>,
      %swap3A_694 = arith.index_cast %add3A_689 : i32 to index
      %swap3A_695 = tpu.vector_load %arg24[%swap3A_694] {strides = array<i32>} : memref<4096xf32, #tpu.memory_space<vmem>>, vector<16xf32>,
      tpu.vector_store %arg24[%swap3A_694], %sub3A_685 {strides = array<i32>} : memref<4096xf32, #tpu.memory_space<vmem>>, vector<16xf32>,
      %jit3A_696 = arith.constant 1.000000e+00 : f32
      %jit3A_697 = arith.constant 0.000000e+00 : f32
      %broadcast_in_dim3A_698 = vector.broadcast %jit3A_696 : f32 to vector<16xf32>
      %broadcast_in_dim3A_699 = vector.broadcast %jit3A_697 : f32 to vector<16xf32>
      %select_n3A_700 = arith.select %lt3A_674, %broadcast_in_dim3A_698, %broadcast_in_dim3A_699 : vector<16xi1>, vector<16xf32>
      %swap3A_701 = arith.index_cast %add3A_689 : i32 to index
      %swap3A_702 = tpu.vector_load %arg25[%swap3A_701] {strides = array<i32>} : memref<4096xf32, #tpu.memory_space<vmem>>, vector<16xf32>,
      tpu.vector_store %arg25[%swap3A_701], %select_n3A_700 {strides = array<i32>} : memref<4096xf32, #tpu.memory_space<vmem>>, vector<16xf32>,
      %add3A_703 = vector.broadcast %mul3A_18 : i32 to vector<16xi32>
      %add3A_704 = arith.addi %select_n3A_679, %add3A_703 : vector<16xi32>
      %swap3A_705 = arith.constant 3 : i32
      %swap3A_706 = arith.constant 0 : i32
      %swap3A_707 = tpu.memref_slice %arg21[%swap3A_705, %swap3A_706] : memref<4x64xi32, #tpu.memory_space<vmem>> -> memref<1x64xi32, #tpu.memory_space<vmem>>
      %swap3A_708 = tpu.memref_squeeze %swap3A_707 : memref<1x64xi32, #tpu.memory_space<vmem>> -> memref<64xi32, #tpu.memory_space<vmem>>
      %swap3A_709 = arith.constant 16 : index
      %swap3A_710 = tpu.vector_load %swap3A_708[%swap3A_709] {strides = array<i32>} : memref<64xi32, #tpu.memory_space<vmem>>, vector<16xi32>,
      tpu.vector_store %swap3A_708[%swap3A_709], %add3A_704 {strides = array<i32>} : memref<64xi32, #tpu.memory_space<vmem>>, vector<16xi32>,
      %add3A_711 = arith.constant 32 : i32
      %add3A_712 = vector.broadcast %add3A_711 : i32 to vector<16xi32>
      %add3A_713 = arith.addi %iota3A, %add3A_712 : vector<16xi32>
      %lt3A_714 = arith.cmpi slt, %add3A_713, %scan3A_629 : vector<16xi32>
      %get3A_715 = arith.constant 32 : index
      %get3A_716 = tpu.vector_load %arg20[%get3A_715] {strides = array<i32>} : memref<80xi32, #tpu.memory_space<vmem>>, vector<16xi32>,
      %jit3A_717 = arith.constant 0 : i32
      %broadcast_in_dim3A_718 = vector.broadcast %jit3A_717 : i32 to vector<16xi32>
      %select_n3A_719 = arith.select %lt3A_714, %get3A_716, %broadcast_in_dim3A_718 : vector<16xi1>, vector<16xi32>
      %gather3A_720 = tpu.vector_load_idx %arg14[%select_n3A_719] : memref<2048xf32, #tpu.memory_space<vmem>>[vector<16xi32>], vector<16xf32>,
      %sub3A_721 = arith.subf %gather3A_720, %gather3A_622 : vector<16xf32>
      %gather3A_722 = tpu.vector_load_idx %arg15[%select_n3A_719] : memref<2048xf32, #tpu.memory_space<vmem>>[vector<16xi32>], vector<16xf32>,
      %sub3A_723 = arith.subf %gather3A_722, %gather3A_623 : vector<16xf32>
      %gather3A_724 = tpu.vector_load_idx %arg16[%select_n3A_719] : memref<2048xf32, #tpu.memory_space<vmem>>[vector<16xi32>], vector<16xf32>,
      %sub3A_725 = arith.subf %gather3A_724, %gather3A_624 : vector<16xf32>
      %mul3A_726 = arith.constant 64 : i32
      %mul3A_727 = arith.muli %add3A_619, %mul3A_726 : i32
      %add3A_728 = arith.constant 32 : i32
      %add3A_729 = arith.addi %mul3A_727, %add3A_728 : i32
      %swap3A_730 = arith.index_cast %add3A_729 : i32 to index
      %swap3A_731 = tpu.vector_load %arg22[%swap3A_730] {strides = array<i32>} : memref<4096xf32, #tpu.memory_space<vmem>>, vector<16xf32>,
      tpu.vector_store %arg22[%swap3A_730], %sub3A_721 {strides = array<i32>} : memref<4096xf32, #tpu.memory_space<vmem>>, vector<16xf32>,
      %swap3A_732 = arith.index_cast %add3A_729 : i32 to index
      %swap3A_733 = tpu.vector_load %arg23[%swap3A_732] {strides = array<i32>} : memref<4096xf32, #tpu.memory_space<vmem>>, vector<16xf32>,
      tpu.vector_store %arg23[%swap3A_732], %sub3A_723 {strides = array<i32>} : memref<4096xf32, #tpu.memory_space<vmem>>, vector<16xf32>,
      %swap3A_734 = arith.index_cast %add3A_729 : i32 to index
      %swap3A_735 = tpu.vector_load %arg24[%swap3A_734] {strides = array<i32>} : memref<4096xf32, #tpu.memory_space<vmem>>, vector<16xf32>,
      tpu.vector_store %arg24[%swap3A_734], %sub3A_725 {strides = array<i32>} : memref<4096xf32, #tpu.memory_space<vmem>>, vector<16xf32>,
      %jit3A_736 = arith.constant 1.000000e+00 : f32
      %jit3A_737 = arith.constant 0.000000e+00 : f32
      %broadcast_in_dim3A_738 = vector.broadcast %jit3A_736 : f32 to vector<16xf32>
      %broadcast_in_dim3A_739 = vector.broadcast %jit3A_737 : f32 to vector<16xf32>
      %select_n3A_740 = arith.select %lt3A_714, %broadcast_in_dim3A_738, %broadcast_in_dim3A_739 : vector<16xi1>, vector<16xf32>
      %swap3A_741 = arith.index_cast %add3A_729 : i32 to index
      %swap3A_742 = tpu.vector_load %arg25[%swap3A_741] {strides = array<i32>} : memref<4096xf32, #tpu.memory_space<vmem>>, vector<16xf32>,
      tpu.vector_store %arg25[%swap3A_741], %select_n3A_740 {strides = array<i32>} : memref<4096xf32, #tpu.memory_space<vmem>>, vector<16xf32>,
      %add3A_743 = vector.broadcast %mul3A_18 : i32 to vector<16xi32>
      %add3A_744 = arith.addi %select_n3A_719, %add3A_743 : vector<16xi32>
      %swap3A_745 = arith.constant 3 : i32
      %swap3A_746 = arith.constant 0 : i32
      %swap3A_747 = tpu.memref_slice %arg21[%swap3A_745, %swap3A_746] : memref<4x64xi32, #tpu.memory_space<vmem>> -> memref<1x64xi32, #tpu.memory_space<vmem>>
      %swap3A_748 = tpu.memref_squeeze %swap3A_747 : memref<1x64xi32, #tpu.memory_space<vmem>> -> memref<64xi32, #tpu.memory_space<vmem>>
      %swap3A_749 = arith.constant 32 : index
      %swap3A_750 = tpu.vector_load %swap3A_748[%swap3A_749] {strides = array<i32>} : memref<64xi32, #tpu.memory_space<vmem>>, vector<16xi32>,
      tpu.vector_store %swap3A_748[%swap3A_749], %add3A_744 {strides = array<i32>} : memref<64xi32, #tpu.memory_space<vmem>>, vector<16xi32>,
      %add3A_751 = arith.constant 48 : i32
      %add3A_752 = vector.broadcast %add3A_751 : i32 to vector<16xi32>
      %add3A_753 = arith.addi %iota3A, %add3A_752 : vector<16xi32>
      %lt3A_754 = arith.cmpi slt, %add3A_753, %scan3A_629 : vector<16xi32>
      %get3A_755 = arith.constant 48 : index
      %get3A_756 = tpu.vector_load %arg20[%get3A_755] {strides = array<i32>} : memref<80xi32, #tpu.memory_space<vmem>>, vector<16xi32>,
      %jit3A_757 = arith.constant 0 : i32
      %broadcast_in_dim3A_758 = vector.broadcast %jit3A_757 : i32 to vector<16xi32>
      %select_n3A_759 = arith.select %lt3A_754, %get3A_756, %broadcast_in_dim3A_758 : vector<16xi1>, vector<16xi32>
      %gather3A_760 = tpu.vector_load_idx %arg14[%select_n3A_759] : memref<2048xf32, #tpu.memory_space<vmem>>[vector<16xi32>], vector<16xf32>,
      %sub3A_761 = arith.subf %gather3A_760, %gather3A_622 : vector<16xf32>
      %gather3A_762 = tpu.vector_load_idx %arg15[%select_n3A_759] : memref<2048xf32, #tpu.memory_space<vmem>>[vector<16xi32>], vector<16xf32>,
      %sub3A_763 = arith.subf %gather3A_762, %gather3A_623 : vector<16xf32>
      %gather3A_764 = tpu.vector_load_idx %arg16[%select_n3A_759] : memref<2048xf32, #tpu.memory_space<vmem>>[vector<16xi32>], vector<16xf32>,
      %sub3A_765 = arith.subf %gather3A_764, %gather3A_624 : vector<16xf32>
      %mul3A_766 = arith.constant 64 : i32
      %mul3A_767 = arith.muli %add3A_619, %mul3A_766 : i32
      %add3A_768 = arith.constant 48 : i32
      %add3A_769 = arith.addi %mul3A_767, %add3A_768 : i32
      %swap3A_770 = arith.index_cast %add3A_769 : i32 to index
      %swap3A_771 = tpu.vector_load %arg22[%swap3A_770] {strides = array<i32>} : memref<4096xf32, #tpu.memory_space<vmem>>, vector<16xf32>,
      tpu.vector_store %arg22[%swap3A_770], %sub3A_761 {strides = array<i32>} : memref<4096xf32, #tpu.memory_space<vmem>>, vector<16xf32>,
      %swap3A_772 = arith.index_cast %add3A_769 : i32 to index
      %swap3A_773 = tpu.vector_load %arg23[%swap3A_772] {strides = array<i32>} : memref<4096xf32, #tpu.memory_space<vmem>>, vector<16xf32>,
      tpu.vector_store %arg23[%swap3A_772], %sub3A_763 {strides = array<i32>} : memref<4096xf32, #tpu.memory_space<vmem>>, vector<16xf32>,
      %swap3A_774 = arith.index_cast %add3A_769 : i32 to index
      %swap3A_775 = tpu.vector_load %arg24[%swap3A_774] {strides = array<i32>} : memref<4096xf32, #tpu.memory_space<vmem>>, vector<16xf32>,
      tpu.vector_store %arg24[%swap3A_774], %sub3A_765 {strides = array<i32>} : memref<4096xf32, #tpu.memory_space<vmem>>, vector<16xf32>,
      %jit3A_776 = arith.constant 1.000000e+00 : f32
      %jit3A_777 = arith.constant 0.000000e+00 : f32
      %broadcast_in_dim3A_778 = vector.broadcast %jit3A_776 : f32 to vector<16xf32>
      %broadcast_in_dim3A_779 = vector.broadcast %jit3A_777 : f32 to vector<16xf32>
      %select_n3A_780 = arith.select %lt3A_754, %broadcast_in_dim3A_778, %broadcast_in_dim3A_779 : vector<16xi1>, vector<16xf32>
      %swap3A_781 = arith.index_cast %add3A_769 : i32 to index
      %swap3A_782 = tpu.vector_load %arg25[%swap3A_781] {strides = array<i32>} : memref<4096xf32, #tpu.memory_space<vmem>>, vector<16xf32>,
      tpu.vector_store %arg25[%swap3A_781], %select_n3A_780 {strides = array<i32>} : memref<4096xf32, #tpu.memory_space<vmem>>, vector<16xf32>,
      %add3A_783 = vector.broadcast %mul3A_18 : i32 to vector<16xi32>
      %add3A_784 = arith.addi %select_n3A_759, %add3A_783 : vector<16xi32>
      %swap3A_785 = arith.constant 3 : i32
      %swap3A_786 = arith.constant 0 : i32
      %swap3A_787 = tpu.memref_slice %arg21[%swap3A_785, %swap3A_786] : memref<4x64xi32, #tpu.memory_space<vmem>> -> memref<1x64xi32, #tpu.memory_space<vmem>>
      %swap3A_788 = tpu.memref_squeeze %swap3A_787 : memref<1x64xi32, #tpu.memory_space<vmem>> -> memref<64xi32, #tpu.memory_space<vmem>>
      %swap3A_789 = arith.constant 48 : index
      %swap3A_790 = tpu.vector_load %swap3A_788[%swap3A_789] {strides = array<i32>} : memref<64xi32, #tpu.memory_space<vmem>>, vector<16xi32>,
      tpu.vector_store %swap3A_788[%swap3A_789], %add3A_784 {strides = array<i32>} : memref<64xi32, #tpu.memory_space<vmem>>, vector<16xi32>,
      %gt3A = arith.constant 0 : i32
      %gt3A_791 = arith.cmpi sgt, %scan3A_100, %gt3A : i32
      %convert_element_type3A = arith.extui %gt3A_791 : i1 to i32
      %cond3A = arith.constant 0 : i32
      %cond3A_792 = arith.cmpi ne, %convert_element_type3A, %cond3A : i32
      scf.if %cond3A_792 {
        %mul3A_996 = arith.constant 64 : i32
        %mul3A_997 = arith.muli %mul3A_102, %mul3A_996 : i32
        %add3A_998 = arith.addi %mul3A_22, %mul3A_997 : i32
        %dma_wait3A_999 = arith.constant 0 : i32
        %dma_wait3A_1000 = arith.constant 0 : i32
        %dma_wait3A_1001 = arith.constant 0 : i32
        %dma_wait3A_1002 = arith.constant 0 : i32
        %dma_wait3A_1003 = tpu.memref_slice %arg26[%dma_wait3A_999, %dma_wait3A_1001, %dma_wait3A_1002] : memref<4x64x64xf32, #tpu.memory_space<vmem>> -> memref<1x64x64xf32, #tpu.memory_space<vmem>>
        %dma_wait3A_1004 = tpu.memref_squeeze %dma_wait3A_1003 : memref<1x64x64xf32, #tpu.memory_space<vmem>> -> memref<64x64xf32, #tpu.memory_space<vmem>>
        %dma_wait3A_1005 = arith.constant 0 : i32
        %dma_wait3A_1006 = tpu.memref_slice %arg9[%add3A_998, %dma_wait3A_1005] : memref<131072x64xf32, #tpu.memory_space<hbm>> -> memref<64x64xf32, #tpu.memory_space<hbm>>
        %dma_wait3A_1007 = tpu.memref_slice %arg28[%dma_wait3A_1000] : memref<4x!tpu.dma_semaphore, #tpu.memory_space<semaphore_mem>> -> memref<1x!tpu.dma_semaphore, #tpu.memory_space<semaphore_mem>>
        %dma_wait3A_1008 = tpu.memref_squeeze %dma_wait3A_1007 : memref<1x!tpu.dma_semaphore, #tpu.memory_space<semaphore_mem>> -> memref<!tpu.dma_semaphore, #tpu.memory_space<semaphore_mem>>
        %dma_wait3A_1009 = arith.constant 0 : i32
        %dma_wait3A_1010 = tpu.memref_slice %arg9[%add3A_998, %dma_wait3A_1009] : memref<131072x64xf32, #tpu.memory_space<hbm>> -> memref<64x64xf32, #tpu.memory_space<hbm>>
        %dma_wait3A_1011 = arith.constant 0 : i32
        %dma_wait3A_1012 = arith.constant 0 : i32
        %dma_wait3A_1013 = tpu.memref_slice %arg26[%dma_wait3A_999, %dma_wait3A_1011, %dma_wait3A_1012] : memref<4x64x64xf32, #tpu.memory_space<vmem>> -> memref<1x64x64xf32, #tpu.memory_space<vmem>>
        %dma_wait3A_1014 = tpu.memref_squeeze %dma_wait3A_1013 : memref<1x64x64xf32, #tpu.memory_space<vmem>> -> memref<64x64xf32, #tpu.memory_space<vmem>>
        tpu.wait_dma2 semaphore(%dma_wait3A_1008 : memref<!tpu.dma_semaphore, #tpu.memory_space<semaphore_mem>>) src(%dma_wait3A_1014 : memref<64x64xf32, #tpu.memory_space<vmem>>) dst(%dma_wait3A_1010 : memref<64x64xf32, #tpu.memory_space<hbm>>)
        %mul3A_1015 = arith.constant 64 : i32
        %mul3A_1016 = arith.muli %mul3A_102, %mul3A_1015 : i32
        %add3A_1017 = arith.addi %mul3A_22, %mul3A_1016 : i32
        %dma_wait3A_1018 = arith.constant 1 : i32
        %dma_wait3A_1019 = arith.constant 1 : i32
        %dma_wait3A_1020 = arith.constant 0 : i32
        %dma_wait3A_1021 = arith.constant 0 : i32
        %dma_wait3A_1022 = tpu.memref_slice %arg26[%dma_wait3A_1018, %dma_wait3A_1020, %dma_wait3A_1021] : memref<4x64x64xf32, #tpu.memory_space<vmem>> -> memref<1x64x64xf32, #tpu.memory_space<vmem>>
        %dma_wait3A_1023 = tpu.memref_squeeze %dma_wait3A_1022 : memref<1x64x64xf32, #tpu.memory_space<vmem>> -> memref<64x64xf32, #tpu.memory_space<vmem>>
        %dma_wait3A_1024 = arith.constant 0 : i32
        %dma_wait3A_1025 = tpu.memref_slice %arg9[%add3A_1017, %dma_wait3A_1024] : memref<131072x64xf32, #tpu.memory_space<hbm>> -> memref<64x64xf32, #tpu.memory_space<hbm>>
        %dma_wait3A_1026 = tpu.memref_slice %arg28[%dma_wait3A_1019] : memref<4x!tpu.dma_semaphore, #tpu.memory_space<semaphore_mem>> -> memref<1x!tpu.dma_semaphore, #tpu.memory_space<semaphore_mem>>
        %dma_wait3A_1027 = tpu.memref_squeeze %dma_wait3A_1026 : memref<1x!tpu.dma_semaphore, #tpu.memory_space<semaphore_mem>> -> memref<!tpu.dma_semaphore, #tpu.memory_space<semaphore_mem>>
        %dma_wait3A_1028 = arith.constant 0 : i32
        %dma_wait3A_1029 = tpu.memref_slice %arg9[%add3A_1017, %dma_wait3A_1028] : memref<131072x64xf32, #tpu.memory_space<hbm>> -> memref<64x64xf32, #tpu.memory_space<hbm>>
        %dma_wait3A_1030 = arith.constant 0 : i32
        %dma_wait3A_1031 = arith.constant 0 : i32
        %dma_wait3A_1032 = tpu.memref_slice %arg26[%dma_wait3A_1018, %dma_wait3A_1030, %dma_wait3A_1031] : memref<4x64x64xf32, #tpu.memory_space<vmem>> -> memref<1x64x64xf32, #tpu.memory_space<vmem>>
        %dma_wait3A_1033 = tpu.memref_squeeze %dma_wait3A_1032 : memref<1x64x64xf32, #tpu.memory_space<vmem>> -> memref<64x64xf32, #tpu.memory_space<vmem>>
        tpu.wait_dma2 semaphore(%dma_wait3A_1027 : memref<!tpu.dma_semaphore, #tpu.memory_space<semaphore_mem>>) src(%dma_wait3A_1033 : memref<64x64xf32, #tpu.memory_space<vmem>>) dst(%dma_wait3A_1029 : memref<64x64xf32, #tpu.memory_space<hbm>>)
        %mul3A_1034 = arith.constant 64 : i32
        %mul3A_1035 = arith.muli %mul3A_102, %mul3A_1034 : i32
        %add3A_1036 = arith.addi %mul3A_22, %mul3A_1035 : i32
        %dma_wait3A_1037 = arith.constant 2 : i32
        %dma_wait3A_1038 = arith.constant 2 : i32
        %dma_wait3A_1039 = arith.constant 0 : i32
        %dma_wait3A_1040 = arith.constant 0 : i32
        %dma_wait3A_1041 = tpu.memref_slice %arg26[%dma_wait3A_1037, %dma_wait3A_1039, %dma_wait3A_1040] : memref<4x64x64xf32, #tpu.memory_space<vmem>> -> memref<1x64x64xf32, #tpu.memory_space<vmem>>
        %dma_wait3A_1042 = tpu.memref_squeeze %dma_wait3A_1041 : memref<1x64x64xf32, #tpu.memory_space<vmem>> -> memref<64x64xf32, #tpu.memory_space<vmem>>
        %dma_wait3A_1043 = arith.constant 0 : i32
        %dma_wait3A_1044 = tpu.memref_slice %arg9[%add3A_1036, %dma_wait3A_1043] : memref<131072x64xf32, #tpu.memory_space<hbm>> -> memref<64x64xf32, #tpu.memory_space<hbm>>
        %dma_wait3A_1045 = tpu.memref_slice %arg28[%dma_wait3A_1038] : memref<4x!tpu.dma_semaphore, #tpu.memory_space<semaphore_mem>> -> memref<1x!tpu.dma_semaphore, #tpu.memory_space<semaphore_mem>>
        %dma_wait3A_1046 = tpu.memref_squeeze %dma_wait3A_1045 : memref<1x!tpu.dma_semaphore, #tpu.memory_space<semaphore_mem>> -> memref<!tpu.dma_semaphore, #tpu.memory_space<semaphore_mem>>
        %dma_wait3A_1047 = arith.constant 0 : i32
        %dma_wait3A_1048 = tpu.memref_slice %arg9[%add3A_1036, %dma_wait3A_1047] : memref<131072x64xf32, #tpu.memory_space<hbm>> -> memref<64x64xf32, #tpu.memory_space<hbm>>
        %dma_wait3A_1049 = arith.constant 0 : i32
        %dma_wait3A_1050 = arith.constant 0 : i32
        %dma_wait3A_1051 = tpu.memref_slice %arg26[%dma_wait3A_1037, %dma_wait3A_1049, %dma_wait3A_1050] : memref<4x64x64xf32, #tpu.memory_space<vmem>> -> memref<1x64x64xf32, #tpu.memory_space<vmem>>
        %dma_wait3A_1052 = tpu.memref_squeeze %dma_wait3A_1051 : memref<1x64x64xf32, #tpu.memory_space<vmem>> -> memref<64x64xf32, #tpu.memory_space<vmem>>
        tpu.wait_dma2 semaphore(%dma_wait3A_1046 : memref<!tpu.dma_semaphore, #tpu.memory_space<semaphore_mem>>) src(%dma_wait3A_1052 : memref<64x64xf32, #tpu.memory_space<vmem>>) dst(%dma_wait3A_1048 : memref<64x64xf32, #tpu.memory_space<hbm>>)
        %mul3A_1053 = arith.constant 64 : i32
        %mul3A_1054 = arith.muli %mul3A_102, %mul3A_1053 : i32
        %add3A_1055 = arith.addi %mul3A_22, %mul3A_1054 : i32
        %dma_wait3A_1056 = arith.constant 3 : i32
        %dma_wait3A_1057 = arith.constant 3 : i32
        %dma_wait3A_1058 = arith.constant 0 : i32
        %dma_wait3A_1059 = arith.constant 0 : i32
        %dma_wait3A_1060 = tpu.memref_slice %arg26[%dma_wait3A_1056, %dma_wait3A_1058, %dma_wait3A_1059] : memref<4x64x64xf32, #tpu.memory_space<vmem>> -> memref<1x64x64xf32, #tpu.memory_space<vmem>>
        %dma_wait3A_1061 = tpu.memref_squeeze %dma_wait3A_1060 : memref<1x64x64xf32, #tpu.memory_space<vmem>> -> memref<64x64xf32, #tpu.memory_space<vmem>>
        %dma_wait3A_1062 = arith.constant 0 : i32
        %dma_wait3A_1063 = tpu.memref_slice %arg9[%add3A_1055, %dma_wait3A_1062] : memref<131072x64xf32, #tpu.memory_space<hbm>> -> memref<64x64xf32, #tpu.memory_space<hbm>>
        %dma_wait3A_1064 = tpu.memref_slice %arg28[%dma_wait3A_1057] : memref<4x!tpu.dma_semaphore, #tpu.memory_space<semaphore_mem>> -> memref<1x!tpu.dma_semaphore, #tpu.memory_space<semaphore_mem>>
        %dma_wait3A_1065 = tpu.memref_squeeze %dma_wait3A_1064 : memref<1x!tpu.dma_semaphore, #tpu.memory_space<semaphore_mem>> -> memref<!tpu.dma_semaphore, #tpu.memory_space<semaphore_mem>>
        %dma_wait3A_1066 = arith.constant 0 : i32
        %dma_wait3A_1067 = tpu.memref_slice %arg9[%add3A_1055, %dma_wait3A_1066] : memref<131072x64xf32, #tpu.memory_space<hbm>> -> memref<64x64xf32, #tpu.memory_space<hbm>>
        %dma_wait3A_1068 = arith.constant 0 : i32
        %dma_wait3A_1069 = arith.constant 0 : i32
        %dma_wait3A_1070 = tpu.memref_slice %arg26[%dma_wait3A_1056, %dma_wait3A_1068, %dma_wait3A_1069] : memref<4x64x64xf32, #tpu.memory_space<vmem>> -> memref<1x64x64xf32, #tpu.memory_space<vmem>>
        %dma_wait3A_1071 = tpu.memref_squeeze %dma_wait3A_1070 : memref<1x64x64xf32, #tpu.memory_space<vmem>> -> memref<64x64xf32, #tpu.memory_space<vmem>>
        tpu.wait_dma2 semaphore(%dma_wait3A_1065 : memref<!tpu.dma_semaphore, #tpu.memory_space<semaphore_mem>>) src(%dma_wait3A_1071 : memref<64x64xf32, #tpu.memory_space<vmem>>) dst(%dma_wait3A_1067 : memref<64x64xf32, #tpu.memory_space<hbm>>)
      } else {
      }
      %dma_start3A = arith.constant 0 : i32
      %dma_start3A_793 = arith.constant 0 : i32
      %dma_start3A_794 = arith.constant 0 : i32
      %dma_start3A_795 = arith.constant 0 : i32
      %dma_start3A_796 = arith.constant 0 : i32
      %dma_start3A_797 = tpu.memref_slice %arg26[%dma_start3A_793, %dma_start3A_795, %dma_start3A_796] : memref<4x64x64xf32, #tpu.memory_space<vmem>> -> memref<1x64x64xf32, #tpu.memory_space<vmem>>
      %dma_start3A_798 = tpu.memref_squeeze %dma_start3A_797 : memref<1x64x64xf32, #tpu.memory_space<vmem>> -> memref<64x64xf32, #tpu.memory_space<vmem>>
      %dma_start3A_799 = arith.constant 0 : i32
      %dma_start3A_800 = tpu.memref_slice %arg21[%dma_start3A, %dma_start3A_799] : memref<4x64xi32, #tpu.memory_space<vmem>> -> memref<1x64xi32, #tpu.memory_space<vmem>>
      %dma_start3A_801 = tpu.memref_squeeze %dma_start3A_800 : memref<1x64xi32, #tpu.memory_space<vmem>> -> memref<64xi32, #tpu.memory_space<vmem>>
      %dma_start3A_802 = arith.constant 0 : i32
      %dma_start3A_803 = arith.constant 0 : i32
      %dma_start3A_804 = tpu.memref_slice %arg8[%dma_start3A_802, %dma_start3A_803] : memref<16384x64xf32, #tpu.memory_space<hbm>> -> memref<16384x64xf32, #tpu.memory_space<hbm>>
      %dma_start3A_805 = tpu.memref_slice %arg27[%dma_start3A_794] : memref<4x!tpu.dma_semaphore, #tpu.memory_space<semaphore_mem>> -> memref<1x!tpu.dma_semaphore, #tpu.memory_space<semaphore_mem>>
      %dma_start3A_806 = tpu.memref_squeeze %dma_start3A_805 : memref<1x!tpu.dma_semaphore, #tpu.memory_space<semaphore_mem>> -> memref<!tpu.dma_semaphore, #tpu.memory_space<semaphore_mem>>
      tpu.enqueue_indirect_dma source(%dma_start3A_804 : memref<16384x64xf32, #tpu.memory_space<hbm>>) target(%dma_start3A_798 : memref<64x64xf32, #tpu.memory_space<vmem>>) offsets(%dma_start3A_801 : memref<64xi32, #tpu.memory_space<vmem>>) semaphore(%dma_start3A_806 : memref<!tpu.dma_semaphore, #tpu.memory_space<semaphore_mem>>)
      %dma_start3A_807 = arith.constant 1 : i32
      %dma_start3A_808 = arith.constant 1 : i32
      %dma_start3A_809 = arith.constant 1 : i32
      %dma_start3A_810 = arith.constant 0 : i32
      %dma_start3A_811 = arith.constant 0 : i32
      %dma_start3A_812 = tpu.memref_slice %arg26[%dma_start3A_808, %dma_start3A_810, %dma_start3A_811] : memref<4x64x64xf32, #tpu.memory_space<vmem>> -> memref<1x64x64xf32, #tpu.memory_space<vmem>>
      %dma_start3A_813 = tpu.memref_squeeze %dma_start3A_812 : memref<1x64x64xf32, #tpu.memory_space<vmem>> -> memref<64x64xf32, #tpu.memory_space<vmem>>
      %dma_start3A_814 = arith.constant 0 : i32
      %dma_start3A_815 = tpu.memref_slice %arg21[%dma_start3A_807, %dma_start3A_814] : memref<4x64xi32, #tpu.memory_space<vmem>> -> memref<1x64xi32, #tpu.memory_space<vmem>>
      %dma_start3A_816 = tpu.memref_squeeze %dma_start3A_815 : memref<1x64xi32, #tpu.memory_space<vmem>> -> memref<64xi32, #tpu.memory_space<vmem>>
      %dma_start3A_817 = arith.constant 0 : i32
      %dma_start3A_818 = arith.constant 0 : i32
      %dma_start3A_819 = tpu.memref_slice %arg8[%dma_start3A_817, %dma_start3A_818] : memref<16384x64xf32, #tpu.memory_space<hbm>> -> memref<16384x64xf32, #tpu.memory_space<hbm>>
      %dma_start3A_820 = tpu.memref_slice %arg27[%dma_start3A_809] : memref<4x!tpu.dma_semaphore, #tpu.memory_space<semaphore_mem>> -> memref<1x!tpu.dma_semaphore, #tpu.memory_space<semaphore_mem>>
      %dma_start3A_821 = tpu.memref_squeeze %dma_start3A_820 : memref<1x!tpu.dma_semaphore, #tpu.memory_space<semaphore_mem>> -> memref<!tpu.dma_semaphore, #tpu.memory_space<semaphore_mem>>
      tpu.enqueue_indirect_dma source(%dma_start3A_819 : memref<16384x64xf32, #tpu.memory_space<hbm>>) target(%dma_start3A_813 : memref<64x64xf32, #tpu.memory_space<vmem>>) offsets(%dma_start3A_816 : memref<64xi32, #tpu.memory_space<vmem>>) semaphore(%dma_start3A_821 : memref<!tpu.dma_semaphore, #tpu.memory_space<semaphore_mem>>)
      %dma_start3A_822 = arith.constant 2 : i32
      %dma_start3A_823 = arith.constant 2 : i32
      %dma_start3A_824 = arith.constant 2 : i32
      %dma_start3A_825 = arith.constant 0 : i32
      %dma_start3A_826 = arith.constant 0 : i32
      %dma_start3A_827 = tpu.memref_slice %arg26[%dma_start3A_823, %dma_start3A_825, %dma_start3A_826] : memref<4x64x64xf32, #tpu.memory_space<vmem>> -> memref<1x64x64xf32, #tpu.memory_space<vmem>>
      %dma_start3A_828 = tpu.memref_squeeze %dma_start3A_827 : memref<1x64x64xf32, #tpu.memory_space<vmem>> -> memref<64x64xf32, #tpu.memory_space<vmem>>
      %dma_start3A_829 = arith.constant 0 : i32
      %dma_start3A_830 = tpu.memref_slice %arg21[%dma_start3A_822, %dma_start3A_829] : memref<4x64xi32, #tpu.memory_space<vmem>> -> memref<1x64xi32, #tpu.memory_space<vmem>>
      %dma_start3A_831 = tpu.memref_squeeze %dma_start3A_830 : memref<1x64xi32, #tpu.memory_space<vmem>> -> memref<64xi32, #tpu.memory_space<vmem>>
      %dma_start3A_832 = arith.constant 0 : i32
      %dma_start3A_833 = arith.constant 0 : i32
      %dma_start3A_834 = tpu.memref_slice %arg8[%dma_start3A_832, %dma_start3A_833] : memref<16384x64xf32, #tpu.memory_space<hbm>> -> memref<16384x64xf32, #tpu.memory_space<hbm>>
      %dma_start3A_835 = tpu.memref_slice %arg27[%dma_start3A_824] : memref<4x!tpu.dma_semaphore, #tpu.memory_space<semaphore_mem>> -> memref<1x!tpu.dma_semaphore, #tpu.memory_space<semaphore_mem>>
      %dma_start3A_836 = tpu.memref_squeeze %dma_start3A_835 : memref<1x!tpu.dma_semaphore, #tpu.memory_space<semaphore_mem>> -> memref<!tpu.dma_semaphore, #tpu.memory_space<semaphore_mem>>
      tpu.enqueue_indirect_dma source(%dma_start3A_834 : memref<16384x64xf32, #tpu.memory_space<hbm>>) target(%dma_start3A_828 : memref<64x64xf32, #tpu.memory_space<vmem>>) offsets(%dma_start3A_831 : memref<64xi32, #tpu.memory_space<vmem>>) semaphore(%dma_start3A_836 : memref<!tpu.dma_semaphore, #tpu.memory_space<semaphore_mem>>)
      %dma_start3A_837 = arith.constant 3 : i32
      %dma_start3A_838 = arith.constant 3 : i32
      %dma_start3A_839 = arith.constant 3 : i32
      %dma_start3A_840 = arith.constant 0 : i32
      %dma_start3A_841 = arith.constant 0 : i32
      %dma_start3A_842 = tpu.memref_slice %arg26[%dma_start3A_838, %dma_start3A_840, %dma_start3A_841] : memref<4x64x64xf32, #tpu.memory_space<vmem>> -> memref<1x64x64xf32, #tpu.memory_space<vmem>>
      %dma_start3A_843 = tpu.memref_squeeze %dma_start3A_842 : memref<1x64x64xf32, #tpu.memory_space<vmem>> -> memref<64x64xf32, #tpu.memory_space<vmem>>
      %dma_start3A_844 = arith.constant 0 : i32
      %dma_start3A_845 = tpu.memref_slice %arg21[%dma_start3A_837, %dma_start3A_844] : memref<4x64xi32, #tpu.memory_space<vmem>> -> memref<1x64xi32, #tpu.memory_space<vmem>>
      %dma_start3A_846 = tpu.memref_squeeze %dma_start3A_845 : memref<1x64xi32, #tpu.memory_space<vmem>> -> memref<64xi32, #tpu.memory_space<vmem>>
      %dma_start3A_847 = arith.constant 0 : i32
      %dma_start3A_848 = arith.constant 0 : i32
      %dma_start3A_849 = tpu.memref_slice %arg8[%dma_start3A_847, %dma_start3A_848] : memref<16384x64xf32, #tpu.memory_space<hbm>> -> memref<16384x64xf32, #tpu.memory_space<hbm>>
      %dma_start3A_850 = tpu.memref_slice %arg27[%dma_start3A_839] : memref<4x!tpu.dma_semaphore, #tpu.memory_space<semaphore_mem>> -> memref<1x!tpu.dma_semaphore, #tpu.memory_space<semaphore_mem>>
      %dma_start3A_851 = tpu.memref_squeeze %dma_start3A_850 : memref<1x!tpu.dma_semaphore, #tpu.memory_space<semaphore_mem>> -> memref<!tpu.dma_semaphore, #tpu.memory_space<semaphore_mem>>
      tpu.enqueue_indirect_dma source(%dma_start3A_849 : memref<16384x64xf32, #tpu.memory_space<hbm>>) target(%dma_start3A_843 : memref<64x64xf32, #tpu.memory_space<vmem>>) offsets(%dma_start3A_846 : memref<64xi32, #tpu.memory_space<vmem>>) semaphore(%dma_start3A_851 : memref<!tpu.dma_semaphore, #tpu.memory_space<semaphore_mem>>)
      %dma_wait3A_852 = arith.constant 0 : i32
      %dma_wait3A_853 = arith.constant 0 : i32
      %dma_wait3A_854 = arith.constant 0 : i32
      %dma_wait3A_855 = arith.constant 0 : i32
      %dma_wait3A_856 = arith.constant 0 : i32
      %dma_wait3A_857 = tpu.memref_slice %arg26[%dma_wait3A_853, %dma_wait3A_855, %dma_wait3A_856] : memref<4x64x64xf32, #tpu.memory_space<vmem>> -> memref<1x64x64xf32, #tpu.memory_space<vmem>>
      %dma_wait3A_858 = tpu.memref_squeeze %dma_wait3A_857 : memref<1x64x64xf32, #tpu.memory_space<vmem>> -> memref<64x64xf32, #tpu.memory_space<vmem>>
      %dma_wait3A_859 = arith.constant 0 : i32
      %dma_wait3A_860 = tpu.memref_slice %arg21[%dma_wait3A_852, %dma_wait3A_859] : memref<4x64xi32, #tpu.memory_space<vmem>> -> memref<1x64xi32, #tpu.memory_space<vmem>>
      %dma_wait3A_861 = tpu.memref_squeeze %dma_wait3A_860 : memref<1x64xi32, #tpu.memory_space<vmem>> -> memref<64xi32, #tpu.memory_space<vmem>>
      %dma_wait3A_862 = arith.constant 0 : i32
      %dma_wait3A_863 = arith.constant 0 : i32
      %dma_wait3A_864 = tpu.memref_slice %arg8[%dma_wait3A_862, %dma_wait3A_863] : memref<16384x64xf32, #tpu.memory_space<hbm>> -> memref<16384x64xf32, #tpu.memory_space<hbm>>
      %dma_wait3A_865 = tpu.memref_slice %arg27[%dma_wait3A_854] : memref<4x!tpu.dma_semaphore, #tpu.memory_space<semaphore_mem>> -> memref<1x!tpu.dma_semaphore, #tpu.memory_space<semaphore_mem>>
      %dma_wait3A_866 = tpu.memref_squeeze %dma_wait3A_865 : memref<1x!tpu.dma_semaphore, #tpu.memory_space<semaphore_mem>> -> memref<!tpu.dma_semaphore, #tpu.memory_space<semaphore_mem>>
      tpu.wait_indirect_dma semaphore(%dma_wait3A_866 : memref<!tpu.dma_semaphore, #tpu.memory_space<semaphore_mem>>) src(%dma_wait3A_864 : memref<16384x64xf32, #tpu.memory_space<hbm>>) dst(%dma_wait3A_858 : memref<64x64xf32, #tpu.memory_space<vmem>>)
      %dma_wait3A_867 = arith.constant 1 : i32
      %dma_wait3A_868 = arith.constant 1 : i32
      %dma_wait3A_869 = arith.constant 1 : i32
      %dma_wait3A_870 = arith.constant 0 : i32
      %dma_wait3A_871 = arith.constant 0 : i32
      %dma_wait3A_872 = tpu.memref_slice %arg26[%dma_wait3A_868, %dma_wait3A_870, %dma_wait3A_871] : memref<4x64x64xf32, #tpu.memory_space<vmem>> -> memref<1x64x64xf32, #tpu.memory_space<vmem>>
      %dma_wait3A_873 = tpu.memref_squeeze %dma_wait3A_872 : memref<1x64x64xf32, #tpu.memory_space<vmem>> -> memref<64x64xf32, #tpu.memory_space<vmem>>
      %dma_wait3A_874 = arith.constant 0 : i32
      %dma_wait3A_875 = tpu.memref_slice %arg21[%dma_wait3A_867, %dma_wait3A_874] : memref<4x64xi32, #tpu.memory_space<vmem>> -> memref<1x64xi32, #tpu.memory_space<vmem>>
      %dma_wait3A_876 = tpu.memref_squeeze %dma_wait3A_875 : memref<1x64xi32, #tpu.memory_space<vmem>> -> memref<64xi32, #tpu.memory_space<vmem>>
      %dma_wait3A_877 = arith.constant 0 : i32
      %dma_wait3A_878 = arith.constant 0 : i32
      %dma_wait3A_879 = tpu.memref_slice %arg8[%dma_wait3A_877, %dma_wait3A_878] : memref<16384x64xf32, #tpu.memory_space<hbm>> -> memref<16384x64xf32, #tpu.memory_space<hbm>>
      %dma_wait3A_880 = tpu.memref_slice %arg27[%dma_wait3A_869] : memref<4x!tpu.dma_semaphore, #tpu.memory_space<semaphore_mem>> -> memref<1x!tpu.dma_semaphore, #tpu.memory_space<semaphore_mem>>
      %dma_wait3A_881 = tpu.memref_squeeze %dma_wait3A_880 : memref<1x!tpu.dma_semaphore, #tpu.memory_space<semaphore_mem>> -> memref<!tpu.dma_semaphore, #tpu.memory_space<semaphore_mem>>
      tpu.wait_indirect_dma semaphore(%dma_wait3A_881 : memref<!tpu.dma_semaphore, #tpu.memory_space<semaphore_mem>>) src(%dma_wait3A_879 : memref<16384x64xf32, #tpu.memory_space<hbm>>) dst(%dma_wait3A_873 : memref<64x64xf32, #tpu.memory_space<vmem>>)
      %dma_wait3A_882 = arith.constant 2 : i32
      %dma_wait3A_883 = arith.constant 2 : i32
      %dma_wait3A_884 = arith.constant 2 : i32
      %dma_wait3A_885 = arith.constant 0 : i32
      %dma_wait3A_886 = arith.constant 0 : i32
      %dma_wait3A_887 = tpu.memref_slice %arg26[%dma_wait3A_883, %dma_wait3A_885, %dma_wait3A_886] : memref<4x64x64xf32, #tpu.memory_space<vmem>> -> memref<1x64x64xf32, #tpu.memory_space<vmem>>
      %dma_wait3A_888 = tpu.memref_squeeze %dma_wait3A_887 : memref<1x64x64xf32, #tpu.memory_space<vmem>> -> memref<64x64xf32, #tpu.memory_space<vmem>>
      %dma_wait3A_889 = arith.constant 0 : i32
      %dma_wait3A_890 = tpu.memref_slice %arg21[%dma_wait3A_882, %dma_wait3A_889] : memref<4x64xi32, #tpu.memory_space<vmem>> -> memref<1x64xi32, #tpu.memory_space<vmem>>
      %dma_wait3A_891 = tpu.memref_squeeze %dma_wait3A_890 : memref<1x64xi32, #tpu.memory_space<vmem>> -> memref<64xi32, #tpu.memory_space<vmem>>
      %dma_wait3A_892 = arith.constant 0 : i32
      %dma_wait3A_893 = arith.constant 0 : i32
      %dma_wait3A_894 = tpu.memref_slice %arg8[%dma_wait3A_892, %dma_wait3A_893] : memref<16384x64xf32, #tpu.memory_space<hbm>> -> memref<16384x64xf32, #tpu.memory_space<hbm>>
      %dma_wait3A_895 = tpu.memref_slice %arg27[%dma_wait3A_884] : memref<4x!tpu.dma_semaphore, #tpu.memory_space<semaphore_mem>> -> memref<1x!tpu.dma_semaphore, #tpu.memory_space<semaphore_mem>>
      %dma_wait3A_896 = tpu.memref_squeeze %dma_wait3A_895 : memref<1x!tpu.dma_semaphore, #tpu.memory_space<semaphore_mem>> -> memref<!tpu.dma_semaphore, #tpu.memory_space<semaphore_mem>>
      tpu.wait_indirect_dma semaphore(%dma_wait3A_896 : memref<!tpu.dma_semaphore, #tpu.memory_space<semaphore_mem>>) src(%dma_wait3A_894 : memref<16384x64xf32, #tpu.memory_space<hbm>>) dst(%dma_wait3A_888 : memref<64x64xf32, #tpu.memory_space<vmem>>)
      %dma_wait3A_897 = arith.constant 3 : i32
      %dma_wait3A_898 = arith.constant 3 : i32
      %dma_wait3A_899 = arith.constant 3 : i32
      %dma_wait3A_900 = arith.constant 0 : i32
      %dma_wait3A_901 = arith.constant 0 : i32
      %dma_wait3A_902 = tpu.memref_slice %arg26[%dma_wait3A_898, %dma_wait3A_900, %dma_wait3A_901] : memref<4x64x64xf32, #tpu.memory_space<vmem>> -> memref<1x64x64xf32, #tpu.memory_space<vmem>>
      %dma_wait3A_903 = tpu.memref_squeeze %dma_wait3A_902 : memref<1x64x64xf32, #tpu.memory_space<vmem>> -> memref<64x64xf32, #tpu.memory_space<vmem>>
      %dma_wait3A_904 = arith.constant 0 : i32
      %dma_wait3A_905 = tpu.memref_slice %arg21[%dma_wait3A_897, %dma_wait3A_904] : memref<4x64xi32, #tpu.memory_space<vmem>> -> memref<1x64xi32, #tpu.memory_space<vmem>>
      %dma_wait3A_906 = tpu.memref_squeeze %dma_wait3A_905 : memref<1x64xi32, #tpu.memory_space<vmem>> -> memref<64xi32, #tpu.memory_space<vmem>>
      %dma_wait3A_907 = arith.constant 0 : i32
      %dma_wait3A_908 = arith.constant 0 : i32
      %dma_wait3A_909 = tpu.memref_slice %arg8[%dma_wait3A_907, %dma_wait3A_908] : memref<16384x64xf32, #tpu.memory_space<hbm>> -> memref<16384x64xf32, #tpu.memory_space<hbm>>
      %dma_wait3A_910 = tpu.memref_slice %arg27[%dma_wait3A_899] : memref<4x!tpu.dma_semaphore, #tpu.memory_space<semaphore_mem>> -> memref<1x!tpu.dma_semaphore, #tpu.memory_space<semaphore_mem>>
      %dma_wait3A_911 = tpu.memref_squeeze %dma_wait3A_910 : memref<1x!tpu.dma_semaphore, #tpu.memory_space<semaphore_mem>> -> memref<!tpu.dma_semaphore, #tpu.memory_space<semaphore_mem>>
      tpu.wait_indirect_dma semaphore(%dma_wait3A_911 : memref<!tpu.dma_semaphore, #tpu.memory_space<semaphore_mem>>) src(%dma_wait3A_909 : memref<16384x64xf32, #tpu.memory_space<hbm>>) dst(%dma_wait3A_903 : memref<64x64xf32, #tpu.memory_space<vmem>>)
      %add3A_912 = arith.constant 0 : i32
      %add3A_913 = arith.addi %mul3A_102, %add3A_912 : i32
      %mul3A_914 = arith.constant 64 : i32
      %mul3A_915 = arith.muli %add3A_913, %mul3A_914 : i32
      %add3A_916 = arith.addi %mul3A_22, %mul3A_915 : i32
      %dma_start3A_917 = arith.constant 0 : i32
      %dma_start3A_918 = arith.constant 0 : i32
      %dma_start3A_919 = arith.constant 0 : i32
      %dma_start3A_920 = arith.constant 0 : i32
      %dma_start3A_921 = tpu.memref_slice %arg26[%dma_start3A_917, %dma_start3A_919, %dma_start3A_920] : memref<4x64x64xf32, #tpu.memory_space<vmem>> -> memref<1x64x64xf32, #tpu.memory_space<vmem>>
      %dma_start3A_922 = tpu.memref_squeeze %dma_start3A_921 : memref<1x64x64xf32, #tpu.memory_space<vmem>> -> memref<64x64xf32, #tpu.memory_space<vmem>>
      %dma_start3A_923 = arith.constant 0 : i32
      %dma_start3A_924 = tpu.memref_slice %arg9[%add3A_916, %dma_start3A_923] : memref<131072x64xf32, #tpu.memory_space<hbm>> -> memref<64x64xf32, #tpu.memory_space<hbm>>
      %dma_start3A_925 = tpu.memref_slice %arg28[%dma_start3A_918] : memref<4x!tpu.dma_semaphore, #tpu.memory_space<semaphore_mem>> -> memref<1x!tpu.dma_semaphore, #tpu.memory_space<semaphore_mem>>
      %dma_start3A_926 = tpu.memref_squeeze %dma_start3A_925 : memref<1x!tpu.dma_semaphore, #tpu.memory_space<semaphore_mem>> -> memref<!tpu.dma_semaphore, #tpu.memory_space<semaphore_mem>>
      %dma_start3A_927 = arith.constant 0 : i32
      %dma_start3A_928 = tpu.memref_slice %arg9[%add3A_916, %dma_start3A_927] : memref<131072x64xf32, #tpu.memory_space<hbm>> -> memref<64x64xf32, #tpu.memory_space<hbm>>
      %dma_start3A_929 = arith.constant 0 : i32
      %dma_start3A_930 = arith.constant 0 : i32
      %dma_start3A_931 = tpu.memref_slice %arg26[%dma_start3A_917, %dma_start3A_929, %dma_start3A_930] : memref<4x64x64xf32, #tpu.memory_space<vmem>> -> memref<1x64x64xf32, #tpu.memory_space<vmem>>
      %dma_start3A_932 = tpu.memref_squeeze %dma_start3A_931 : memref<1x64x64xf32, #tpu.memory_space<vmem>> -> memref<64x64xf32, #tpu.memory_space<vmem>>
      tpu.enqueue_dma source(%dma_start3A_932 : memref<64x64xf32, #tpu.memory_space<vmem>>) target(%dma_start3A_928 : memref<64x64xf32, #tpu.memory_space<hbm>>) target_semaphore(%dma_start3A_926 : memref<!tpu.dma_semaphore, #tpu.memory_space<semaphore_mem>>)
      %add3A_933 = arith.constant 1 : i32
      %add3A_934 = arith.addi %mul3A_102, %add3A_933 : i32
      %mul3A_935 = arith.constant 64 : i32
      %mul3A_936 = arith.muli %add3A_934, %mul3A_935 : i32
      %add3A_937 = arith.addi %mul3A_22, %mul3A_936 : i32
      %dma_start3A_938 = arith.constant 1 : i32
      %dma_start3A_939 = arith.constant 1 : i32
      %dma_start3A_940 = arith.constant 0 : i32
      %dma_start3A_941 = arith.constant 0 : i32
      %dma_start3A_942 = tpu.memref_slice %arg26[%dma_start3A_938, %dma_start3A_940, %dma_start3A_941] : memref<4x64x64xf32, #tpu.memory_space<vmem>> -> memref<1x64x64xf32, #tpu.memory_space<vmem>>
      %dma_start3A_943 = tpu.memref_squeeze %dma_start3A_942 : memref<1x64x64xf32, #tpu.memory_space<vmem>> -> memref<64x64xf32, #tpu.memory_space<vmem>>
      %dma_start3A_944 = arith.constant 0 : i32
      %dma_start3A_945 = tpu.memref_slice %arg9[%add3A_937, %dma_start3A_944] : memref<131072x64xf32, #tpu.memory_space<hbm>> -> memref<64x64xf32, #tpu.memory_space<hbm>>
      %dma_start3A_946 = tpu.memref_slice %arg28[%dma_start3A_939] : memref<4x!tpu.dma_semaphore, #tpu.memory_space<semaphore_mem>> -> memref<1x!tpu.dma_semaphore, #tpu.memory_space<semaphore_mem>>
      %dma_start3A_947 = tpu.memref_squeeze %dma_start3A_946 : memref<1x!tpu.dma_semaphore, #tpu.memory_space<semaphore_mem>> -> memref<!tpu.dma_semaphore, #tpu.memory_space<semaphore_mem>>
      %dma_start3A_948 = arith.constant 0 : i32
      %dma_start3A_949 = tpu.memref_slice %arg9[%add3A_937, %dma_start3A_948] : memref<131072x64xf32, #tpu.memory_space<hbm>> -> memref<64x64xf32, #tpu.memory_space<hbm>>
      %dma_start3A_950 = arith.constant 0 : i32
      %dma_start3A_951 = arith.constant 0 : i32
      %dma_start3A_952 = tpu.memref_slice %arg26[%dma_start3A_938, %dma_start3A_950, %dma_start3A_951] : memref<4x64x64xf32, #tpu.memory_space<vmem>> -> memref<1x64x64xf32, #tpu.memory_space<vmem>>
      %dma_start3A_953 = tpu.memref_squeeze %dma_start3A_952 : memref<1x64x64xf32, #tpu.memory_space<vmem>> -> memref<64x64xf32, #tpu.memory_space<vmem>>
      tpu.enqueue_dma source(%dma_start3A_953 : memref<64x64xf32, #tpu.memory_space<vmem>>) target(%dma_start3A_949 : memref<64x64xf32, #tpu.memory_space<hbm>>) target_semaphore(%dma_start3A_947 : memref<!tpu.dma_semaphore, #tpu.memory_space<semaphore_mem>>)
      %add3A_954 = arith.constant 2 : i32
      %add3A_955 = arith.addi %mul3A_102, %add3A_954 : i32
      %mul3A_956 = arith.constant 64 : i32
      %mul3A_957 = arith.muli %add3A_955, %mul3A_956 : i32
      %add3A_958 = arith.addi %mul3A_22, %mul3A_957 : i32
      %dma_start3A_959 = arith.constant 2 : i32
      %dma_start3A_960 = arith.constant 2 : i32
      %dma_start3A_961 = arith.constant 0 : i32
      %dma_start3A_962 = arith.constant 0 : i32
      %dma_start3A_963 = tpu.memref_slice %arg26[%dma_start3A_959, %dma_start3A_961, %dma_start3A_962] : memref<4x64x64xf32, #tpu.memory_space<vmem>> -> memref<1x64x64xf32, #tpu.memory_space<vmem>>
      %dma_start3A_964 = tpu.memref_squeeze %dma_start3A_963 : memref<1x64x64xf32, #tpu.memory_space<vmem>> -> memref<64x64xf32, #tpu.memory_space<vmem>>
      %dma_start3A_965 = arith.constant 0 : i32
      %dma_start3A_966 = tpu.memref_slice %arg9[%add3A_958, %dma_start3A_965] : memref<131072x64xf32, #tpu.memory_space<hbm>> -> memref<64x64xf32, #tpu.memory_space<hbm>>
      %dma_start3A_967 = tpu.memref_slice %arg28[%dma_start3A_960] : memref<4x!tpu.dma_semaphore, #tpu.memory_space<semaphore_mem>> -> memref<1x!tpu.dma_semaphore, #tpu.memory_space<semaphore_mem>>
      %dma_start3A_968 = tpu.memref_squeeze %dma_start3A_967 : memref<1x!tpu.dma_semaphore, #tpu.memory_space<semaphore_mem>> -> memref<!tpu.dma_semaphore, #tpu.memory_space<semaphore_mem>>
      %dma_start3A_969 = arith.constant 0 : i32
      %dma_start3A_970 = tpu.memref_slice %arg9[%add3A_958, %dma_start3A_969] : memref<131072x64xf32, #tpu.memory_space<hbm>> -> memref<64x64xf32, #tpu.memory_space<hbm>>
      %dma_start3A_971 = arith.constant 0 : i32
      %dma_start3A_972 = arith.constant 0 : i32
      %dma_start3A_973 = tpu.memref_slice %arg26[%dma_start3A_959, %dma_start3A_971, %dma_start3A_972] : memref<4x64x64xf32, #tpu.memory_space<vmem>> -> memref<1x64x64xf32, #tpu.memory_space<vmem>>
      %dma_start3A_974 = tpu.memref_squeeze %dma_start3A_973 : memref<1x64x64xf32, #tpu.memory_space<vmem>> -> memref<64x64xf32, #tpu.memory_space<vmem>>
      tpu.enqueue_dma source(%dma_start3A_974 : memref<64x64xf32, #tpu.memory_space<vmem>>) target(%dma_start3A_970 : memref<64x64xf32, #tpu.memory_space<hbm>>) target_semaphore(%dma_start3A_968 : memref<!tpu.dma_semaphore, #tpu.memory_space<semaphore_mem>>)
      %add3A_975 = arith.constant 3 : i32
      %add3A_976 = arith.addi %mul3A_102, %add3A_975 : i32
      %mul3A_977 = arith.constant 64 : i32
      %mul3A_978 = arith.muli %add3A_976, %mul3A_977 : i32
      %add3A_979 = arith.addi %mul3A_22, %mul3A_978 : i32
      %dma_start3A_980 = arith.constant 3 : i32
      %dma_start3A_981 = arith.constant 3 : i32
      %dma_start3A_982 = arith.constant 0 : i32
      %dma_start3A_983 = arith.constant 0 : i32
      %dma_start3A_984 = tpu.memref_slice %arg26[%dma_start3A_980, %dma_start3A_982, %dma_start3A_983] : memref<4x64x64xf32, #tpu.memory_space<vmem>> -> memref<1x64x64xf32, #tpu.memory_space<vmem>>
      %dma_start3A_985 = tpu.memref_squeeze %dma_start3A_984 : memref<1x64x64xf32, #tpu.memory_space<vmem>> -> memref<64x64xf32, #tpu.memory_space<vmem>>
      %dma_start3A_986 = arith.constant 0 : i32
      %dma_start3A_987 = tpu.memref_slice %arg9[%add3A_979, %dma_start3A_986] : memref<131072x64xf32, #tpu.memory_space<hbm>> -> memref<64x64xf32, #tpu.memory_space<hbm>>
      %dma_start3A_988 = tpu.memref_slice %arg28[%dma_start3A_981] : memref<4x!tpu.dma_semaphore, #tpu.memory_space<semaphore_mem>> -> memref<1x!tpu.dma_semaphore, #tpu.memory_space<semaphore_mem>>
      %dma_start3A_989 = tpu.memref_squeeze %dma_start3A_988 : memref<1x!tpu.dma_semaphore, #tpu.memory_space<semaphore_mem>> -> memref<!tpu.dma_semaphore, #tpu.memory_space<semaphore_mem>>
      %dma_start3A_990 = arith.constant 0 : i32
      %dma_start3A_991 = tpu.memref_slice %arg9[%add3A_979, %dma_start3A_990] : memref<131072x64xf32, #tpu.memory_space<hbm>> -> memref<64x64xf32, #tpu.memory_space<hbm>>
      %dma_start3A_992 = arith.constant 0 : i32
      %dma_start3A_993 = arith.constant 0 : i32
      %dma_start3A_994 = tpu.memref_slice %arg26[%dma_start3A_980, %dma_start3A_992, %dma_start3A_993] : memref<4x64x64xf32, #tpu.memory_space<vmem>> -> memref<1x64x64xf32, #tpu.memory_space<vmem>>
      %dma_start3A_995 = tpu.memref_squeeze %dma_start3A_994 : memref<1x64x64xf32, #tpu.memory_space<vmem>> -> memref<64x64xf32, #tpu.memory_space<vmem>>
      tpu.enqueue_dma source(%dma_start3A_995 : memref<64x64xf32, #tpu.memory_space<vmem>>) target(%dma_start3A_991 : memref<64x64xf32, #tpu.memory_space<hbm>>) target_semaphore(%dma_start3A_989 : memref<!tpu.dma_semaphore, #tpu.memory_space<semaphore_mem>>)
    }
    %scan3A_28 = arith.constant 16 : i32
    %add3A_29 = arith.constant 0 : i32
    %add3A_30 = arith.addi %mul3A_22, %add3A_29 : i32
    %dma_wait3A = arith.constant 0 : i32
    %dma_wait3A_31 = arith.constant 0 : i32
    %dma_wait3A_32 = arith.constant 0 : i32
    %dma_wait3A_33 = arith.constant 0 : i32
    %dma_wait3A_34 = tpu.memref_slice %arg26[%dma_wait3A, %dma_wait3A_32, %dma_wait3A_33] : memref<4x64x64xf32, #tpu.memory_space<vmem>> -> memref<1x64x64xf32, #tpu.memory_space<vmem>>
    %dma_wait3A_35 = tpu.memref_squeeze %dma_wait3A_34 : memref<1x64x64xf32, #tpu.memory_space<vmem>> -> memref<64x64xf32, #tpu.memory_space<vmem>>
    %dma_wait3A_36 = arith.constant 0 : i32
    %dma_wait3A_37 = tpu.memref_slice %arg9[%add3A_30, %dma_wait3A_36] : memref<131072x64xf32, #tpu.memory_space<hbm>> -> memref<64x64xf32, #tpu.memory_space<hbm>>
    %dma_wait3A_38 = tpu.memref_slice %arg28[%dma_wait3A_31] : memref<4x!tpu.dma_semaphore, #tpu.memory_space<semaphore_mem>> -> memref<1x!tpu.dma_semaphore, #tpu.memory_space<semaphore_mem>>
    %dma_wait3A_39 = tpu.memref_squeeze %dma_wait3A_38 : memref<1x!tpu.dma_semaphore, #tpu.memory_space<semaphore_mem>> -> memref<!tpu.dma_semaphore, #tpu.memory_space<semaphore_mem>>
    %dma_wait3A_40 = arith.constant 0 : i32
    %dma_wait3A_41 = tpu.memref_slice %arg9[%add3A_30, %dma_wait3A_40] : memref<131072x64xf32, #tpu.memory_space<hbm>> -> memref<64x64xf32, #tpu.memory_space<hbm>>
    %dma_wait3A_42 = arith.constant 0 : i32
    %dma_wait3A_43 = arith.constant 0 : i32
    %dma_wait3A_44 = tpu.memref_slice %arg26[%dma_wait3A, %dma_wait3A_42, %dma_wait3A_43] : memref<4x64x64xf32, #tpu.memory_space<vmem>> -> memref<1x64x64xf32, #tpu.memory_space<vmem>>
    %dma_wait3A_45 = tpu.memref_squeeze %dma_wait3A_44 : memref<1x64x64xf32, #tpu.memory_space<vmem>> -> memref<64x64xf32, #tpu.memory_space<vmem>>
    tpu.wait_dma2 semaphore(%dma_wait3A_39 : memref<!tpu.dma_semaphore, #tpu.memory_space<semaphore_mem>>) src(%dma_wait3A_45 : memref<64x64xf32, #tpu.memory_space<vmem>>) dst(%dma_wait3A_41 : memref<64x64xf32, #tpu.memory_space<hbm>>)
    %add3A_46 = arith.constant 0 : i32
    %add3A_47 = arith.addi %mul3A_22, %add3A_46 : i32
    %dma_wait3A_48 = arith.constant 1 : i32
    %dma_wait3A_49 = arith.constant 1 : i32
    %dma_wait3A_50 = arith.constant 0 : i32
    %dma_wait3A_51 = arith.constant 0 : i32
    %dma_wait3A_52 = tpu.memref_slice %arg26[%dma_wait3A_48, %dma_wait3A_50, %dma_wait3A_51] : memref<4x64x64xf32, #tpu.memory_space<vmem>> -> memref<1x64x64xf32, #tpu.memory_space<vmem>>
    %dma_wait3A_53 = tpu.memref_squeeze %dma_wait3A_52 : memref<1x64x64xf32, #tpu.memory_space<vmem>> -> memref<64x64xf32, #tpu.memory_space<vmem>>
    %dma_wait3A_54 = arith.constant 0 : i32
    %dma_wait3A_55 = tpu.memref_slice %arg9[%add3A_47, %dma_wait3A_54] : memref<131072x64xf32, #tpu.memory_space<hbm>> -> memref<64x64xf32, #tpu.memory_space<hbm>>
    %dma_wait3A_56 = tpu.memref_slice %arg28[%dma_wait3A_49] : memref<4x!tpu.dma_semaphore, #tpu.memory_space<semaphore_mem>> -> memref<1x!tpu.dma_semaphore, #tpu.memory_space<semaphore_mem>>
    %dma_wait3A_57 = tpu.memref_squeeze %dma_wait3A_56 : memref<1x!tpu.dma_semaphore, #tpu.memory_space<semaphore_mem>> -> memref<!tpu.dma_semaphore, #tpu.memory_space<semaphore_mem>>
    %dma_wait3A_58 = arith.constant 0 : i32
    %dma_wait3A_59 = tpu.memref_slice %arg9[%add3A_47, %dma_wait3A_58] : memref<131072x64xf32, #tpu.memory_space<hbm>> -> memref<64x64xf32, #tpu.memory_space<hbm>>
    %dma_wait3A_60 = arith.constant 0 : i32
    %dma_wait3A_61 = arith.constant 0 : i32
    %dma_wait3A_62 = tpu.memref_slice %arg26[%dma_wait3A_48, %dma_wait3A_60, %dma_wait3A_61] : memref<4x64x64xf32, #tpu.memory_space<vmem>> -> memref<1x64x64xf32, #tpu.memory_space<vmem>>
    %dma_wait3A_63 = tpu.memref_squeeze %dma_wait3A_62 : memref<1x64x64xf32, #tpu.memory_space<vmem>> -> memref<64x64xf32, #tpu.memory_space<vmem>>
    tpu.wait_dma2 semaphore(%dma_wait3A_57 : memref<!tpu.dma_semaphore, #tpu.memory_space<semaphore_mem>>) src(%dma_wait3A_63 : memref<64x64xf32, #tpu.memory_space<vmem>>) dst(%dma_wait3A_59 : memref<64x64xf32, #tpu.memory_space<hbm>>)
    %add3A_64 = arith.constant 0 : i32
    %add3A_65 = arith.addi %mul3A_22, %add3A_64 : i32
    %dma_wait3A_66 = arith.constant 2 : i32
    %dma_wait3A_67 = arith.constant 2 : i32
    %dma_wait3A_68 = arith.constant 0 : i32
    %dma_wait3A_69 = arith.constant 0 : i32
    %dma_wait3A_70 = tpu.memref_slice %arg26[%dma_wait3A_66, %dma_wait3A_68, %dma_wait3A_69] : memref<4x64x64xf32, #tpu.memory_space<vmem>> -> memref<1x64x64xf32, #tpu.memory_space<vmem>>
    %dma_wait3A_71 = tpu.memref_squeeze %dma_wait3A_70 : memref<1x64x64xf32, #tpu.memory_space<vmem>> -> memref<64x64xf32, #tpu.memory_space<vmem>>
    %dma_wait3A_72 = arith.constant 0 : i32
    %dma_wait3A_73 = tpu.memref_slice %arg9[%add3A_65, %dma_wait3A_72] : memref<131072x64xf32, #tpu.memory_space<hbm>> -> memref<64x64xf32, #tpu.memory_space<hbm>>
    %dma_wait3A_74 = tpu.memref_slice %arg28[%dma_wait3A_67] : memref<4x!tpu.dma_semaphore, #tpu.memory_space<semaphore_mem>> -> memref<1x!tpu.dma_semaphore, #tpu.memory_space<semaphore_mem>>
    %dma_wait3A_75 = tpu.memref_squeeze %dma_wait3A_74 : memref<1x!tpu.dma_semaphore, #tpu.memory_space<semaphore_mem>> -> memref<!tpu.dma_semaphore, #tpu.memory_space<semaphore_mem>>
    %dma_wait3A_76 = arith.constant 0 : i32
    %dma_wait3A_77 = tpu.memref_slice %arg9[%add3A_65, %dma_wait3A_76] : memref<131072x64xf32, #tpu.memory_space<hbm>> -> memref<64x64xf32, #tpu.memory_space<hbm>>
    %dma_wait3A_78 = arith.constant 0 : i32
    %dma_wait3A_79 = arith.constant 0 : i32
    %dma_wait3A_80 = tpu.memref_slice %arg26[%dma_wait3A_66, %dma_wait3A_78, %dma_wait3A_79] : memref<4x64x64xf32, #tpu.memory_space<vmem>> -> memref<1x64x64xf32, #tpu.memory_space<vmem>>
    %dma_wait3A_81 = tpu.memref_squeeze %dma_wait3A_80 : memref<1x64x64xf32, #tpu.memory_space<vmem>> -> memref<64x64xf32, #tpu.memory_space<vmem>>
    tpu.wait_dma2 semaphore(%dma_wait3A_75 : memref<!tpu.dma_semaphore, #tpu.memory_space<semaphore_mem>>) src(%dma_wait3A_81 : memref<64x64xf32, #tpu.memory_space<vmem>>) dst(%dma_wait3A_77 : memref<64x64xf32, #tpu.memory_space<hbm>>)
    %add3A_82 = arith.constant 0 : i32
    %add3A_83 = arith.addi %mul3A_22, %add3A_82 : i32
    %dma_wait3A_84 = arith.constant 3 : i32
    %dma_wait3A_85 = arith.constant 3 : i32
    %dma_wait3A_86 = arith.constant 0 : i32
    %dma_wait3A_87 = arith.constant 0 : i32
    %dma_wait3A_88 = tpu.memref_slice %arg26[%dma_wait3A_84, %dma_wait3A_86, %dma_wait3A_87] : memref<4x64x64xf32, #tpu.memory_space<vmem>> -> memref<1x64x64xf32, #tpu.memory_space<vmem>>
    %dma_wait3A_89 = tpu.memref_squeeze %dma_wait3A_88 : memref<1x64x64xf32, #tpu.memory_space<vmem>> -> memref<64x64xf32, #tpu.memory_space<vmem>>
    %dma_wait3A_90 = arith.constant 0 : i32
    %dma_wait3A_91 = tpu.memref_slice %arg9[%add3A_83, %dma_wait3A_90] : memref<131072x64xf32, #tpu.memory_space<hbm>> -> memref<64x64xf32, #tpu.memory_space<hbm>>
    %dma_wait3A_92 = tpu.memref_slice %arg28[%dma_wait3A_85] : memref<4x!tpu.dma_semaphore, #tpu.memory_space<semaphore_mem>> -> memref<1x!tpu.dma_semaphore, #tpu.memory_space<semaphore_mem>>
    %dma_wait3A_93 = tpu.memref_squeeze %dma_wait3A_92 : memref<1x!tpu.dma_semaphore, #tpu.memory_space<semaphore_mem>> -> memref<!tpu.dma_semaphore, #tpu.memory_space<semaphore_mem>>
    %dma_wait3A_94 = arith.constant 0 : i32
    %dma_wait3A_95 = tpu.memref_slice %arg9[%add3A_83, %dma_wait3A_94] : memref<131072x64xf32, #tpu.memory_space<hbm>> -> memref<64x64xf32, #tpu.memory_space<hbm>>
    %dma_wait3A_96 = arith.constant 0 : i32
    %dma_wait3A_97 = arith.constant 0 : i32
    %dma_wait3A_98 = tpu.memref_slice %arg26[%dma_wait3A_84, %dma_wait3A_96, %dma_wait3A_97] : memref<4x64x64xf32, #tpu.memory_space<vmem>> -> memref<1x64x64xf32, #tpu.memory_space<vmem>>
    %dma_wait3A_99 = tpu.memref_squeeze %dma_wait3A_98 : memref<1x64x64xf32, #tpu.memory_space<vmem>> -> memref<64x64xf32, #tpu.memory_space<vmem>>
    tpu.wait_dma2 semaphore(%dma_wait3A_93 : memref<!tpu.dma_semaphore, #tpu.memory_space<semaphore_mem>>) src(%dma_wait3A_99 : memref<64x64xf32, #tpu.memory_space<vmem>>) dst(%dma_wait3A_95 : memref<64x64xf32, #tpu.memory_space<hbm>>)
    "tpu.region"() ({
      %run_scoped3A = tpu.sem_alloc : memref<!tpu.dma_semaphore, #tpu.memory_space<semaphore_mem>>
      %dma_start3A = tpu.memref_slice %arg10[%mul3A_22] : memref<131072xf32, #tpu.memory_space<hbm>> -> memref<4096xf32, #tpu.memory_space<hbm>>
      %dma_start3A_100 = tpu.memref_slice %arg10[%mul3A_22] : memref<131072xf32, #tpu.memory_space<hbm>> -> memref<4096xf32, #tpu.memory_space<hbm>>
      tpu.enqueue_dma source(%arg22 : memref<4096xf32, #tpu.memory_space<vmem>>) target(%dma_start3A_100 : memref<4096xf32, #tpu.memory_space<hbm>>) target_semaphore(%run_scoped3A : memref<!tpu.dma_semaphore, #tpu.memory_space<semaphore_mem>>)
      %dma_wait3A_101 = tpu.memref_slice %arg10[%mul3A_22] : memref<131072xf32, #tpu.memory_space<hbm>> -> memref<4096xf32, #tpu.memory_space<hbm>>
      %dma_wait3A_102 = tpu.memref_slice %arg10[%mul3A_22] : memref<131072xf32, #tpu.memory_space<hbm>> -> memref<4096xf32, #tpu.memory_space<hbm>>
      tpu.wait_dma2 semaphore(%run_scoped3A : memref<!tpu.dma_semaphore, #tpu.memory_space<semaphore_mem>>) src(%arg22 : memref<4096xf32, #tpu.memory_space<vmem>>) dst(%dma_wait3A_102 : memref<4096xf32, #tpu.memory_space<hbm>>)
      tpu.yield
    }) : () -> ()
    "tpu.region"() ({
      %run_scoped3A = tpu.sem_alloc : memref<!tpu.dma_semaphore, #tpu.memory_space<semaphore_mem>>
      %dma_start3A = tpu.memref_slice %arg11[%mul3A_22] : memref<131072xf32, #tpu.memory_space<hbm>> -> memref<4096xf32, #tpu.memory_space<hbm>>
      %dma_start3A_100 = tpu.memref_slice %arg11[%mul3A_22] : memref<131072xf32, #tpu.memory_space<hbm>> -> memref<4096xf32, #tpu.memory_space<hbm>>
      tpu.enqueue_dma source(%arg23 : memref<4096xf32, #tpu.memory_space<vmem>>) target(%dma_start3A_100 : memref<4096xf32, #tpu.memory_space<hbm>>) target_semaphore(%run_scoped3A : memref<!tpu.dma_semaphore, #tpu.memory_space<semaphore_mem>>)
      %dma_wait3A_101 = tpu.memref_slice %arg11[%mul3A_22] : memref<131072xf32, #tpu.memory_space<hbm>> -> memref<4096xf32, #tpu.memory_space<hbm>>
      %dma_wait3A_102 = tpu.memref_slice %arg11[%mul3A_22] : memref<131072xf32, #tpu.memory_space<hbm>> -> memref<4096xf32, #tpu.memory_space<hbm>>
      tpu.wait_dma2 semaphore(%run_scoped3A : memref<!tpu.dma_semaphore, #tpu.memory_space<semaphore_mem>>) src(%arg23 : memref<4096xf32, #tpu.memory_space<vmem>>) dst(%dma_wait3A_102 : memref<4096xf32, #tpu.memory_space<hbm>>)
      tpu.yield
    }) : () -> ()
    "tpu.region"() ({
      %run_scoped3A = tpu.sem_alloc : memref<!tpu.dma_semaphore, #tpu.memory_space<semaphore_mem>>
      %dma_start3A = tpu.memref_slice %arg12[%mul3A_22] : memref<131072xf32, #tpu.memory_space<hbm>> -> memref<4096xf32, #tpu.memory_space<hbm>>
      %dma_start3A_100 = tpu.memref_slice %arg12[%mul3A_22] : memref<131072xf32, #tpu.memory_space<hbm>> -> memref<4096xf32, #tpu.memory_space<hbm>>
      tpu.enqueue_dma source(%arg24 : memref<4096xf32, #tpu.memory_space<vmem>>) target(%dma_start3A_100 : memref<4096xf32, #tpu.memory_space<hbm>>) target_semaphore(%run_scoped3A : memref<!tpu.dma_semaphore, #tpu.memory_space<semaphore_mem>>)
      %dma_wait3A_101 = tpu.memref_slice %arg12[%mul3A_22] : memref<131072xf32, #tpu.memory_space<hbm>> -> memref<4096xf32, #tpu.memory_space<hbm>>
      %dma_wait3A_102 = tpu.memref_slice %arg12[%mul3A_22] : memref<131072xf32, #tpu.memory_space<hbm>> -> memref<4096xf32, #tpu.memory_space<hbm>>
      tpu.wait_dma2 semaphore(%run_scoped3A : memref<!tpu.dma_semaphore, #tpu.memory_space<semaphore_mem>>) src(%arg24 : memref<4096xf32, #tpu.memory_space<vmem>>) dst(%dma_wait3A_102 : memref<4096xf32, #tpu.memory_space<hbm>>)
      tpu.yield
    }) : () -> ()
    "tpu.region"() ({
      %run_scoped3A = tpu.sem_alloc : memref<!tpu.dma_semaphore, #tpu.memory_space<semaphore_mem>>
      %dma_start3A = tpu.memref_slice %arg13[%mul3A_22] : memref<131072xf32, #tpu.memory_space<hbm>> -> memref<4096xf32, #tpu.memory_space<hbm>>
      %dma_start3A_100 = tpu.memref_slice %arg13[%mul3A_22] : memref<131072xf32, #tpu.memory_space<hbm>> -> memref<4096xf32, #tpu.memory_space<hbm>>
      tpu.enqueue_dma source(%arg25 : memref<4096xf32, #tpu.memory_space<vmem>>) target(%dma_start3A_100 : memref<4096xf32, #tpu.memory_space<hbm>>) target_semaphore(%run_scoped3A : memref<!tpu.dma_semaphore, #tpu.memory_space<semaphore_mem>>)
      %dma_wait3A_101 = tpu.memref_slice %arg13[%mul3A_22] : memref<131072xf32, #tpu.memory_space<hbm>> -> memref<4096xf32, #tpu.memory_space<hbm>>
      %dma_wait3A_102 = tpu.memref_slice %arg13[%mul3A_22] : memref<131072xf32, #tpu.memory_space<hbm>> -> memref<4096xf32, #tpu.memory_space<hbm>>
      tpu.wait_dma2 semaphore(%run_scoped3A : memref<!tpu.dma_semaphore, #tpu.memory_space<semaphore_mem>>) src(%arg25 : memref<4096xf32, #tpu.memory_space<vmem>>) dst(%dma_wait3A_102 : memref<4096xf32, #tpu.memory_space<hbm>>)
      tpu.yield
    }) : () -> ()
    return
  }
}

module attributes {stable_mosaic.version = 14 : i64} {
  func.func @_fps_body(%arg0: memref<8x2048xf32, #tpu.memory_space<vmem>>, %arg1: memref<8x2048xf32, #tpu.memory_space<vmem>>, %arg2: memref<8x2048xf32, #tpu.memory_space<vmem>>, %arg3: memref<8x256xf32, #tpu.memory_space<vmem>>, %arg4: memref<8x256xf32, #tpu.memory_space<vmem>>, %arg5: memref<8x256xf32, #tpu.memory_space<vmem>>) attributes {dimension_semantics = [], scalar_prefetch = 0 : i64, scratch_operands = 0 : i64, tpu.core_type = #tpu.core_type<tc>} {
    %get3A = arith.constant 0 : index
    %get3A_0 = arith.constant 0 : index
    %get3A_1 = vector.load %arg0[%get3A, %get3A_0] : memref<8x2048xf32, #tpu.memory_space<vmem>>, vector<8x2048xf32>
    %get3A_2 = arith.constant 0 : index
    %get3A_3 = arith.constant 0 : index
    %get3A_4 = vector.load %arg1[%get3A_2, %get3A_3] : memref<8x2048xf32, #tpu.memory_space<vmem>>, vector<8x2048xf32>
    %get3A_5 = arith.constant 0 : index
    %get3A_6 = arith.constant 0 : index
    %get3A_7 = vector.load %arg2[%get3A_5, %get3A_6] : memref<8x2048xf32, #tpu.memory_space<vmem>>, vector<8x2048xf32>
    %iota3A = tpu.iota {dimensions = array<i32: 1>} : vector<8x256xi32>
    %slice3A = vector.extract_strided_slice %get3A_1 {offsets = [0, 0], sizes = [8, 1], strides = [1, 1]} : vector<8x2048xf32> to vector<8x1xf32>
    %slice3A_8 = vector.extract_strided_slice %get3A_4 {offsets = [0, 0], sizes = [8, 1], strides = [1, 1]} : vector<8x2048xf32> to vector<8x1xf32>
    %slice3A_9 = vector.extract_strided_slice %get3A_7 {offsets = [0, 0], sizes = [8, 1], strides = [1, 1]} : vector<8x2048xf32> to vector<8x1xf32>
    %sub3A = vector.broadcast %slice3A : vector<8x1xf32> to vector<8x2048xf32>
    %sub3A_10 = arith.subf %get3A_1, %sub3A : vector<8x2048xf32>
    %sub3A_11 = vector.broadcast %slice3A_8 : vector<8x1xf32> to vector<8x2048xf32>
    %sub3A_12 = arith.subf %get3A_4, %sub3A_11 : vector<8x2048xf32>
    %sub3A_13 = vector.broadcast %slice3A_9 : vector<8x1xf32> to vector<8x2048xf32>
    %sub3A_14 = arith.subf %get3A_7, %sub3A_13 : vector<8x2048xf32>
    %mul3A = arith.mulf %sub3A_10, %sub3A_10 : vector<8x2048xf32>
    %mul3A_15 = arith.mulf %sub3A_12, %sub3A_12 : vector<8x2048xf32>
    %add3A = arith.addf %mul3A, %mul3A_15 : vector<8x2048xf32>
    %mul3A_16 = arith.mulf %sub3A_14, %sub3A_14 : vector<8x2048xf32>
    %add3A_17 = arith.addf %add3A, %mul3A_16 : vector<8x2048xf32>
    %eq3A = arith.constant 0 : i32
    %eq3A_18 = vector.broadcast %eq3A : i32 to vector<8x256xi32>
    %eq3A_19 = arith.cmpi eq, %iota3A, %eq3A_18 : vector<8x256xi32>
    %jit3A = arith.constant 0.000000e+00 : f32
    %broadcast_in_dim3A = vector.shape_cast %slice3A : vector<8x1xf32> to vector<8x1xf32>
    %broadcast_in_dim3A_20 = vector.broadcast %broadcast_in_dim3A : vector<8x1xf32> to vector<8x256xf32>
    %broadcast_in_dim3A_21 = vector.broadcast %jit3A : f32 to vector<8x256xf32>
    %select_n3A = arith.select %eq3A_19, %broadcast_in_dim3A_20, %broadcast_in_dim3A_21 : vector<8x256xi1>, vector<8x256xf32>
    %eq3A_22 = arith.constant 0 : i32
    %eq3A_23 = vector.broadcast %eq3A_22 : i32 to vector<8x256xi32>
    %eq3A_24 = arith.cmpi eq, %iota3A, %eq3A_23 : vector<8x256xi32>
    %jit3A_25 = arith.constant 0.000000e+00 : f32
    %broadcast_in_dim3A_26 = vector.shape_cast %slice3A_8 : vector<8x1xf32> to vector<8x1xf32>
    %broadcast_in_dim3A_27 = vector.broadcast %broadcast_in_dim3A_26 : vector<8x1xf32> to vector<8x256xf32>
    %broadcast_in_dim3A_28 = vector.broadcast %jit3A_25 : f32 to vector<8x256xf32>
    %select_n3A_29 = arith.select %eq3A_24, %broadcast_in_dim3A_27, %broadcast_in_dim3A_28 : vector<8x256xi1>, vector<8x256xf32>
    %eq3A_30 = arith.constant 0 : i32
    %eq3A_31 = vector.broadcast %eq3A_30 : i32 to vector<8x256xi32>
    %eq3A_32 = arith.cmpi eq, %iota3A, %eq3A_31 : vector<8x256xi32>
    %jit3A_33 = arith.constant 0.000000e+00 : f32
    %broadcast_in_dim3A_34 = vector.shape_cast %slice3A_9 : vector<8x1xf32> to vector<8x1xf32>
    %broadcast_in_dim3A_35 = vector.broadcast %broadcast_in_dim3A_34 : vector<8x1xf32> to vector<8x256xf32>
    %broadcast_in_dim3A_36 = vector.broadcast %jit3A_33 : f32 to vector<8x256xf32>
    %select_n3A_37 = arith.select %eq3A_32, %broadcast_in_dim3A_35, %broadcast_in_dim3A_36 : vector<8x256xi1>, vector<8x256xf32>
    %scan3A = arith.constant 1 : i32
    %scan3A_38 = arith.constant 255 : i32
    %scan3A_39 = arith.addi %scan3A, %scan3A_38 : i32
    %scan3A_40 = arith.constant 1 : i32
    %scan3A_41:4 = scf.for %scan3A_51 = %scan3A to %scan3A_39 step %scan3A_40 iter_args(%scan3A_52 = %add3A_17, %scan3A_53 = %select_n3A, %scan3A_54 = %select_n3A_29, %scan3A_55 = %select_n3A_37) -> (vector<8x2048xf32>, vector<8x256xf32>, vector<8x256xf32>, vector<8x256xf32>)  : i32 {
      %reduce_max3A = arith.constant dense<0xFF800000> : vector<8xf32>
      %reduce_max3A_56 = vector.multi_reduction <maximumf>, %scan3A_52, %reduce_max3A [1] : vector<8x2048xf32> to vector<8xf32>
      %broadcast_in_dim3A_57 = vector.shape_cast %reduce_max3A_56 : vector<8xf32> to vector<8x1xf32>
      %eq3A_58 = vector.broadcast %broadcast_in_dim3A_57 : vector<8x1xf32> to vector<8x2048xf32>
      %eq3A_59 = arith.cmpf oeq, %scan3A_52, %eq3A_58 : vector<8x2048xf32>
      %jit3A_60 = arith.constant 0.000000e+00 : f32
      %broadcast_in_dim3A_61 = vector.broadcast %jit3A_60 : f32 to vector<8x2048xf32>
      %select_n3A_62 = arith.select %eq3A_59, %get3A_1, %broadcast_in_dim3A_61 : vector<8x2048xi1>, vector<8x2048xf32>
      %reduce_sum3A = arith.constant dense<0.000000e+00> : vector<8xf32>
      %reduce_sum3A_63 = vector.multi_reduction <add>, %select_n3A_62, %reduce_sum3A [1] : vector<8x2048xf32> to vector<8xf32>
      %broadcast_in_dim3A_64 = vector.shape_cast %reduce_sum3A_63 : vector<8xf32> to vector<8x1xf32>
      %jit3A_65 = arith.constant 0.000000e+00 : f32
      %broadcast_in_dim3A_66 = vector.broadcast %jit3A_65 : f32 to vector<8x2048xf32>
      %select_n3A_67 = arith.select %eq3A_59, %get3A_4, %broadcast_in_dim3A_66 : vector<8x2048xi1>, vector<8x2048xf32>
      %reduce_sum3A_68 = arith.constant dense<0.000000e+00> : vector<8xf32>
      %reduce_sum3A_69 = vector.multi_reduction <add>, %select_n3A_67, %reduce_sum3A_68 [1] : vector<8x2048xf32> to vector<8xf32>
      %broadcast_in_dim3A_70 = vector.shape_cast %reduce_sum3A_69 : vector<8xf32> to vector<8x1xf32>
      %jit3A_71 = arith.constant 0.000000e+00 : f32
      %broadcast_in_dim3A_72 = vector.broadcast %jit3A_71 : f32 to vector<8x2048xf32>
      %select_n3A_73 = arith.select %eq3A_59, %get3A_7, %broadcast_in_dim3A_72 : vector<8x2048xi1>, vector<8x2048xf32>
      %reduce_sum3A_74 = arith.constant dense<0.000000e+00> : vector<8xf32>
      %reduce_sum3A_75 = vector.multi_reduction <add>, %select_n3A_73, %reduce_sum3A_74 [1] : vector<8x2048xf32> to vector<8xf32>
      %broadcast_in_dim3A_76 = vector.shape_cast %reduce_sum3A_75 : vector<8xf32> to vector<8x1xf32>
      %sub3A_77 = vector.broadcast %broadcast_in_dim3A_64 : vector<8x1xf32> to vector<8x2048xf32>
      %sub3A_78 = arith.subf %get3A_1, %sub3A_77 : vector<8x2048xf32>
      %sub3A_79 = vector.broadcast %broadcast_in_dim3A_70 : vector<8x1xf32> to vector<8x2048xf32>
      %sub3A_80 = arith.subf %get3A_4, %sub3A_79 : vector<8x2048xf32>
      %sub3A_81 = vector.broadcast %broadcast_in_dim3A_76 : vector<8x1xf32> to vector<8x2048xf32>
      %sub3A_82 = arith.subf %get3A_7, %sub3A_81 : vector<8x2048xf32>
      %mul3A_83 = arith.mulf %sub3A_78, %sub3A_78 : vector<8x2048xf32>
      %mul3A_84 = arith.mulf %sub3A_80, %sub3A_80 : vector<8x2048xf32>
      %add3A_85 = arith.addf %mul3A_83, %mul3A_84 : vector<8x2048xf32>
      %mul3A_86 = arith.mulf %sub3A_82, %sub3A_82 : vector<8x2048xf32>
      %add3A_87 = arith.addf %add3A_85, %mul3A_86 : vector<8x2048xf32>
      %min3A = arith.minimumf %scan3A_52, %add3A_87 : vector<8x2048xf32>
      %eq3A_88 = vector.broadcast %scan3A_51 : i32 to vector<8x256xi32>
      %eq3A_89 = arith.cmpi eq, %iota3A, %eq3A_88 : vector<8x256xi32>
      %broadcast_in_dim3A_90 = vector.shape_cast %broadcast_in_dim3A_64 : vector<8x1xf32> to vector<8x1xf32>
      %broadcast_in_dim3A_91 = vector.broadcast %broadcast_in_dim3A_90 : vector<8x1xf32> to vector<8x256xf32>
      %select_n3A_92 = arith.select %eq3A_89, %broadcast_in_dim3A_91, %scan3A_53 : vector<8x256xi1>, vector<8x256xf32>
      %broadcast_in_dim3A_93 = vector.shape_cast %broadcast_in_dim3A_70 : vector<8x1xf32> to vector<8x1xf32>
      %broadcast_in_dim3A_94 = vector.broadcast %broadcast_in_dim3A_93 : vector<8x1xf32> to vector<8x256xf32>
      %select_n3A_95 = arith.select %eq3A_89, %broadcast_in_dim3A_94, %scan3A_54 : vector<8x256xi1>, vector<8x256xf32>
      %broadcast_in_dim3A_96 = vector.shape_cast %broadcast_in_dim3A_76 : vector<8x1xf32> to vector<8x1xf32>
      %broadcast_in_dim3A_97 = vector.broadcast %broadcast_in_dim3A_96 : vector<8x1xf32> to vector<8x256xf32>
      %select_n3A_98 = arith.select %eq3A_89, %broadcast_in_dim3A_97, %scan3A_55 : vector<8x256xi1>, vector<8x256xf32>
      scf.yield %min3A, %select_n3A_92, %select_n3A_95, %select_n3A_98 : vector<8x2048xf32>, vector<8x256xf32>, vector<8x256xf32>, vector<8x256xf32>
    }
    %scan3A_42 = arith.constant 255 : i32
    %swap3A = arith.constant 0 : index
    %swap3A_43 = arith.constant 0 : index
    %swap3A_44 = vector.load %arg3[%swap3A, %swap3A_43] : memref<8x256xf32, #tpu.memory_space<vmem>>, vector<8x256xf32>
    tpu.vector_store %arg3[%swap3A, %swap3A_43], %scan3A_41#1 {strides = array<i32>} : memref<8x256xf32, #tpu.memory_space<vmem>>, vector<8x256xf32>,
    %swap3A_45 = arith.constant 0 : index
    %swap3A_46 = arith.constant 0 : index
    %swap3A_47 = vector.load %arg4[%swap3A_45, %swap3A_46] : memref<8x256xf32, #tpu.memory_space<vmem>>, vector<8x256xf32>
    tpu.vector_store %arg4[%swap3A_45, %swap3A_46], %scan3A_41#2 {strides = array<i32>} : memref<8x256xf32, #tpu.memory_space<vmem>>, vector<8x256xf32>,
    %swap3A_48 = arith.constant 0 : index
    %swap3A_49 = arith.constant 0 : index
    %swap3A_50 = vector.load %arg5[%swap3A_48, %swap3A_49] : memref<8x256xf32, #tpu.memory_space<vmem>>, vector<8x256xf32>
    tpu.vector_store %arg5[%swap3A_48, %swap3A_49], %scan3A_41#3 {strides = array<i32>} : memref<8x256xf32, #tpu.memory_space<vmem>>, vector<8x256xf32>,
    return
  }
}

module attributes {stable_mosaic.version = 14 : i64} {
  func.func @_mlp_body(%arg0: i32, %arg1: memref<4096x64xf32, #tpu.memory_space<vmem>>, %arg2: memref<64x64xf32, #tpu.memory_space<vmem>>, %arg3: memref<64x64xf32, #tpu.memory_space<vmem>>, %arg4: memref<64x64xf32, #tpu.memory_space<vmem>>, %arg5: memref<64x64xf32, #tpu.memory_space<vmem>>, %arg6: memref<64x128xf32, #tpu.memory_space<vmem>>, %arg7: memref<1x128xf32, #tpu.memory_space<vmem>>, %arg8: memref<1x128xf32, #tpu.memory_space<vmem>>, %arg9: memref<1x128xf32, #tpu.memory_space<vmem>>, %arg10: memref<1x128xf32, #tpu.memory_space<vmem>>, %arg11: memref<128x128xf32, #tpu.memory_space<vmem>>, %arg12: memref<1x128xf32, #tpu.memory_space<vmem>>, %arg13: memref<64x128xf32, #tpu.memory_space<vmem>>) attributes {dimension_semantics = [#tpu.dimension_semantics<arbitrary>], iteration_bounds = array<i64: 32>, scalar_prefetch = 0 : i64, scratch_operands = 0 : i64, tpu.core_type = #tpu.core_type<tc>, window_params = [{transform_indices = @transform_0, window_bounds = array<i64: 4096, 64>}, {transform_indices = @transform_1, window_bounds = array<i64: 64, 64>}, {transform_indices = @transform_2, window_bounds = array<i64: 64, 64>}, {transform_indices = @transform_3, window_bounds = array<i64: 64, 64>}, {transform_indices = @transform_4, window_bounds = array<i64: 64, 64>}, {pipeline_mode = #tpu.pipeline_mode<synchronous>, transform_indices = @transform_5, window_bounds = array<i64: 64, 128>}, {pipeline_mode = #tpu.pipeline_mode<synchronous>, transform_indices = @transform_6, window_bounds = array<i64: 1, 128>}, {pipeline_mode = #tpu.pipeline_mode<synchronous>, transform_indices = @transform_7, window_bounds = array<i64: 1, 128>}, {pipeline_mode = #tpu.pipeline_mode<synchronous>, transform_indices = @transform_8, window_bounds = array<i64: 1, 128>}, {pipeline_mode = #tpu.pipeline_mode<synchronous>, transform_indices = @transform_9, window_bounds = array<i64: 1, 128>}, {pipeline_mode = #tpu.pipeline_mode<synchronous>, transform_indices = @transform_10, window_bounds = array<i64: 128, 128>}, {pipeline_mode = #tpu.pipeline_mode<synchronous>, transform_indices = @transform_11, window_bounds = array<i64: 1, 128>}, {transform_indices = @transform_12, window_bounds = array<i64: 64, 128>}]} {
    %get3A = arith.constant 0 : index
    %get3A_0 = arith.constant 0 : index
    %get3A_1 = vector.load %arg1[%get3A, %get3A_0] : memref<4096x64xf32, #tpu.memory_space<vmem>>, vector<4096x64xf32>
    %convert_element_type3A = arith.truncf %get3A_1 : vector<4096x64xf32> to vector<4096x64xbf16>
    %get3A_2 = arith.constant 0 : index
    %get3A_3 = arith.constant 0 : index
    %get3A_4 = vector.load %arg6[%get3A_2, %get3A_3] : memref<64x128xf32, #tpu.memory_space<vmem>>, vector<64x128xf32>
    %convert_element_type3A_5 = arith.truncf %get3A_4 : vector<64x128xf32> to vector<64x128xbf16>
    %dot_general3A = arith.constant dense<0.000000e+00> : vector<4096x128xf32>
    %dot_general3A_6 = tpu.matmul %convert_element_type3A, %convert_element_type3A_5, %dot_general3A {dimension_numbers = #tpu.dot_dimension_numbers<[1], [0], [0], [1], [0, 0, 1, 1], [], []>, transpose_lhs_hint = false} : vector<4096x64xbf16>, vector<64x128xbf16>, vector<4096x128xf32> -> vector<4096x128xf32>
    %reshape3A = vector.shape_cast %dot_general3A_6 : vector<4096x128xf32> to vector<64x64x128xf32>
    %get3A_7 = arith.constant 0 : index
    %get3A_8 = arith.constant 0 : index
    %get3A_9 = vector.load %arg2[%get3A_7, %get3A_8] : memref<64x64xf32, #tpu.memory_space<vmem>>, vector<64x64xf32>
    %broadcast_in_dim3A = vector.shape_cast %get3A_9 : vector<64x64xf32> to vector<64x64x1xf32>
    %get3A_10 = arith.constant 0 : index
    %get3A_11 = arith.constant 0 : index
    %get3A_12 = vector.load %arg7[%get3A_10, %get3A_11] : memref<1x128xf32, #tpu.memory_space<vmem>>, vector<1x128xf32>
    %reshape3A_13 = vector.shape_cast %get3A_12 : vector<1x128xf32> to vector<1x1x128xf32>
    %mul3A = vector.broadcast %broadcast_in_dim3A : vector<64x64x1xf32> to vector<64x64x128xf32>
    %mul3A_14 = vector.broadcast %reshape3A_13 : vector<1x1x128xf32> to vector<64x64x128xf32>
    %mul3A_15 = arith.mulf %mul3A, %mul3A_14 : vector<64x64x128xf32>
    %add3A = arith.addf %reshape3A, %mul3A_15 : vector<64x64x128xf32>
    %get3A_16 = arith.constant 0 : index
    %get3A_17 = arith.constant 0 : index
    %get3A_18 = vector.load %arg3[%get3A_16, %get3A_17] : memref<64x64xf32, #tpu.memory_space<vmem>>, vector<64x64xf32>
    %broadcast_in_dim3A_19 = vector.shape_cast %get3A_18 : vector<64x64xf32> to vector<64x64x1xf32>
    %get3A_20 = arith.constant 0 : index
    %get3A_21 = arith.constant 0 : index
    %get3A_22 = vector.load %arg8[%get3A_20, %get3A_21] : memref<1x128xf32, #tpu.memory_space<vmem>>, vector<1x128xf32>
    %reshape3A_23 = vector.shape_cast %get3A_22 : vector<1x128xf32> to vector<1x1x128xf32>
    %mul3A_24 = vector.broadcast %broadcast_in_dim3A_19 : vector<64x64x1xf32> to vector<64x64x128xf32>
    %mul3A_25 = vector.broadcast %reshape3A_23 : vector<1x1x128xf32> to vector<64x64x128xf32>
    %mul3A_26 = arith.mulf %mul3A_24, %mul3A_25 : vector<64x64x128xf32>
    %add3A_27 = arith.addf %add3A, %mul3A_26 : vector<64x64x128xf32>
    %get3A_28 = arith.constant 0 : index
    %get3A_29 = arith.constant 0 : index
    %get3A_30 = vector.load %arg4[%get3A_28, %get3A_29] : memref<64x64xf32, #tpu.memory_space<vmem>>, vector<64x64xf32>
    %broadcast_in_dim3A_31 = vector.shape_cast %get3A_30 : vector<64x64xf32> to vector<64x64x1xf32>
    %get3A_32 = arith.constant 0 : index
    %get3A_33 = arith.constant 0 : index
    %get3A_34 = vector.load %arg9[%get3A_32, %get3A_33] : memref<1x128xf32, #tpu.memory_space<vmem>>, vector<1x128xf32>
    %reshape3A_35 = vector.shape_cast %get3A_34 : vector<1x128xf32> to vector<1x1x128xf32>
    %mul3A_36 = vector.broadcast %broadcast_in_dim3A_31 : vector<64x64x1xf32> to vector<64x64x128xf32>
    %mul3A_37 = vector.broadcast %reshape3A_35 : vector<1x1x128xf32> to vector<64x64x128xf32>
    %mul3A_38 = arith.mulf %mul3A_36, %mul3A_37 : vector<64x64x128xf32>
    %add3A_39 = arith.addf %add3A_27, %mul3A_38 : vector<64x64x128xf32>
    %get3A_40 = arith.constant 0 : index
    %get3A_41 = arith.constant 0 : index
    %get3A_42 = vector.load %arg10[%get3A_40, %get3A_41] : memref<1x128xf32, #tpu.memory_space<vmem>>, vector<1x128xf32>
    %reshape3A_43 = vector.shape_cast %get3A_42 : vector<1x128xf32> to vector<1x1x128xf32>
    %add3A_44 = vector.broadcast %reshape3A_43 : vector<1x1x128xf32> to vector<64x64x128xf32>
    %add3A_45 = arith.addf %add3A_39, %add3A_44 : vector<64x64x128xf32>
    %max3A = arith.constant 0.000000e+00 : f32
    %max3A_46 = vector.broadcast %max3A : f32 to vector<64x64x128xf32>
    %max3A_47 = arith.maximumf %add3A_45, %max3A_46 : vector<64x64x128xf32>
    %reshape3A_48 = vector.shape_cast %max3A_47 : vector<64x64x128xf32> to vector<4096x128xf32>
    %convert_element_type3A_49 = arith.truncf %reshape3A_48 : vector<4096x128xf32> to vector<4096x128xbf16>
    %get3A_50 = arith.constant 0 : index
    %get3A_51 = arith.constant 0 : index
    %get3A_52 = vector.load %arg11[%get3A_50, %get3A_51] : memref<128x128xf32, #tpu.memory_space<vmem>>, vector<128x128xf32>
    %convert_element_type3A_53 = arith.truncf %get3A_52 : vector<128x128xf32> to vector<128x128xbf16>
    %dot_general3A_54 = arith.constant dense<0.000000e+00> : vector<4096x128xf32>
    %dot_general3A_55 = tpu.matmul %convert_element_type3A_49, %convert_element_type3A_53, %dot_general3A_54 {dimension_numbers = #tpu.dot_dimension_numbers<[1], [0], [0], [1], [0, 0, 1, 1], [], []>, transpose_lhs_hint = false} : vector<4096x128xbf16>, vector<128x128xbf16>, vector<4096x128xf32> -> vector<4096x128xf32>
    %get3A_56 = arith.constant 0 : index
    %get3A_57 = arith.constant 0 : index
    %get3A_58 = vector.load %arg12[%get3A_56, %get3A_57] : memref<1x128xf32, #tpu.memory_space<vmem>>, vector<1x128xf32>
    %add3A_59 = vector.broadcast %get3A_58 : vector<1x128xf32> to vector<4096x128xf32>
    %add3A_60 = arith.addf %dot_general3A_55, %add3A_59 : vector<4096x128xf32>
    %max3A_61 = arith.constant 0.000000e+00 : f32
    %max3A_62 = vector.broadcast %max3A_61 : f32 to vector<4096x128xf32>
    %max3A_63 = arith.maximumf %add3A_60, %max3A_62 : vector<4096x128xf32>
    %reshape3A_64 = vector.shape_cast %max3A_63 : vector<4096x128xf32> to vector<64x64x128xf32>
    %get3A_65 = arith.constant 0 : index
    %get3A_66 = arith.constant 0 : index
    %get3A_67 = vector.load %arg5[%get3A_65, %get3A_66] : memref<64x64xf32, #tpu.memory_space<vmem>>, vector<64x64xf32>
    %broadcast_in_dim3A_68 = vector.shape_cast %get3A_67 : vector<64x64xf32> to vector<64x64x1xf32>
    %mul3A_69 = vector.broadcast %broadcast_in_dim3A_68 : vector<64x64x1xf32> to vector<64x64x128xf32>
    %mul3A_70 = arith.mulf %reshape3A_64, %mul3A_69 : vector<64x64x128xf32>
    %reduce_max3A = arith.constant dense<0xFF800000> : vector<64x128xf32>
    %reduce_max3A_71 = vector.multi_reduction <maximumf>, %mul3A_70, %reduce_max3A [1] : vector<64x64x128xf32> to vector<64x128xf32>
    %swap3A = arith.constant 0 : index
    %swap3A_72 = arith.constant 0 : index
    %swap3A_73 = vector.load %arg13[%swap3A, %swap3A_72] : memref<64x128xf32, #tpu.memory_space<vmem>>, vector<64x128xf32>
    tpu.vector_store %arg13[%swap3A, %swap3A_72], %reduce_max3A_71 {strides = array<i32>} : memref<64x128xf32, #tpu.memory_space<vmem>>, vector<64x128xf32>,
    return
  }
  func.func @transform_0(%arg0: i32) -> (i32, i32) {
    %c0_i32 = arith.constant 0 : i32
    %c0_i32_0 = arith.constant 0 : i32
    return %arg0, %c0_i32 : i32, i32
  }
  func.func @transform_1(%arg0: i32) -> (i32, i32) {
    %c0_i32 = arith.constant 0 : i32
    %c0_i32_0 = arith.constant 0 : i32
    return %arg0, %c0_i32 : i32, i32
  }
  func.func @transform_2(%arg0: i32) -> (i32, i32) {
    %c0_i32 = arith.constant 0 : i32
    %c0_i32_0 = arith.constant 0 : i32
    return %arg0, %c0_i32 : i32, i32
  }
  func.func @transform_3(%arg0: i32) -> (i32, i32) {
    %c0_i32 = arith.constant 0 : i32
    %c0_i32_0 = arith.constant 0 : i32
    return %arg0, %c0_i32 : i32, i32
  }
  func.func @transform_4(%arg0: i32) -> (i32, i32) {
    %c0_i32 = arith.constant 0 : i32
    %c0_i32_0 = arith.constant 0 : i32
    return %arg0, %c0_i32 : i32, i32
  }
  func.func @transform_5(%arg0: i32) -> (i32, i32) {
    %c0_i32 = arith.constant 0 : i32
    %c0_i32_0 = arith.constant 0 : i32
    %c0_i32_1 = arith.constant 0 : i32
    return %c0_i32, %c0_i32_0 : i32, i32
  }
  func.func @transform_6(%arg0: i32) -> (i32, i32) {
    %c0_i32 = arith.constant 0 : i32
    %c0_i32_0 = arith.constant 0 : i32
    %c0_i32_1 = arith.constant 0 : i32
    return %c0_i32, %c0_i32_0 : i32, i32
  }
  func.func @transform_7(%arg0: i32) -> (i32, i32) {
    %c0_i32 = arith.constant 0 : i32
    %c0_i32_0 = arith.constant 0 : i32
    %c0_i32_1 = arith.constant 0 : i32
    return %c0_i32, %c0_i32_0 : i32, i32
  }
  func.func @transform_8(%arg0: i32) -> (i32, i32) {
    %c0_i32 = arith.constant 0 : i32
    %c0_i32_0 = arith.constant 0 : i32
    %c0_i32_1 = arith.constant 0 : i32
    return %c0_i32, %c0_i32_0 : i32, i32
  }
  func.func @transform_9(%arg0: i32) -> (i32, i32) {
    %c0_i32 = arith.constant 0 : i32
    %c0_i32_0 = arith.constant 0 : i32
    %c0_i32_1 = arith.constant 0 : i32
    return %c0_i32, %c0_i32_0 : i32, i32
  }
  func.func @transform_10(%arg0: i32) -> (i32, i32) {
    %c0_i32 = arith.constant 0 : i32
    %c0_i32_0 = arith.constant 0 : i32
    %c0_i32_1 = arith.constant 0 : i32
    return %c0_i32, %c0_i32_0 : i32, i32
  }
  func.func @transform_11(%arg0: i32) -> (i32, i32) {
    %c0_i32 = arith.constant 0 : i32
    %c0_i32_0 = arith.constant 0 : i32
    %c0_i32_1 = arith.constant 0 : i32
    return %c0_i32, %c0_i32_0 : i32, i32
  }
  func.func @transform_12(%arg0: i32) -> (i32, i32) {
    %c0_i32 = arith.constant 0 : i32
    %c0_i32_0 = arith.constant 0 : i32
    return %arg0, %c0_i32 : i32, i32
  }
}

</mosaic_0001>

<sc_bundles>
// kernel: kernel.5.cloned.1.call-start
scs
__scs_entry_jumppad:
0x0: {  	(pc) =	sbr.rel $0x88, $3  }
0x1: {  	(tag) =	ssettag $0x0;
	lr =	simm.s32 $0x1  }
0x2: {  	[smem:$0x3F9B] =	sst lr;
	_ =	strace $0xD0000000  }
0x3: {  	_ = 	snop  }
0x4: {  	_ = 	snop  }
0x5: {  	_ = 	snop  }
0x6: {  	_ = 	snop  }
0x7: {  	_ = 	snop  }
__scs_overlays_trampoline_lowered:
0x8: {  	[smem:$0x3FAA] =	sst s0  }
0x9: {  	[smem:$0x3FAB] =	sst s1  }
0xa: {  	[smem:$0x3FAC] =	sst s2  }
0xb: {  	[smem:$0x3FAD] =	sst s3  }
0xc: {  	[smem:$0x3FAE] =	sst s4  }
0xd: {  	[smem:$0x3FAF] =	sst s5  }
0xe: {  	[smem:$0x3FB0] =	sst s6  }
0xf: {  	[smem:$0x3FB1] =	sst s7  }
0x10: {  	[smem:$0x3FB2] =	sst s8  }
0x11: {  	[smem:$0x3FB3] =	sst s9;
	s0 =	simm.s32 @!p0 $0x0  }
0x12: {  	s1 =	sld [smem:$0x3F99];
	s0 =	simm.s32 @p0 $0x1  }
0x13: {  	[smem:$0x3FB4] =	sst s0;
	s0 =	simm.s32 @!p1 $0x0  }
0x14: {  	s2 =	sld [smem:$0x3F98];
	s0 =	simm.s32 @p1 $0x1  }
0x15: {  	[smem:$0x3FB5] =	sst s0;
	s0 =	simm.s32 @!p2 $0x0  }
0x16: {  	s3 =	sld [smem:$0x3FDB];
	s0 =	simm.s32 @p2 $0x1  }
0x17: {  	s4 =	simm.s32 $0x1BF5;
	[smem:$0x3FB7] =	sst s0  }
0x18: {  	s0 =	sld [smem:$0x3F9A];
	_ =	swait.ge [sflag:s4], $0x0  }
0x19: {  	s7 =	sld [smem:$0x3F9B]  }
0x1a: {  	s8 =	sadd.s32 $0xFFFFE003, lr  }
0x1b: {  	s9 =	sadd.s32 $0xFFFFFEF7, lr;
	s5 =	simm.s32 $0xFFFFFFFF;
	p2 =	slt.u32 s8, $0xFFFFF086  }
0x1c: {  	p1 =	slt.u32 s9, $0xF7A;
	s5 =	simm.s32 @!p2 $0x0  }
0x1d: {  	s5 =	simm.s32 @p1 $0x1;
	p0 =	seq.s32 s7, s2  }
0x1e: {  	s7 =	smul.u32 @!p0 $0xF7A, s2;
	p2 =	seq.s32 @!p0 s5, $0x0  }
0x1f: {  	s9 =	smul.u32 $0xF7A, s1;
	s8 =	simm.s32 @!p0 $0x1BF5;
	p2 =	por !p2, p0  }
0x20: {  	[sflag:s8] =	ssyncset.s32 @!p0 $0xFFFFF086;
	s6 =	sadd.s32 @!p0 s3, s7;
	s7 =	simm.s32 @!p0 $0x108  }
0x21: {  	s3 =	sadd.s32 s3, s9;
	s6 =	sadd.s32 @!p0 $0x88, s6;
	s7 =	simm.s32 @p2 $0x1082  }
0x22: {  	[simem:s7], [sflag:s8] =	dma.local @!p0 [hbm:s6], $0xF7A  }
0x23: {  	s9 =	sor.u32 $0xD0000000, s2;
	s6 =	simm.s32 $0x108;
	_ =	swait.ge @!p0 [sflag:s8], $0x0  }
0x24: {  	s3 =	sadd.s32 $0x88, s3;
	s6 =	simm.s32 @!p1 $0x1082;
	[sflag:s4] =	ssyncset.s32 $0xFFFFF086  }
0x25: {  	[simem:s6], [sflag:s4] =	dma.local [hbm:s3], $0xF7A  }
0x26: {  	[smem:$0x3F9B] =	sst s1;
	(tag) =	ssettag s2;
	_ =	strace s9  }
0x27: {  	s1 =	sld [smem:$0x3FAB]  }
0x28: {  	s2 =	sld [smem:$0x3FAC]  }
0x29: {  	s4 =	sld [smem:$0x3FAE]  }
0x2a: {  	p0 =	seq.s32 s5, $0x0;
	s5 =	sld [smem:$0x3FAF]  }
0x2b: {  	s6 =	sld [smem:$0x3FB0]  }
0x2c: {  	s7 =	sld [smem:$0x3FB1]  }
0x2d: {  	s3 =	simm.s32 $0x108;
	s8 =	sld [smem:$0x3FB2]  }
0x2e: {  	s3 =	simm.s32 @!p0 $0x1082;
	s9 =	sld [smem:$0x3FB3]  }
0x2f: {  	lr =	sadd.s32 s0, s3;
	s0 =	sld [smem:$0x3FAA]  }
0x30: {  	s3 =	sld [smem:$0x3FAD]  }
0x31: {  	[smem:$0x3FB6] =	sst s10  }
0x32: {  	s10 =	sld [smem:$0x3FB4];
	_ =	sdelay $0x3  }
0x33: {  	p0 =	seq.s32 s10, $0x1;
	s10 =	sld [smem:$0x3FB6];
	_ =	sdelay $0x3  }
0x34: {  	[smem:$0x3FB6] =	sst s10  }
0x35: {  	s10 =	sld [smem:$0x3FB5];
	_ =	sdelay $0x3  }
0x36: {  	p1 =	seq.s32 s10, $0x1;
	s10 =	sld [smem:$0x3FB6];
	_ =	sdelay $0x3  }
0x37: {  	[smem:$0x3FB6] =	sst s10  }
0x38: {  	s10 =	sld [smem:$0x3FB7]  }
0x39: {  	_ = 	snop;
	(pc) =	sbr.ind lr, $3  }
0x3a: {  	_ = 	snop  }
0x3b: {  	_ = 	snop  }
0x3c: {  	p2 =	seq.s32 s10, $0x1;
	s10 =	sld [smem:$0x3FB6]  }
0x3d: {  	_ =	shalt  }
0x3e: {  	_ =	shalt  }
0x3f: {  	_ =	shalt  }
0x40: {  	_ =	shalt  }
0x41: {  	_ =	shalt  }
0x42: {  	_ =	shalt  }
0x43: {  	_ =	shalt  }
0x44: {  	_ =	shalt  }
0x45: {  	_ =	shalt  }
0x46: {  	_ =	shalt  }
0x47: {  	_ =	shalt  }
0x48: {  	_ =	shalt  }
0x49: {  	_ =	shalt  }
0x4a: {  	_ =	shalt  }
0x4b: {  	_ =	shalt  }
0x4c: {  	_ =	shalt  }
0x4d: {  	_ =	shalt  }
0x4e: {  	_ =	shalt  }
0x4f: {  	_ =	shalt  }
0x50: {  	_ =	shalt  }
0x51: {  	_ =	shalt  }
0x52: {  	_ =	shalt  }
0x53: {  	_ =	shalt  }
0x54: {  	_ =	shalt  }
0x55: {  	_ =	shalt  }
0x56: {  	_ =	shalt  }
0x57: {  	_ =	shalt  }
0x58: {  	_ =	shalt  }
0x59: {  	_ =	shalt  }
0x5a: {  	_ =	shalt  }
0x5b: {  	_ =	shalt  }
0x5c: {  	_ =	shalt  }
0x5d: {  	_ =	shalt  }
0x5e: {  	_ =	shalt  }
0x5f: {  	_ =	shalt  }
0x60: {  	_ =	shalt  }
0x61: {  	_ =	shalt  }
0x62: {  	_ =	shalt  }
0x63: {  	_ =	shalt  }
0x64: {  	_ =	shalt  }
0x65: {  	_ =	shalt  }
0x66: {  	_ =	shalt  }
0x67: {  	_ =	shalt  }
0x68: {  	_ =	shalt  }
0x69: {  	_ =	shalt  }
0x6a: {  	_ =	shalt  }
0x6b: {  	_ =	shalt  }
0x6c: {  	_ =	shalt  }
0x6d: {  	_ =	shalt  }
0x6e: {  	_ =	shalt  }
0x6f: {  	_ =	shalt  }
0x70: {  	_ =	shalt  }
0x71: {  	_ =	shalt  }
0x72: {  	_ =	shalt  }
0x73: {  	_ =	shalt  }
0x74: {  	_ =	shalt  }
0x75: {  	_ =	shalt  }
0x76: {  	_ =	shalt  }
0x77: {  	_ =	shalt  }
0x78: {  	_ =	shalt  }
0x79: {  	_ =	shalt  }
0x7a: {  	_ =	shalt  }
0x7b: {  	_ =	shalt  }
0x7c: {  	_ =	shalt  }
0x7d: {  	_ =	shalt  }
0x7e: {  	_ =	shalt  }
0x7f: {  	_ =	shalt  }
0x80: {  	_ =	shalt  }
0x81: {  	_ =	shalt  }
0x82: {  	_ =	shalt  }
0x83: {  	_ =	shalt  }
0x84: {  	_ =	shalt  }
0x85: {  	_ =	shalt  }
0x86: {  	_ =	shalt  }
0x87: {  	_ =	shalt  }
.Lfunc_end0:
.L_simem_size_0:
called_computation_lowered:
.L_overlay_start_0:
0x88: {  	s2 =	sld [smem:$0x3FD9]  }
0x89: {  	s3 =	sld [smem:$0x3FFE];
	_ =	sdelay $0x1  }
0x8a: {  	s1 =	srdreg.scid  }
0x8b: {  	s0 =	sand.u32 $0x1, s1  }
0x8c: {  	s14 =	sshll.u32 s0, $0xA;
	s2 =	sadd.s32 s3, s2  }
0x8d: {  	s2 =	sadd.s32 s2, s14  }
0x8e: {  	[smem:$0x3FC2] =	sst s2  }
0x8f: {  	_ = 	snop  }
0x90: {  	s2 =	sld [smem:$0x3FD0];
	_ =	sdelay $0x2  }
0x91: {  	s15 =	simm.s32 $0xA;
	s4 =	simm.s32 $0x10  }
0x92: {  	[smem:s4], [sflag:s15] =	dma.local [hbm:s2], $0x1  }
0x93: {  	_ =	swait.eq [sflag:s15], $0x1  }
0x94: {  	[sflag:s15] =	ssyncset.done $0x0  }
0x95: {  	[sflag:s15] =	ssyncadd.s32 $0xFFFFFFFF  }
0x96: {  	s16 =	sld [smem:$0x10];
	(tm) =	ssettm $0x1  }
0x97: {  	s17 =	sld [smem:$0x3FFB];
	_ =	sdelay $0x3  }
0x98: {  	_ =	strace s17  }
0x99: {  	s3 =	sld [smem:$0x3FFC];
	_ =	sdelay $0x3  }
0x9a: {  	_ =	strace s3  }
0x9b: {  	s3 =	sld [smem:$0x3FFD];
	_ =	sdelay $0x3  }
0x9c: {  	_ =	strace s3  }
0x9d: {  	_ =	strace $0x8FFFFFFF  }
0x9e: {  	s18 =	sld [smem:$0x3FDB];
	_ =	sdelay $0x1  }
0x9f: {  	s19 =	simm.s32 $_scs_section_size  }
0xa0: {  	s5 =	simm.s32 $_size__tile_overlayer_lowered;
	s6 =	simm.s32 $_tile_overlayer_lowered  }
0xa1: {  	s22 =	simm.s32 $0x1BFF;
	s21 =	sshll.u32 s6, $0x1;
	s3 =	sadd.s32 s19, s18  }
0xa2: {  	s7 =	simm.s32 $0x0;
	s20 =	sshll.u32 s5, $0x1;
	s5 =	sadd.s32 s21, s3  }
0xa3: {  	[timem:s7], [sflag:s22] =	dma.local [hbm:s5], s20  }
0xa4: {  	_ =	swait.ge [sflag:s22], s20  }
0xa5: {  	s4 =	ssub.s32 $0x0, s20;
	[sflag:s22] =	ssyncset.done $0x0  }
0xa6: {  	[sflag:s22] =	ssyncadd.s32 s4;
	_ =	sdelay $0x1  }
0xa7: {  	s23 =	simm.s32 $0x1B8B  }
0xa8: {  	_ =	swait.ge [sflag:s23], $0x1  }
0xa9: {  	[sflag:s23] =	ssyncset.done $0x0  }
0xaa: {  	s25 =	simm.s32 $0x1B8E;
	s24 =	sld [smem:$0x3FFE];
	[sflag:s23] =	ssyncadd.s32 $0xFFFFFFFF  }
0xab: {  	s26 =	simm.s32 $execute0_lowered;
	[smem:$0x3FD2] =	sst s25  }
0xac: {  	s5 =	sshll.u32 s26, $0x1;
	_ =	strace $0x80000046;
	[dreg:$0x1] =	wrdreg $0xFFFFFFFF  }
0xad: {  	s28 =	simm.s32 $_size_execute0_lowered;
	s3 =	sadd.s32 s3, s5;
	[dreg:$0x0] =	wrdreg $0x0  }
0xae: {  	s5 =	sshll.u32 s28, $0x1;
	[dreg:$0x2] =	wrdreg s3  }
0xaf: {  	[dreg:$0x3] =	wrdreg s5  }
0xb0: {  	[dreg:$0x4] =	wrdreg $0xC0  }
0xb1: {  	_ =	task [dreg:s7], $0x5FFFF  }
0xb2: {  	[dreg:$0x1] =	wrdreg $0xFFFFFFFF  }
0xb3: {  	[dreg:$0x0] =	wrdreg $0x60  }
0xb4: {  	[dreg:$0x2] =	wrdreg s24  }
0xb5: {  	[dreg:$0x3] =	wrdreg s16  }
0xb6: {  	[dreg:$0x4] =	wrdreg $0x9  }
0xb7: {  	_ =	task.clear_ibuf [dreg:s7], $0x5FFFF;
	_ =	strace $0x90000046  }
0xb8: {  	s29 =	simm.s32 $0x9;
	_ =	strace $0x80000048  }
0xb9: {  	_ =	swait.ge [sflag:s29], $0x1  }
0xba: {  	[sflag:s29] =	ssyncadd.s32 $0xFFFFFFFF  }
0xbb: {  	_ =	strace $0x90000048  }
0xbc: {  	_ =	sfence  }
0xbd: {  	s30 =	sld [smem:$0x0];
	_ =	sdelay $0x2  }
0xbe: {  	s31 =	sshll.u32 s1, $0xD;
	s1 =	sshrl.u32 s1, $0x2  }
0xbf: {  	s3 =	sand.u32 $0x4000, s31;
	s1 =	sadd.s32 s1, s30  }
0xc0: {  	s0 =	sor.u32 s3, s0;
	s1 =	sshll.u32 s1, $0x11  }
0xc1: {  	s0 =	sor.u32 s1, s0  }
0xc2: {  	s0 =	sadd.s32 $0x8F2B, s0  }
0xc3: {  	[sflag:s0] =	ssyncadd.remote.s32 $0x1  }
0xc4: {  	_ =	sfence.sel $0xFFFF  }
0xc5: {  	[dreg:$0x0] =	wrdreg $0xFFFFFFFF;
	(pc) =	sbr.abs _section_cstart, $3  }
0xc6: {  	[dreg:$0x1] =	wrdreg $0xFFFFFFFF  }
0xc7: {  	_ =	task.clear_ibuf [dreg:s7], $0x2FFFF;
	_ =	strace $0x9FFFFFFF  }
0xc8: {  	(tm) =	ssettm $0x7FFFFFFF  }
0xc9: {  	_ =	shalt  }
tec
execute0_lowered:
.L_overlay_start_1:
0x0: {  	(tag) =	ssettag $0x1  }
0x1: {  	s0 =	rddreg [dreg:$0x0]  }
0x2: {  	s1 =	rddreg [dreg:$0x1];
	s5 =	stileid.u32  }
0x3: {  	s2 =	srdreg.scid;
	s18 =	simm.s32 $0x800;
	s19 =	simm.s32 $0x1000  }
0x4: {  	s20 =	simm.s32 $0x1800;
	s21 =	simm.s32 $0x1840;
	s29 =	simm.s32 $0x6A10  }
0x5: {  	s31 =	simm.s32 $0x7A10;
	s3 =	sshll.u32 s5, $0xA;
	s4 =	sand.u32 $0x1, s2  }
0x6: {  	s5 =	sshll.u32 s5, $0x1;
	s2 =	simm.s32 $0x0;
	s10 =	sand.u32 $0x3800, s3  }
0x7: {  	s5 =	sor.u32 s4, s5;
	[smem:$0x7FF] =	sst s2;
	s9 =	ssub.s32 $0x2, s4  }
0x8: {  	s4 =	sadd.s32 $0x22C00, s0;
	s3 =	sshrl.u32 s10, $0x3;
	s8 =	sshll.u32 s5, $0x9  }
0x9: {  	s6 =	sshll.u32 s5, $0x3;
	s7 =	sadd.s32 s3, s0;
	s1 =	sadd.s32 s1, s8  }
0xa: {  	_ =	strace $0x80000047;
	s22 =	sadd.s32 $0x1E00, s7;
	[dreg:$0xa] =	wrdreg s1  }
0xb: {  	s11 =	sshrl.u32 s9, $0x1;
	s23 =	sadd.s32 $0x1600, s7;
	[dreg:$0x3] =	wrdreg s22  }
0xc: {  	s6 =	sadd.s32 s6, s0;
	s7 =	sadd.s32 $0xE00, s7;
	[dreg:$0x4] =	wrdreg s23  }
0xd: {  	s5 =	sshll.u32 s5, $0xC;
	s24 =	sadd.s32 $0x2A00, s6;
	[dreg:$0x5] =	wrdreg s7  }
0xe: {  	s3 =	sadd.s32 $0x2C00, s0;
	s25 =	sadd.s32 $0x2800, s6;
	[dreg:$0x6] =	wrdreg s24  }
0xf: {  	s0 =	sadd.s32 s8, s0;
	s6 =	sadd.s32 $0x2600, s6;
	[dreg:$0x7] =	wrdreg s25  }
0x10: {  	v0 =	vmov s10;
	s10 =	simm.s32 $0x0;
	s26 =	sadd.s32 $0x122C00, s0;
	[dreg:$0x8] =	wrdreg s6  }
0x11: {  	s9 =	ssub.s32 s9, s11;
	s28 =	sadd.s32 $0x126C00, s0;
	[dreg:$0x9] =	wrdreg s26  }
0x12: {  	s11 =	simm.s32 $0x9;
	s0 =	sadd.s32 $0x12AC00, s0;
	[dreg:$0xb] =	wrdreg s28  }
0x13: {  	s8 =	simm.s32 $0x3;
	s30 =	smax.u32 s9, $0x1;
	[dreg:$0xc] =	wrdreg s0  }
0x14: {  	s1 =	simm.s32 $0x8A10;
	s9 =	simm.s32 $0x4;
	[dreg:$0xd] =	wrdreg s30  }
0x15: {  	v1 =	vimm.s32 $0x0;
	v2 =	vlaneseq.u32;
	v3 =	vimm.f32 $0.0e+00;
	s22 =	simm.s32 $0x1880;
	s23 =	simm.s32 $0x18C0;
	s24 =	simm.s32 $0x40  }
0x16: {  	v4 =	vor.u32 $0x10, v2;
	v5 =	vor.u32 $0x20, v2;
	v6 =	vor.u32 $0x30, v2;
	s26 =	simm.s32 $0x5A10;
	s6 =	simm.s32 $0x1;
	s7 =	simm.s32 $0x2  }
.LBB2_1:
0x17: {  	[dreg:$0xe] =	wrdreg s10  }
0x18: {  	s0 =	rddreg [dreg:$0x3]  }
0x19: {  	[tilespmem:s2], [sflag:$0x9] =	stream.linear.gather [hbm4b:s0+s2], $0x800, $0x38;
	[tilespmem:$0x9A10] =	vst v63  }
0x1a: {  	_ =	swait.ge [sflag:s11], $0x800  }
0x1b: {  	[sflag:s11] =	ssyncset.done $0x0  }
0x1c: {  	s16 =	rddreg [dreg:$0x4];
	[sflag:s11] =	ssyncadd.s32 $0xFFFFF800  }
0x1d: {  	[tilespmem:s18], [sflag:$0x9] =	stream.linear.gather [hbm4b:s16+s2], $0x800, $0x38;
	[tilespmem:$0x9A10] =	vst v63  }
0x1e: {  	_ =	swait.ge [sflag:s11], $0x800  }
0x1f: {  	[sflag:s11] =	ssyncset.done $0x0  }
0x20: {  	s17 =	rddreg [dreg:$0x5];
	[sflag:s11] =	ssyncadd.s32 $0xFFFFF800  }
0x21: {  	[tilespmem:s19], [sflag:$0x9] =	stream.linear.gather [hbm4b:s17+s2], $0x800, $0x38;
	[tilespmem:$0x9A10] =	vst v63  }
0x22: {  	_ =	swait.ge [sflag:s11], $0x800  }
0x23: {  	[sflag:s11] =	ssyncset.done $0x0  }
0x24: {  	s25 =	rddreg [dreg:$0x6];
	[sflag:s11] =	ssyncadd.s32 $0xFFFFF800  }
0x25: {  	[tilespmem:s20], [sflag:$0x9] =	stream.linear.gather [hbm4b:s25+s2], $0x40, $0x38;
	[tilespmem:$0x9A10] =	vst v63  }
0x26: {  	_ =	swait.ge [sflag:s11], $0x40  }
0x27: {  	[sflag:s11] =	ssyncset.done $0x0  }
0x28: {  	s28 =	rddreg [dreg:$0x7];
	[sflag:s11] =	ssyncadd.s32 $0xFFFFFFC0  }
0x29: {  	[tilespmem:s21], [sflag:$0x9] =	stream.linear.gather [hbm4b:s28+s2], $0x40, $0x38;
	[tilespmem:$0x9A10] =	vst v63  }
0x2a: {  	_ =	swait.ge [sflag:s11], $0x40  }
0x2b: {  	[sflag:s11] =	ssyncset.done $0x0  }
0x2c: {  	s30 =	rddreg [dreg:$0x8];
	[sflag:s11] =	ssyncadd.s32 $0xFFFFFFC0  }
0x2d: {  	[tilespmem:s22], [sflag:$0x9] =	stream.linear.gather [hbm4b:s30+s2], $0x40, $0x38;
	[tilespmem:$0x9A10] =	vst v63  }
0x2e: {  	_ =	swait.ge [sflag:s11], $0x40  }
0x2f: {  	[sflag:s11] =	ssyncset.done $0x0  }
0x30: {  	s15 =	simm.s32 $0x0;
	[sflag:s11] =	ssyncadd.s32 $0xFFFFFFC0  }
.LBB2_2:
0x31: {  	s10 =	sshll.u32 s15, $0x2  }
0x32: {  	v7 =	vmov s10  }
0x33: {  	s11 =	simm.s32 $0x820;
	v7 =	vbroadcast v7, $0x0  }
0x34: {  	s12 =	simm.s32 $0x20;
	v10 =	vld [tilespmem:s11+$0xFFFFFFF0]  }
0x35: {  	v11 =	vld [tilespmem:s12+$0xFFFFFFE0]  }
0x36: {  	v12 =	vld [tilespmem:s12+$0xFFFFFFF0]  }
0x37: {  	s13 =	simm.s32 $0x1020;
	v13 =	vld [tilespmem:s11+$0x10]  }
0x38: {  	v14 =	vld [tilespmem:s13+$0xFFFFFFF0]  }
0x39: {  	v9 =	vld.idx.msk [tilespmem:v7+s20+$0x0], $0xffff  }
0x3a: {  	v8 =	vld.idx.msk [tilespmem:v7+s21+$0x0], $0xffff  }
0x3b: {  	v7 =	vld.idx.msk [tilespmem:v7+s22+$0x0], $0xffff  }
0x3c: {  	v16 =	vld [tilespmem:s11+$0xFFFFFFE0]  }
0x3d: {  	v18 =	vld [tilespmem:s13+$0xFFFFFFE0]  }
0x3e: {  	v15 =	vld [tilespmem:s11+$0x0]  }
0x3f: {  	v17 =	vld [tilespmem:s12+$0x0];
	v10 =	vsub.f32 v10, v8;
	v12 =	vsub.f32 v12, v9  }
0x40: {  	v19 =	vld [tilespmem:s13+$0x0];
	v11 =	vsub.f32 v11, v9;
	v14 =	vsub.f32 v14, v7  }
0x41: {  	v20 =	vld [tilespmem:s12+$0x10];
	v16 =	vsub.f32 v16, v8;
	v10 =	vmul.f32 v10, v10;
	v12 =	vmul.f32 v12, v12  }
0x42: {  	v13 =	vsub.f32 v13, v8;
	v18 =	vsub.f32 v18, v7  }
0x43: {  	v16 =	vmul.f32 v16, v16;
	v11 =	vmul.f32 v11, v11;
	v10 =	vadd.f32 v10, v12;
	v12 =	vld [tilespmem:s13+$0x10]  }
0x44: {  	v15 =	vsub.f32 v15, v8;
	v17 =	vsub.f32 v17, v9;
	v14 =	vmul.f32 v14, v14  }
0x45: {  	v19 =	vsub.f32 v19, v7;
	v61 =	vmul.f32 v18, v18;
	v11 =	vadd.f32 v16, v11  }
0x46: {  	v17 =	vmul.f32 v17, v17;
	v10 =	vadd.f32 v14, v10;
	v14 =	vsub.f32 v20, v9  }
0x47: {  	v15 =	vmul.f32 v15, v15;
	v13 =	vmul.f32 v13, v13;
	v11 =	vadd.f32 v61, v11  }
0x48: {  	v14 =	vmul.f32 v14, v14;
	vm2 =	vle.f32 v10, $1.600000110e-01;
	v10 =	vsub.f32 v12, v7  }
0x49: {  	v62 =	vmul.f32 v19, v19;
	v15 =	vadd.f32 v15, v17;
	vm3 =	vle.f32 v11, $1.600000110e-01  }
0x4a: {  	v12 =	vsel vm2, $0x1, v1;
	v13 =	vadd.f32 v13, v14;
	v10 =	vmul.f32 v10, v10  }
0x4b: {  	v11 =	vsel vm3, $0x1, v1;
	(xrf0) =	vadd.scan.msk.s32 $0xffff, v12;
	v12 =	vadd.f32 v62, v15  }
0x4c: {  	(xrf0) =	vadd.scan.msk.s32 $0xffff, v11;
	v10 =	vadd.f32 v10, v13  }
0x4d: {  	v11 =	vmpcnt.ones.xlane vm3;
	vm0 =	vle.f32 v12, $1.600000110e-01  }
0x4e: {  	v14 =	vimm.s32 $0x0;
	v12 =	vsel vm0, $0x1, v1;
	vm1 =	vle.f32 v10, $1.600000110e-01  }
0x4f: {  	v11 =	vadd.s32 v14, v11;
	(xrf0) =	vadd.scan.msk.s32 $0xffff, v12;
	v12 =	vsel vm1, $0x1, v1  }
0x50: {  	vm4 =	vlt.s32 v11, $0x40;
	v10 =	vmpcnt.ones.xlane vm2  }
0x51: {  	v15 =	vmpcnt.ones.xlane vm0;
	v11 =	vnsel vm4, $0x40, v11;
	v13, _, _ =	vpop (xrf0);
	(xrf0) =	vadd.scan.msk.s32 $0xffff, v12  }
0x52: {  	v10 =	vadd.s32 v10, v11;
	v12, _, _ =	vpop (xrf0)  }
0x53: {  	vm13 =	vlt.s32 v10, $0x40;
	v12 =	vadd.s32 v12, v14  }
0x54: {  	v11 =	vadd.s32 v11, v13;
	v10 =	vnsel vm13, $0x40, v10;
	v13 =	vadd.s32 $0xFFFFFFFF, v12  }
0x55: {  	v12 =	vadd.s32 v15, v10;
	v15, _, _ =	vpop (xrf0)  }
0x56: {  	v14 =	vmpcnt.ones.xlane vm1;
	vm14 =	vlt.s32 v12, $0x40;
	v10 =	vadd.s32 v10, v15  }
0x57: {  	s14 =	simm.s32 $0x0;
	v11 =	vadd.s32 $0xFFFFFFFF, v11;
	v15 =	vnsel vm14, $0x40, v12;
	v63, _, _ =	vpop (xrf0);
	v12 =	vadd.s32 $0xFFFFFFFF, v10  }
0x58: {  	v10 =	vadd.s32 v14, v15;
	v14 =	vor.u32 s14, v2;
	v15 =	vadd.s32 v15, v63  }
0x59: {  	[tilespmem:v13+s23+$0x0] =	vst.idx.msk vm3, v14;
	v13 =	vadd.s32 $0xFFFFFFFF, v15  }
0x5a: {  	s16 =	simm.s32 $0x10  }
0x5b: {  	s17 =	simm.s32 $0x20;
	vm15 =	vlt.s32 v10, $0x40;
	v14 =	vor.u32 s16, v2  }
0x5c: {  	s14 =	simm.s32 $0x40;
	v10 =	vnsel vm15, $0x40, v10;
	s16 =	simm.s32 $0x30;
	[tilespmem:v11+s23+$0x0] =	vst.idx.msk vm2, v14;
	v14 =	vor.u32 s17, v2  }
.LBB2_3:
0x5d: {  	[tilespmem:v12+s23+$0x0] =	vst.idx.msk vm0, v14;
	v11 =	vor.u32 s16, v2;
	s12 =	sadd.s32 $0x40, s12;
	s11 =	sadd.s32 $0x40, s11;
	s13 =	sadd.s32 $0x40, s13  }
0x5e: {  	p0 =	sne.s32 s14, $0x7C0;
	s16 =	smov.u32 s14;
	s14 =	sadd.s32 $0x40, s14;
	[tilespmem:v13+s23+$0x0] =	vst.idx.msk vm1, v11  }
0x5f: {  	v11 =	vld [tilespmem:s11+$0xFFFFFFF0]  }
0x60: {  	v12 =	vld [tilespmem:s12+$0xFFFFFFE0]  }
0x61: {  	v13 =	vld [tilespmem:s12+$0xFFFFFFF0]  }
0x62: {  	v14 =	vld [tilespmem:s11+$0x10]  }
0x63: {  	v15 =	vld [tilespmem:s13+$0xFFFFFFF0]  }
0x64: {  	v11 =	vsub.f32 v11, v8;
	v16 =	vld [tilespmem:s11+$0x0]  }
0x65: {  	v12 =	vsub.f32 v12, v9;
	v17 =	vld [tilespmem:s12+$0x0]  }
0x66: {  	v18 =	vld [tilespmem:s11+$0xFFFFFFE0];
	v13 =	vsub.f32 v13, v9;
	v11 =	vmul.f32 v11, v11  }
0x67: {  	v19 =	vld [tilespmem:s13+$0x0];
	v14 =	vsub.f32 v14, v8  }
0x68: {  	v20 =	vld [tilespmem:s13+$0xFFFFFFE0];
	v15 =	vsub.f32 v15, v7;
	v13 =	vmul.f32 v13, v13  }
0x69: {  	v16 =	vsub.f32 v16, v8;
	v21 =	vld [tilespmem:s12+$0x10]  }
0x6a: {  	v11 =	vadd.f32 v11, v13;
	v13 =	vmul.f32 v15, v15;
	v15 =	vsub.f32 v17, v9  }
0x6b: {  	v17 =	vsub.f32 v18, v8;
	v18 =	vld [tilespmem:s13+$0x10]  }
0x6c: {  	v11 =	vadd.f32 v13, v11;
	v13 =	vmul.f32 v15, v15;
	v15 =	vmul.f32 v16, v16  }
0x6d: {  	v16 =	vmul.f32 v17, v17;
	v17 =	vsub.f32 v19, v7  }
0x6e: {  	v12 =	vmul.f32 v12, v12;
	v19 =	vsub.f32 v20, v7;
	v20 =	vsub.f32 v21, v9  }
0x6f: {  	v14 =	vmul.f32 v14, v14;
	v13 =	vadd.f32 v15, v13;
	v15 =	vmul.f32 v17, v17  }
0x70: {  	v12 =	vadd.f32 v16, v12;
	v16 =	vmul.f32 v19, v19;
	v17 =	vmul.f32 v20, v20  }
0x71: {  	vm2 =	vle.f32 v11, $1.600000110e-01;
	v11 =	vadd.f32 v15, v13;
	v13 =	vsub.f32 v18, v7  }
0x72: {  	v12 =	vadd.f32 v16, v12;
	v15 =	vsel vm2, $0x1, v1;
	v14 =	vadd.f32 v14, v17  }
0x73: {  	v13 =	vmul.f32 v13, v13;
	(xrf0) =	vadd.scan.msk.s32 $0xffff, v15  }
0x74: {  	vm3 =	vle.f32 v12, $1.600000110e-01;
	vm0 =	vle.f32 v11, $1.600000110e-01  }
0x75: {  	v12 =	vsel vm3, $0x1, v1;
	v11 =	vadd.f32 v13, v14;
	v13 =	vmpcnt.ones.xlane vm3  }
0x76: {  	v14 =	vsel vm0, $0x1, v1;
	(xrf0) =	vadd.scan.msk.s32 $0xffff, v12  }
0x77: {  	vm1 =	vle.f32 v11, $1.600000110e-01;
	v11 =	vadd.s32 v10, v13;
	(xrf0) =	vadd.scan.msk.s32 $0xffff, v14  }
0x78: {  	v12 =	vmpcnt.ones.xlane vm2;
	vm4 =	vlt.s32 v11, $0x40;
	v13 =	vsel vm1, $0x1, v1  }
0x79: {  	v11 =	vnsel vm4, $0x40, v11;
	v14, _, _ =	vpop (xrf0);
	(xrf0) =	vadd.scan.msk.s32 $0xffff, v13  }
0x7a: {  	v13 =	vadd.s32 v11, v14;
	v11 =	vadd.s32 v12, v11;
	v12 =	vmpcnt.ones.xlane vm0  }
0x7b: {  	vm4 =	vlt.s32 v11, $0x40  }
0x7c: {  	v11 =	vnsel vm4, $0x40, v11;
	v14, _, _ =	vpop (xrf0)  }
0x7d: {  	v10 =	vadd.s32 v14, v10;
	v12 =	vadd.s32 v12, v11;
	v14 =	vmpcnt.ones.xlane vm1;
	v15, _, _ =	vpop (xrf0)  }
0x7e: {  	v16 =	vadd.s32 $0xFFFFFFFF, v10;
	v10 =	vadd.s32 v11, v15;
	vm4 =	vlt.s32 v12, $0x40  }
0x7f: {  	v15 =	vadd.s32 $0xFFFFFFFF, v13;
	v11 =	vnsel vm4, $0x40, v12;
	v13, _, _ =	vpop (xrf0)  }
.Ltmp0:
0x80: {  	v12 =	vadd.s32 $0xFFFFFFFF, v10;
	v10 =	vadd.s32 v11, v13;
	v11 =	vadd.s32 v14, v11;
	(pc) =	sbr.rel @p0 .LBB2_3-.Ltmp0, $4  }
0x81: {  	v13 =	vadd.s32 $0xFFFFFFFF, v10;
	vm4 =	vlt.s32 v11, $0x40  }
0x82: {  	s17 =	sadd.s32 $0x10, s16;
	v14 =	vor.u32 s16, v2;
	v10 =	vnsel vm4, $0x40, v11  }
0x83: {  	s25 =	sadd.s32 $0x20, s16;
	[tilespmem:v16+s23+$0x0] =	vst.idx.msk vm3, v14;
	v14 =	vor.u32 s17, v2  }
0x84: {  	s16 =	sadd.s32 $0x30, s16;
	[tilespmem:v15+s23+$0x0] =	vst.idx.msk vm2, v14;
	v14 =	vor.u32 s25, v2  }
0x85: {  	_ =	sdelay $0x4  }
0x86: {  	[tilespmem:v12+s23+$0x0] =	vst.idx.msk vm0, v14;
	v10 =	vor.u32 s16, v2  }
0x87: {  	[tilespmem:v13+s23+$0x0] =	vst.idx.msk vm1, v10  }
0x88: {  	v10 =	vld [tilespmem:$0x18C0];
	_ =	sdelay $0x3  }
0x89: {  	vm0 =	vgt.s32 v11, v2  }
0x8a: {  	v10 =	vnsel vm0, $0x0, v10;
	_ =	sdelay $0x3  }
0x8b: {  	s17 =	simm.s32 $0x0  }
0x8c: {  	v12 =	vld.idx.msk [tilespmem:v10+s17+$0x0], $0xffff  }
0x8d: {  	v13 =	vld.idx.msk [tilespmem:v10+s18+$0x0], $0xffff  }
0x8e: {  	v14 =	vld.idx.msk [tilespmem:v10+s19+$0x0], $0xffff;
	_ =	sdelay $0x2  }
0x8f: {  	v12 =	vsub.f32 v12, v9  }
0x90: {  	s16 =	sshll.u32 s15, $0x8;
	v13 =	vsub.f32 v13, v8  }
0x91: {  	v14 =	vsub.f32 v14, v7;
	[tilespmem:s16+$0x1A10] =	vst v12  }
0x92: {  	[tilespmem:s16+$0x2A10] =	vst v13  }
0x93: {  	[tilespmem:s16+$0x3A10] =	vst v14;
	v12 =	vsel vm0, $0x3F800000, v3  }
0x94: {  	[tilespmem:s16+$0x4A10] =	vst v12  }
0x95: {  	v12 =	vld [tilespmem:$0x18D0];
	_ =	sdelay $0x3  }
0x96: {  	vm0 =	vgt.s32 v11, v4  }
0x97: {  	v12 =	vnsel vm0, $0x0, v12;
	_ =	sdelay $0x2  }
0x98: {  	v10 =	vadd.s32 v0, v10  }
0x99: {  	[tilespmem:$0x1910] =	vst v10  }
0x9a: {  	v10 =	vld.idx.msk [tilespmem:v12+s17+$0x0], $0xffff  }
0x9b: {  	v13 =	vld.idx.msk [tilespmem:v12+s18+$0x0], $0xffff  }
0x9c: {  	v14 =	vld.idx.msk [tilespmem:v12+s19+$0x0], $0xffff;
	_ =	sdelay $0x2  }
0x9d: {  	v10 =	vsub.f32 v10, v9  }
0x9e: {  	v13 =	vsub.f32 v13, v8  }
0x9f: {  	v14 =	vsub.f32 v14, v7;
	[tilespmem:s16+$0x1A20] =	vst v10  }
0xa0: {  	[tilespmem:s16+$0x2A20] =	vst v13  }
0xa1: {  	[tilespmem:s16+$0x3A20] =	vst v14;
	v10 =	vsel vm0, $0x3F800000, v3  }
0xa2: {  	[tilespmem:s16+$0x4A20] =	vst v10  }
0xa3: {  	v10 =	vld [tilespmem:$0x18E0];
	_ =	sdelay $0x3  }
0xa4: {  	vm0 =	vgt.s32 v11, v5  }
0xa5: {  	v10 =	vnsel vm0, $0x0, v10;
	_ =	sdelay $0x2  }
0xa6: {  	v12 =	vadd.s32 v0, v12  }
0xa7: {  	[tilespmem:$0x1920] =	vst v12  }
0xa8: {  	v12 =	vld.idx.msk [tilespmem:v10+s17+$0x0], $0xffff  }
0xa9: {  	v13 =	vld.idx.msk [tilespmem:v10+s18+$0x0], $0xffff  }
0xaa: {  	v14 =	vld.idx.msk [tilespmem:v10+s19+$0x0], $0xffff;
	_ =	sdelay $0x2  }
0xab: {  	v12 =	vsub.f32 v12, v9  }
0xac: {  	v13 =	vsub.f32 v13, v8  }
0xad: {  	v14 =	vsub.f32 v14, v7;
	[tilespmem:s16+$0x1A30] =	vst v12  }
0xae: {  	[tilespmem:s16+$0x2A30] =	vst v13  }
0xaf: {  	[tilespmem:s16+$0x3A30] =	vst v14;
	v12 =	vsel vm0, $0x3F800000, v3  }
0xb0: {  	[tilespmem:s16+$0x4A30] =	vst v12  }
0xb1: {  	v12 =	vld [tilespmem:$0x18F0];
	_ =	sdelay $0x3  }
0xb2: {  	vm0 =	vgt.s32 v11, v6  }
0xb3: {  	v11 =	vnsel vm0, $0x0, v12;
	_ =	sdelay $0x2  }
0xb4: {  	v10 =	vadd.s32 v0, v10  }
0xb5: {  	[tilespmem:$0x1930] =	vst v10  }
0xb6: {  	v10 =	vld.idx.msk [tilespmem:v11+s17+$0x0], $0xffff  }
0xb7: {  	v12 =	vld.idx.msk [tilespmem:v11+s18+$0x0], $0xffff  }
0xb8: {  	v13 =	vld.idx.msk [tilespmem:v11+s19+$0x0], $0xffff;
	_ =	sdelay $0x2  }
0xb9: {  	v9 =	vsub.f32 v10, v9  }
0xba: {  	s11 =	sor.u32 $0x1, s10;
	v8 =	vsub.f32 v12, v8  }
0xbb: {  	v14 =	vmov s11;
	v7 =	vsub.f32 v13, v7;
	[tilespmem:s16+$0x1A40] =	vst v9  }
0xbc: {  	v10 =	vand.u32 $0xFFFFFFFD, v14;
	[tilespmem:s16+$0x2A40] =	vst v8  }
0xbd: {  	v10 =	vbroadcast v10, $0x0;
	[tilespmem:s16+$0x3A40] =	vst v7;
	v7 =	vsel vm0, $0x3F800000, v3  }
0xbe: {  	[tilespmem:s16+$0x4A40] =	vst v7;
	v7 =	vadd.s32 v0, v11  }
0xbf: {  	s13 =	simm.s32 $0x20;
	[tilespmem:$0x1940] =	vst v7  }
0xc0: {  	v11 =	vld [tilespmem:s13+$0xFFFFFFE0]  }
0xc1: {  	s12 =	simm.s32 $0x820;
	v12 =	vld [tilespmem:s13+$0xFFFFFFF0]  }
0xc2: {  	v13 =	vld [tilespmem:s12+$0x10]  }
0xc3: {  	v9 =	vld.idx.msk [tilespmem:v10+s20+$0x0], $0xffff  }
0xc4: {  	v8 =	vld.idx.msk [tilespmem:v10+s21+$0x0], $0xffff  }
0xc5: {  	v7 =	vld.idx.msk [tilespmem:v10+s22+$0x0], $0xffff  }
0xc6: {  	s14 =	simm.s32 $0x1020;
	v10 =	vld [tilespmem:s12+$0xFFFFFFF0]  }
0xc7: {  	v14 =	vld [tilespmem:s14+$0xFFFFFFF0]  }
0xc8: {  	v16 =	vld [tilespmem:s12+$0xFFFFFFE0]  }
0xc9: {  	v18 =	vld [tilespmem:s14+$0xFFFFFFE0]  }
0xca: {  	v15 =	vld [tilespmem:s12+$0x0]  }
0xcb: {  	v17 =	vld [tilespmem:s13+$0x0];
	v10 =	vsub.f32 v10, v8;
	v12 =	vsub.f32 v12, v9  }
0xcc: {  	v19 =	vld [tilespmem:s14+$0x0];
	v11 =	vsub.f32 v11, v9;
	v14 =	vsub.f32 v14, v7  }
0xcd: {  	v20 =	vld [tilespmem:s13+$0x10];
	v16 =	vsub.f32 v16, v8;
	v10 =	vmul.f32 v10, v10;
	v12 =	vmul.f32 v12, v12  }
0xce: {  	v13 =	vsub.f32 v13, v8;
	v18 =	vsub.f32 v18, v7  }
0xcf: {  	v16 =	vmul.f32 v16, v16;
	v11 =	vmul.f32 v11, v11;
	v10 =	vadd.f32 v10, v12;
	v12 =	vld [tilespmem:s14+$0x10]  }
0xd0: {  	v15 =	vsub.f32 v15, v8;
	v17 =	vsub.f32 v17, v9;
	v14 =	vmul.f32 v14, v14  }
0xd1: {  	v19 =	vsub.f32 v19, v7;
	v61 =	vmul.f32 v18, v18;
	v11 =	vadd.f32 v16, v11  }
0xd2: {  	v17 =	vmul.f32 v17, v17;
	v10 =	vadd.f32 v14, v10;
	v14 =	vsub.f32 v20, v9  }
0xd3: {  	v15 =	vmul.f32 v15, v15;
	v13 =	vmul.f32 v13, v13;
	v11 =	vadd.f32 v61, v11  }
0xd4: {  	v14 =	vmul.f32 v14, v14;
	vm2 =	vle.f32 v10, $1.600000110e-01;
	v10 =	vsub.f32 v12, v7  }
0xd5: {  	v62 =	vmul.f32 v19, v19;
	v15 =	vadd.f32 v15, v17;
	vm3 =	vle.f32 v11, $1.600000110e-01  }
0xd6: {  	v12 =	vsel vm2, $0x1, v1;
	v13 =	vadd.f32 v13, v14;
	v10 =	vmul.f32 v10, v10  }
0xd7: {  	v11 =	vsel vm3, $0x1, v1;
	(xrf0) =	vadd.scan.msk.s32 $0xffff, v12;
	v12 =	vadd.f32 v62, v15  }
0xd8: {  	(xrf0) =	vadd.scan.msk.s32 $0xffff, v11;
	v10 =	vadd.f32 v10, v13  }
0xd9: {  	v11 =	vmpcnt.ones.xlane vm3;
	vm0 =	vle.f32 v12, $1.600000110e-01  }
0xda: {  	v14 =	vimm.s32 $0x0;
	v12 =	vsel vm0, $0x1, v1;
	vm1 =	vle.f32 v10, $1.600000110e-01  }
0xdb: {  	v11 =	vadd.s32 v14, v11;
	(xrf0) =	vadd.scan.msk.s32 $0xffff, v12;
	v12 =	vsel vm1, $0x1, v1  }
0xdc: {  	vm4 =	vlt.s32 v11, $0x40;
	v10 =	vmpcnt.ones.xlane vm2  }
0xdd: {  	v15 =	vmpcnt.ones.xlane vm0;
	v11 =	vnsel vm4, $0x40, v11;
	v13, _, _ =	vpop (xrf0);
	(xrf0) =	vadd.scan.msk.s32 $0xffff, v12  }
0xde: {  	v10 =	vadd.s32 v10, v11;
	v12, _, _ =	vpop (xrf0)  }
0xdf: {  	vm13 =	vlt.s32 v10, $0x40;
	v12 =	vadd.s32 v12, v14  }
0xe0: {  	v11 =	vadd.s32 v11, v13;
	v10 =	vnsel vm13, $0x40, v10;
	v13 =	vadd.s32 $0xFFFFFFFF, v12  }
0xe1: {  	v12 =	vadd.s32 v15, v10;
	v15, _, _ =	vpop (xrf0)  }
0xe2: {  	v14 =	vmpcnt.ones.xlane vm1;
	vm14 =	vlt.s32 v12, $0x40;
	v10 =	vadd.s32 v10, v15  }
0xe3: {  	v11 =	vadd.s32 $0xFFFFFFFF, v11;
	v15 =	vnsel vm14, $0x40, v12;
	v63, _, _ =	vpop (xrf0);
	v12 =	vadd.s32 $0xFFFFFFFF, v10  }
0xe4: {  	v10 =	vadd.s32 v14, v15;
	v14 =	vor.u32 s17, v2;
	v15 =	vadd.s32 v15, v63  }
0xe5: {  	[tilespmem:v13+s23+$0x0] =	vst.idx.msk vm3, v14;
	v13 =	vadd.s32 $0xFFFFFFFF, v15  }
0xe6: {  	s25 =	simm.s32 $0x10  }
0xe7: {  	s28 =	simm.s32 $0x20;
	vm15 =	vlt.s32 v10, $0x40;
	v14 =	vor.u32 s25, v2  }
0xe8: {  	s17 =	simm.s32 $0x40;
	v10 =	vnsel vm15, $0x40, v10;
	s25 =	simm.s32 $0x30;
	[tilespmem:v11+s23+$0x0] =	vst.idx.msk vm2, v14;
	v14 =	vor.u32 s28, v2  }
.LBB2_5:
0xe9: {  	[tilespmem:v12+s23+$0x0] =	vst.idx.msk vm0, v14;
	v11 =	vor.u32 s25, v2;
	s13 =	sadd.s32 $0x40, s13;
	s12 =	sadd.s32 $0x40, s12;
	s14 =	sadd.s32 $0x40, s14  }
0xea: {  	p0 =	sne.s32 s17, $0x7C0;
	s25 =	smov.u32 s17;
	s17 =	sadd.s32 $0x40, s17;
	[tilespmem:v13+s23+$0x0] =	vst.idx.msk vm1, v11  }
0xeb: {  	v11 =	vld [tilespmem:s12+$0xFFFFFFF0]  }
0xec: {  	v12 =	vld [tilespmem:s13+$0xFFFFFFE0]  }
0xed: {  	v13 =	vld [tilespmem:s13+$0xFFFFFFF0]  }
0xee: {  	v14 =	vld [tilespmem:s12+$0x10]  }
0xef: {  	v15 =	vld [tilespmem:s14+$0xFFFFFFF0]  }
0xf0: {  	v11 =	vsub.f32 v11, v8;
	v16 =	vld [tilespmem:s12+$0x0]  }
0xf1: {  	v12 =	vsub.f32 v12, v9;
	v17 =	vld [tilespmem:s13+$0x0]  }
0xf2: {  	v18 =	vld [tilespmem:s12+$0xFFFFFFE0];
	v13 =	vsub.f32 v13, v9;
	v11 =	vmul.f32 v11, v11  }
0xf3: {  	v19 =	vld [tilespmem:s14+$0x0];
	v14 =	vsub.f32 v14, v8  }
0xf4: {  	v20 =	vld [tilespmem:s14+$0xFFFFFFE0];
	v15 =	vsub.f32 v15, v7;
	v13 =	vmul.f32 v13, v13  }
0xf5: {  	v16 =	vsub.f32 v16, v8;
	v21 =	vld [tilespmem:s13+$0x10]  }
0xf6: {  	v11 =	vadd.f32 v11, v13;
	v13 =	vmul.f32 v15, v15;
	v15 =	vsub.f32 v17, v9  }
0xf7: {  	v17 =	vsub.f32 v18, v8;
	v18 =	vld [tilespmem:s14+$0x10]  }
0xf8: {  	v11 =	vadd.f32 v13, v11;
	v13 =	vmul.f32 v15, v15;
	v15 =	vmul.f32 v16, v16  }
0xf9: {  	v16 =	vmul.f32 v17, v17;
	v17 =	vsub.f32 v19, v7  }
0xfa: {  	v12 =	vmul.f32 v12, v12;
	v19 =	vsub.f32 v20, v7;
	v20 =	vsub.f32 v21, v9  }
0xfb: {  	v14 =	vmul.f32 v14, v14;
	v13 =	vadd.f32 v15, v13;
	v15 =	vmul.f32 v17, v17  }
0xfc: {  	v12 =	vadd.f32 v16, v12;
	v16 =	vmul.f32 v19, v19;
	v17 =	vmul.f32 v20, v20  }
0xfd: {  	vm2 =	vle.f32 v11, $1.600000110e-01;
	v11 =	vadd.f32 v15, v13;
	v13 =	vsub.f32 v18, v7  }
0xfe: {  	v12 =	vadd.f32 v16, v12;
	v15 =	vsel vm2, $0x1, v1;
	v14 =	vadd.f32 v14, v17  }
0xff: {  	v13 =	vmul.f32 v13, v13;
	(xrf0) =	vadd.scan.msk.s32 $0xffff, v15  }
0x100: {  	vm3 =	vle.f32 v12, $1.600000110e-01;
	vm0 =	vle.f32 v11, $1.600000110e-01  }
0x101: {  	v12 =	vsel vm3, $0x1, v1;
	v11 =	vadd.f32 v13, v14;
	v13 =	vmpcnt.ones.xlane vm3  }
0x102: {  	v14 =	vsel vm0, $0x1, v1;
	(xrf0) =	vadd.scan.msk.s32 $0xffff, v12  }
0x103: {  	vm1 =	vle.f32 v11, $1.600000110e-01;
	v11 =	vadd.s32 v10, v13;
	(xrf0) =	vadd.scan.msk.s32 $0xffff, v14  }
0x104: {  	v12 =	vmpcnt.ones.xlane vm2;
	vm4 =	vlt.s32 v11, $0x40;
	v13 =	vsel vm1, $0x1, v1  }
0x105: {  	v11 =	vnsel vm4, $0x40, v11;
	v14, _, _ =	vpop (xrf0);
	(xrf0) =	vadd.scan.msk.s32 $0xffff, v13  }
0x106: {  	v13 =	vadd.s32 v11, v14;
	v11 =	vadd.s32 v12, v11;
	v12 =	vmpcnt.ones.xlane vm0  }
0x107: {  	vm4 =	vlt.s32 v11, $0x40  }
0x108: {  	v11 =	vnsel vm4, $0x40, v11;
	v14, _, _ =	vpop (xrf0)  }
0x109: {  	v10 =	vadd.s32 v14, v10;
	v12 =	vadd.s32 v12, v11;
	v14 =	vmpcnt.ones.xlane vm1;
	v15, _, _ =	vpop (xrf0)  }
0x10a: {  	v16 =	vadd.s32 $0xFFFFFFFF, v10;
	v10 =	vadd.s32 v11, v15;
	vm4 =	vlt.s32 v12, $0x40  }
0x10b: {  	v15 =	vadd.s32 $0xFFFFFFFF, v13;
	v11 =	vnsel vm4, $0x40, v12;
	v13, _, _ =	vpop (xrf0)  }
.Ltmp1:
0x10c: {  	v12 =	vadd.s32 $0xFFFFFFFF, v10;
	v10 =	vadd.s32 v11, v13;
	v11 =	vadd.s32 v14, v11;
	(pc) =	sbr.rel @p0 .LBB2_5-.Ltmp1, $4  }
0x10d: {  	v13 =	vadd.s32 $0xFFFFFFFF, v10;
	vm4 =	vlt.s32 v11, $0x40  }
0x10e: {  	s28 =	sadd.s32 $0x10, s25;
	v14 =	vor.u32 s25, v2;
	v10 =	vnsel vm4, $0x40, v11  }
0x10f: {  	s30 =	sadd.s32 $0x20, s25;
	[tilespmem:v16+s23+$0x0] =	vst.idx.msk vm3, v14;
	v14 =	vor.u32 s28, v2  }
0x110: {  	s25 =	sadd.s32 $0x30, s25;
	[tilespmem:v15+s23+$0x0] =	vst.idx.msk vm2, v14;
	v14 =	vor.u32 s30, v2  }
0x111: {  	_ =	sdelay $0x4  }
0x112: {  	[tilespmem:v12+s23+$0x0] =	vst.idx.msk vm0, v14;
	v10 =	vor.u32 s25, v2  }
0x113: {  	[tilespmem:v13+s23+$0x0] =	vst.idx.msk vm1, v10  }
0x114: {  	v10 =	vld [tilespmem:$0x18C0];
	_ =	sdelay $0x3  }
0x115: {  	vm0 =	vgt.s32 v11, v2  }
0x116: {  	v10 =	vnsel vm0, $0x0, v10;
	_ =	sdelay $0x3  }
0x117: {  	s30 =	simm.s32 $0x0  }
0x118: {  	v12 =	vld.idx.msk [tilespmem:v10+s30+$0x0], $0xffff  }
0x119: {  	v13 =	vld.idx.msk [tilespmem:v10+s18+$0x0], $0xffff  }
0x11a: {  	v14 =	vld.idx.msk [tilespmem:v10+s19+$0x0], $0xffff;
	_ =	sdelay $0x2  }
0x11b: {  	v12 =	vsub.f32 v12, v9  }
0x11c: {  	s11 =	sshll.u32 s11, $0x6;
	v13 =	vsub.f32 v13, v8  }
0x11d: {  	v14 =	vsub.f32 v14, v7;
	[tilespmem:s11+$0x1A10] =	vst v12  }
0x11e: {  	[tilespmem:s11+$0x2A10] =	vst v13  }
0x11f: {  	[tilespmem:s11+$0x3A10] =	vst v14;
	v12 =	vsel vm0, $0x3F800000, v3  }
0x120: {  	[tilespmem:s11+$0x4A10] =	vst v12  }
0x121: {  	v12 =	vld [tilespmem:$0x18D0];
	_ =	sdelay $0x3  }
0x122: {  	vm0 =	vgt.s32 v11, v4  }
0x123: {  	v12 =	vnsel vm0, $0x0, v12;
	_ =	sdelay $0x2  }
0x124: {  	v10 =	vadd.s32 v0, v10  }
0x125: {  	[tilespmem:$0x1950] =	vst v10  }
0x126: {  	v10 =	vld.idx.msk [tilespmem:v12+s30+$0x0], $0xffff  }
0x127: {  	v13 =	vld.idx.msk [tilespmem:v12+s18+$0x0], $0xffff  }
0x128: {  	v14 =	vld.idx.msk [tilespmem:v12+s19+$0x0], $0xffff;
	_ =	sdelay $0x2  }
0x129: {  	v10 =	vsub.f32 v10, v9  }
0x12a: {  	v13 =	vsub.f32 v13, v8  }
0x12b: {  	v14 =	vsub.f32 v14, v7;
	[tilespmem:s11+$0x1A20] =	vst v10  }
0x12c: {  	[tilespmem:s11+$0x2A20] =	vst v13  }
0x12d: {  	[tilespmem:s11+$0x3A20] =	vst v14;
	v10 =	vsel vm0, $0x3F800000, v3  }
0x12e: {  	[tilespmem:s11+$0x4A20] =	vst v10  }
0x12f: {  	v10 =	vld [tilespmem:$0x18E0];
	_ =	sdelay $0x3  }
0x130: {  	vm0 =	vgt.s32 v11, v5  }
0x131: {  	v10 =	vnsel vm0, $0x0, v10;
	_ =	sdelay $0x2  }
0x132: {  	v12 =	vadd.s32 v0, v12  }
0x133: {  	[tilespmem:$0x1960] =	vst v12  }
0x134: {  	v12 =	vld.idx.msk [tilespmem:v10+s30+$0x0], $0xffff  }
0x135: {  	v13 =	vld.idx.msk [tilespmem:v10+s18+$0x0], $0xffff  }
0x136: {  	v14 =	vld.idx.msk [tilespmem:v10+s19+$0x0], $0xffff;
	_ =	sdelay $0x2  }
0x137: {  	v12 =	vsub.f32 v12, v9  }
0x138: {  	v13 =	vsub.f32 v13, v8  }
0x139: {  	v14 =	vsub.f32 v14, v7;
	[tilespmem:s11+$0x1A30] =	vst v12  }
0x13a: {  	[tilespmem:s11+$0x2A30] =	vst v13  }
0x13b: {  	[tilespmem:s11+$0x3A30] =	vst v14;
	v12 =	vsel vm0, $0x3F800000, v3  }
0x13c: {  	[tilespmem:s11+$0x4A30] =	vst v12  }
0x13d: {  	v12 =	vld [tilespmem:$0x18F0];
	_ =	sdelay $0x3  }
0x13e: {  	vm0 =	vgt.s32 v11, v6  }
0x13f: {  	v11 =	vnsel vm0, $0x0, v12;
	_ =	sdelay $0x2  }
0x140: {  	v10 =	vadd.s32 v0, v10  }
0x141: {  	[tilespmem:$0x1970] =	vst v10  }
0x142: {  	v10 =	vld.idx.msk [tilespmem:v11+s30+$0x0], $0xffff  }
0x143: {  	v12 =	vld.idx.msk [tilespmem:v11+s18+$0x0], $0xffff  }
0x144: {  	v13 =	vld.idx.msk [tilespmem:v11+s19+$0x0], $0xffff;
	_ =	sdelay $0x2  }
0x145: {  	v9 =	vsub.f32 v10, v9  }
0x146: {  	s12 =	sor.u32 $0x2, s10;
	v8 =	vsub.f32 v12, v8  }
0x147: {  	v14 =	vmov s12;
	v7 =	vsub.f32 v13, v7;
	[tilespmem:s11+$0x1A40] =	vst v9  }
0x148: {  	v10 =	vand.u32 $0xFFFFFFFE, v14;
	[tilespmem:s11+$0x2A40] =	vst v8  }
0x149: {  	v10 =	vbroadcast v10, $0x0;
	[tilespmem:s11+$0x3A40] =	vst v7;
	v7 =	vsel vm0, $0x3F800000, v3  }
0x14a: {  	[tilespmem:s11+$0x4A40] =	vst v7;
	v7 =	vadd.s32 v0, v11  }
0x14b: {  	s14 =	simm.s32 $0x20;
	[tilespmem:$0x1980] =	vst v7  }
0x14c: {  	v11 =	vld [tilespmem:s14+$0xFFFFFFE0]  }
0x14d: {  	s13 =	simm.s32 $0x820;
	v12 =	vld [tilespmem:s14+$0xFFFFFFF0]  }
0x14e: {  	v13 =	vld [tilespmem:s13+$0x10]  }
0x14f: {  	v8 =	vld.idx.msk [tilespmem:v10+s20+$0x0], $0xffff  }
0x150: {  	v9 =	vld.idx.msk [tilespmem:v10+s21+$0x0], $0xffff  }
0x151: {  	v7 =	vld.idx.msk [tilespmem:v10+s22+$0x0], $0xffff  }
0x152: {  	s17 =	simm.s32 $0x1020;
	v10 =	vld [tilespmem:s13+$0xFFFFFFF0]  }
0x153: {  	v14 =	vld [tilespmem:s17+$0xFFFFFFF0]  }
0x154: {  	v16 =	vld [tilespmem:s13+$0xFFFFFFE0]  }
0x155: {  	v18 =	vld [tilespmem:s17+$0xFFFFFFE0]  }
0x156: {  	v15 =	vld [tilespmem:s13+$0x0]  }
0x157: {  	v17 =	vld [tilespmem:s14+$0x0];
	v10 =	vsub.f32 v10, v9;
	v12 =	vsub.f32 v12, v8  }
0x158: {  	v19 =	vld [tilespmem:s17+$0x0];
	v11 =	vsub.f32 v11, v8;
	v14 =	vsub.f32 v14, v7  }
0x159: {  	v20 =	vld [tilespmem:s14+$0x10];
	v16 =	vsub.f32 v16, v9;
	v10 =	vmul.f32 v10, v10;
	v12 =	vmul.f32 v12, v12  }
0x15a: {  	v13 =	vsub.f32 v13, v9;
	v18 =	vsub.f32 v18, v7  }
0x15b: {  	v16 =	vmul.f32 v16, v16;
	v11 =	vmul.f32 v11, v11;
	v10 =	vadd.f32 v10, v12;
	v12 =	vld [tilespmem:s17+$0x10]  }
0x15c: {  	v15 =	vsub.f32 v15, v9;
	v17 =	vsub.f32 v17, v8;
	v14 =	vmul.f32 v14, v14  }
0x15d: {  	v19 =	vsub.f32 v19, v7;
	v61 =	vmul.f32 v18, v18;
	v11 =	vadd.f32 v16, v11  }
0x15e: {  	v17 =	vmul.f32 v17, v17;
	v10 =	vadd.f32 v14, v10;
	v14 =	vsub.f32 v20, v8  }
0x15f: {  	v15 =	vmul.f32 v15, v15;
	v13 =	vmul.f32 v13, v13;
	v11 =	vadd.f32 v61, v11  }
0x160: {  	v14 =	vmul.f32 v14, v14;
	vm2 =	vle.f32 v10, $1.600000110e-01;
	v10 =	vsub.f32 v12, v7  }
0x161: {  	v62 =	vmul.f32 v19, v19;
	v15 =	vadd.f32 v15, v17;
	vm3 =	vle.f32 v11, $1.600000110e-01  }
0x162: {  	v12 =	vsel vm2, $0x1, v1;
	v13 =	vadd.f32 v13, v14;
	v10 =	vmul.f32 v10, v10  }
0x163: {  	v11 =	vsel vm3, $0x1, v1;
	(xrf0) =	vadd.scan.msk.s32 $0xffff, v12;
	v12 =	vadd.f32 v62, v15  }
0x164: {  	(xrf0) =	vadd.scan.msk.s32 $0xffff, v11;
	v10 =	vadd.f32 v10, v13  }
0x165: {  	v11 =	vmpcnt.ones.xlane vm3;
	vm0 =	vle.f32 v12, $1.600000110e-01  }
0x166: {  	v14 =	vimm.s32 $0x0;
	v12 =	vsel vm0, $0x1, v1;
	vm1 =	vle.f32 v10, $1.600000110e-01  }
0x167: {  	v11 =	vadd.s32 v14, v11;
	(xrf0) =	vadd.scan.msk.s32 $0xffff, v12;
	v12 =	vsel vm1, $0x1, v1  }
0x168: {  	vm4 =	vlt.s32 v11, $0x40;
	v10 =	vmpcnt.ones.xlane vm2  }
0x169: {  	v15 =	vmpcnt.ones.xlane vm0;
	v11 =	vnsel vm4, $0x40, v11;
	v13, _, _ =	vpop (xrf0);
	(xrf0) =	vadd.scan.msk.s32 $0xffff, v12  }
0x16a: {  	v10 =	vadd.s32 v10, v11;
	v12, _, _ =	vpop (xrf0)  }
0x16b: {  	vm13 =	vlt.s32 v10, $0x40;
	v12 =	vadd.s32 v12, v14  }
0x16c: {  	v11 =	vadd.s32 v11, v13;
	v10 =	vnsel vm13, $0x40, v10;
	v13 =	vadd.s32 $0xFFFFFFFF, v12  }
0x16d: {  	v12 =	vadd.s32 v15, v10;
	v15, _, _ =	vpop (xrf0)  }
0x16e: {  	v14 =	vmpcnt.ones.xlane vm1;
	vm14 =	vlt.s32 v12, $0x40;
	v10 =	vadd.s32 v10, v15  }
0x16f: {  	v11 =	vadd.s32 $0xFFFFFFFF, v11;
	v15 =	vnsel vm14, $0x40, v12;
	v63, _, _ =	vpop (xrf0);
	v12 =	vadd.s32 $0xFFFFFFFF, v10  }
0x170: {  	v10 =	vadd.s32 v14, v15;
	v14 =	vor.u32 s30, v2;
	v15 =	vadd.s32 v15, v63  }
0x171: {  	[tilespmem:v13+s23+$0x0] =	vst.idx.msk vm3, v14;
	v13 =	vadd.s32 $0xFFFFFFFF, v15  }
0x172: {  	s28 =	simm.s32 $0x10  }
0x173: {  	s30 =	simm.s32 $0x20;
	vm15 =	vlt.s32 v10, $0x40;
	v14 =	vor.u32 s28, v2  }
0x174: {  	s25 =	simm.s32 $0x40;
	v10 =	vnsel vm15, $0x40, v10;
	s28 =	simm.s32 $0x30;
	[tilespmem:v11+s23+$0x0] =	vst.idx.msk vm2, v14;
	v14 =	vor.u32 s30, v2  }
.LBB2_7:
0x175: {  	[tilespmem:v12+s23+$0x0] =	vst.idx.msk vm0, v14;
	v11 =	vor.u32 s28, v2;
	s14 =	sadd.s32 $0x40, s14;
	s13 =	sadd.s32 $0x40, s13;
	s17 =	sadd.s32 $0x40, s17  }
0x176: {  	p0 =	sne.s32 s25, $0x7C0;
	s28 =	smov.u32 s25;
	s25 =	sadd.s32 $0x40, s25;
	[tilespmem:v13+s23+$0x0] =	vst.idx.msk vm1, v11  }
0x177: {  	v11 =	vld [tilespmem:s13+$0xFFFFFFF0]  }
0x178: {  	v12 =	vld [tilespmem:s14+$0xFFFFFFE0]  }
0x179: {  	v13 =	vld [tilespmem:s14+$0xFFFFFFF0]  }
0x17a: {  	v14 =	vld [tilespmem:s13+$0x10]  }
0x17b: {  	v15 =	vld [tilespmem:s17+$0xFFFFFFF0]  }
0x17c: {  	v11 =	vsub.f32 v11, v9;
	v16 =	vld [tilespmem:s13+$0x0]  }
0x17d: {  	v12 =	vsub.f32 v12, v8;
	v17 =	vld [tilespmem:s14+$0x0]  }
0x17e: {  	v18 =	vld [tilespmem:s13+$0xFFFFFFE0];
	v13 =	vsub.f32 v13, v8;
	v11 =	vmul.f32 v11, v11  }
0x17f: {  	v19 =	vld [tilespmem:s17+$0x0];
	v14 =	vsub.f32 v14, v9  }
0x180: {  	v20 =	vld [tilespmem:s17+$0xFFFFFFE0];
	v15 =	vsub.f32 v15, v7;
	v13 =	vmul.f32 v13, v13  }
0x181: {  	v16 =	vsub.f32 v16, v9;
	v21 =	vld [tilespmem:s14+$0x10]  }
0x182: {  	v11 =	vadd.f32 v11, v13;
	v13 =	vmul.f32 v15, v15;
	v15 =	vsub.f32 v17, v8  }
0x183: {  	v17 =	vsub.f32 v18, v9;
	v18 =	vld [tilespmem:s17+$0x10]  }
0x184: {  	v11 =	vadd.f32 v13, v11;
	v13 =	vmul.f32 v15, v15;
	v15 =	vmul.f32 v16, v16  }
0x185: {  	v16 =	vmul.f32 v17, v17;
	v17 =	vsub.f32 v19, v7  }
0x186: {  	v12 =	vmul.f32 v12, v12;
	v19 =	vsub.f32 v20, v7;
	v20 =	vsub.f32 v21, v8  }
0x187: {  	v14 =	vmul.f32 v14, v14;
	v13 =	vadd.f32 v15, v13;
	v15 =	vmul.f32 v17, v17  }
0x188: {  	v12 =	vadd.f32 v16, v12;
	v16 =	vmul.f32 v19, v19;
	v17 =	vmul.f32 v20, v20  }
0x189: {  	vm2 =	vle.f32 v11, $1.600000110e-01;
	v11 =	vadd.f32 v15, v13;
	v13 =	vsub.f32 v18, v7  }
0x18a: {  	v12 =	vadd.f32 v16, v12;
	v15 =	vsel vm2, $0x1, v1;
	v14 =	vadd.f32 v14, v17  }
0x18b: {  	v13 =	vmul.f32 v13, v13;
	(xrf0) =	vadd.scan.msk.s32 $0xffff, v15  }
0x18c: {  	vm3 =	vle.f32 v12, $1.600000110e-01;
	vm0 =	vle.f32 v11, $1.600000110e-01  }
0x18d: {  	v12 =	vsel vm3, $0x1, v1;
	v11 =	vadd.f32 v13, v14;
	v13 =	vmpcnt.ones.xlane vm3  }
0x18e: {  	v14 =	vsel vm0, $0x1, v1;
	(xrf0) =	vadd.scan.msk.s32 $0xffff, v12  }
0x18f: {  	vm1 =	vle.f32 v11, $1.600000110e-01;
	v11 =	vadd.s32 v10, v13;
	(xrf0) =	vadd.scan.msk.s32 $0xffff, v14  }
0x190: {  	v12 =	vmpcnt.ones.xlane vm2;
	vm4 =	vlt.s32 v11, $0x40;
	v13 =	vsel vm1, $0x1, v1  }
0x191: {  	v11 =	vnsel vm4, $0x40, v11;
	v14, _, _ =	vpop (xrf0);
	(xrf0) =	vadd.scan.msk.s32 $0xffff, v13  }
0x192: {  	v13 =	vadd.s32 v11, v14;
	v11 =	vadd.s32 v12, v11;
	v12 =	vmpcnt.ones.xlane vm0  }
0x193: {  	vm4 =	vlt.s32 v11, $0x40  }
0x194: {  	v11 =	vnsel vm4, $0x40, v11;
	v14, _, _ =	vpop (xrf0)  }
0x195: {  	v10 =	vadd.s32 v14, v10;
	v12 =	vadd.s32 v12, v11;
	v14 =	vmpcnt.ones.xlane vm1;
	v15, _, _ =	vpop (xrf0)  }
0x196: {  	v16 =	vadd.s32 $0xFFFFFFFF, v10;
	v10 =	vadd.s32 v11, v15;
	vm4 =	vlt.s32 v12, $0x40  }
0x197: {  	v15 =	vadd.s32 $0xFFFFFFFF, v13;
	v11 =	vnsel vm4, $0x40, v12;
	v13, _, _ =	vpop (xrf0)  }
.Ltmp2:
0x198: {  	v12 =	vadd.s32 $0xFFFFFFFF, v10;
	v10 =	vadd.s32 v11, v13;
	v11 =	vadd.s32 v14, v11;
	(pc) =	sbr.rel @p0 .LBB2_7-.Ltmp2, $4  }
0x199: {  	v13 =	vadd.s32 $0xFFFFFFFF, v10;
	vm4 =	vlt.s32 v11, $0x40  }
0x19a: {  	s30 =	sadd.s32 $0x10, s28;
	v14 =	vor.u32 s28, v2;
	v10 =	vnsel vm4, $0x40, v11  }
0x19b: {  	s0 =	sadd.s32 $0x20, s28;
	[tilespmem:v16+s23+$0x0] =	vst.idx.msk vm3, v14;
	v14 =	vor.u32 s30, v2  }
0x19c: {  	s28 =	sadd.s32 $0x30, s28;
	[tilespmem:v15+s23+$0x0] =	vst.idx.msk vm2, v14;
	v14 =	vor.u32 s0, v2  }
0x19d: {  	_ =	sdelay $0x4  }
0x19e: {  	[tilespmem:v12+s23+$0x0] =	vst.idx.msk vm0, v14;
	v10 =	vor.u32 s28, v2  }
0x19f: {  	[tilespmem:v13+s23+$0x0] =	vst.idx.msk vm1, v10  }
0x1a0: {  	v10 =	vld [tilespmem:$0x18C0];
	_ =	sdelay $0x3  }
0x1a1: {  	vm0 =	vgt.s32 v11, v2  }
0x1a2: {  	v10 =	vnsel vm0, $0x0, v10;
	_ =	sdelay $0x3  }
0x1a3: {  	s25 =	simm.s32 $0x0  }
0x1a4: {  	v12 =	vld.idx.msk [tilespmem:v10+s25+$0x0], $0xffff  }
0x1a5: {  	v13 =	vld.idx.msk [tilespmem:v10+s18+$0x0], $0xffff  }
0x1a6: {  	v14 =	vld.idx.msk [tilespmem:v10+s19+$0x0], $0xffff;
	_ =	sdelay $0x2  }
0x1a7: {  	v12 =	vsub.f32 v12, v8  }
0x1a8: {  	s12 =	sshll.u32 s12, $0x6;
	v13 =	vsub.f32 v13, v9  }
0x1a9: {  	v14 =	vsub.f32 v14, v7;
	[tilespmem:s12+$0x1A10] =	vst v12  }
0x1aa: {  	[tilespmem:s12+$0x2A10] =	vst v13  }
0x1ab: {  	[tilespmem:s12+$0x3A10] =	vst v14;
	v12 =	vsel vm0, $0x3F800000, v3  }
0x1ac: {  	[tilespmem:s12+$0x4A10] =	vst v12  }
0x1ad: {  	v12 =	vld [tilespmem:$0x18D0];
	_ =	sdelay $0x3  }
0x1ae: {  	vm0 =	vgt.s32 v11, v4  }
0x1af: {  	v12 =	vnsel vm0, $0x0, v12;
	_ =	sdelay $0x2  }
0x1b0: {  	v10 =	vadd.s32 v0, v10  }
0x1b1: {  	[tilespmem:$0x1990] =	vst v10  }
0x1b2: {  	v10 =	vld.idx.msk [tilespmem:v12+s25+$0x0], $0xffff  }
0x1b3: {  	v13 =	vld.idx.msk [tilespmem:v12+s18+$0x0], $0xffff  }
0x1b4: {  	v14 =	vld.idx.msk [tilespmem:v12+s19+$0x0], $0xffff;
	_ =	sdelay $0x2  }
0x1b5: {  	v10 =	vsub.f32 v10, v8  }
0x1b6: {  	v13 =	vsub.f32 v13, v9  }
0x1b7: {  	v14 =	vsub.f32 v14, v7;
	[tilespmem:s12+$0x1A20] =	vst v10  }
0x1b8: {  	[tilespmem:s12+$0x2A20] =	vst v13  }
0x1b9: {  	[tilespmem:s12+$0x3A20] =	vst v14;
	v10 =	vsel vm0, $0x3F800000, v3  }
0x1ba: {  	[tilespmem:s12+$0x4A20] =	vst v10  }
0x1bb: {  	v10 =	vld [tilespmem:$0x18E0];
	_ =	sdelay $0x3  }
0x1bc: {  	vm0 =	vgt.s32 v11, v5  }
0x1bd: {  	v10 =	vnsel vm0, $0x0, v10;
	_ =	sdelay $0x2  }
0x1be: {  	v12 =	vadd.s32 v0, v12  }
0x1bf: {  	[tilespmem:$0x19A0] =	vst v12  }
0x1c0: {  	v12 =	vld.idx.msk [tilespmem:v10+s25+$0x0], $0xffff  }
0x1c1: {  	v13 =	vld.idx.msk [tilespmem:v10+s18+$0x0], $0xffff  }
0x1c2: {  	v14 =	vld.idx.msk [tilespmem:v10+s19+$0x0], $0xffff;
	_ =	sdelay $0x2  }
0x1c3: {  	v12 =	vsub.f32 v12, v8  }
0x1c4: {  	v13 =	vsub.f32 v13, v9  }
0x1c5: {  	v14 =	vsub.f32 v14, v7;
	[tilespmem:s12+$0x1A30] =	vst v12  }
0x1c6: {  	[tilespmem:s12+$0x2A30] =	vst v13  }
0x1c7: {  	[tilespmem:s12+$0x3A30] =	vst v14;
	v12 =	vsel vm0, $0x3F800000, v3  }
0x1c8: {  	[tilespmem:s12+$0x4A30] =	vst v12  }
0x1c9: {  	v12 =	vld [tilespmem:$0x18F0];
	_ =	sdelay $0x3  }
0x1ca: {  	vm0 =	vgt.s32 v11, v6  }
0x1cb: {  	v11 =	vnsel vm0, $0x0, v12;
	_ =	sdelay $0x2  }
0x1cc: {  	v10 =	vadd.s32 v0, v10  }
0x1cd: {  	[tilespmem:$0x19B0] =	vst v10  }
0x1ce: {  	v10 =	vld.idx.msk [tilespmem:v11+s25+$0x0], $0xffff  }
0x1cf: {  	v12 =	vld.idx.msk [tilespmem:v11+s18+$0x0], $0xffff  }
0x1d0: {  	v13 =	vld.idx.msk [tilespmem:v11+s19+$0x0], $0xffff;
	_ =	sdelay $0x2  }
0x1d1: {  	v8 =	vsub.f32 v10, v8  }
0x1d2: {  	s10 =	sor.u32 $0x3, s10;
	v9 =	vsub.f32 v12, v9  }
0x1d3: {  	v7 =	vsub.f32 v13, v7;
	v10 =	vmov s10;
	[tilespmem:s12+$0x1A40] =	vst v8  }
0x1d4: {  	[tilespmem:s12+$0x2A40] =	vst v9  }
0x1d5: {  	[tilespmem:s12+$0x3A40] =	vst v7;
	v7 =	vsel vm0, $0x3F800000, v3  }
0x1d6: {  	[tilespmem:s12+$0x4A40] =	vst v7;
	v7 =	vadd.s32 v0, v11  }
0x1d7: {  	[tilespmem:$0x19C0] =	vst v7  }
0x1d8: {  	v7 =	vld.idx.msk [tilespmem:v10+s20+$0x0], $0xffff  }
0x1d9: {  	v8 =	vld.idx.msk [tilespmem:v10+s21+$0x0], $0xffff  }
0x1da: {  	s13 =	simm.s32 $0x820;
	v9 =	vld.idx.msk [tilespmem:v10+s22+$0x0], $0xffff  }
0x1db: {  	s14 =	simm.s32 $0x20;
	v10 =	vld [tilespmem:s13+$0xFFFFFFF0]  }
0x1dc: {  	v11 =	vld [tilespmem:s14+$0xFFFFFFE0]  }
0x1dd: {  	v12 =	vld [tilespmem:s14+$0xFFFFFFF0]  }
0x1de: {  	s17 =	simm.s32 $0x1020;
	v13 =	vld [tilespmem:s13+$0x10]  }
0x1df: {  	v14 =	vld [tilespmem:s17+$0xFFFFFFF0]  }
0x1e0: {  	v16 =	vld [tilespmem:s13+$0xFFFFFFE0]  }
0x1e1: {  	v18 =	vld [tilespmem:s17+$0xFFFFFFE0]  }
0x1e2: {  	v15 =	vld [tilespmem:s13+$0x0]  }
0x1e3: {  	v17 =	vld [tilespmem:s14+$0x0];
	v10 =	vsub.f32 v10, v8;
	v12 =	vsub.f32 v12, v7  }
0x1e4: {  	v19 =	vld [tilespmem:s17+$0x0];
	v11 =	vsub.f32 v11, v7;
	v14 =	vsub.f32 v14, v9  }
0x1e5: {  	v20 =	vld [tilespmem:s14+$0x10];
	v16 =	vsub.f32 v16, v8;
	v10 =	vmul.f32 v10, v10;
	v12 =	vmul.f32 v12, v12  }
0x1e6: {  	v13 =	vsub.f32 v13, v8;
	v18 =	vsub.f32 v18, v9  }
0x1e7: {  	v16 =	vmul.f32 v16, v16;
	v11 =	vmul.f32 v11, v11;
	v10 =	vadd.f32 v10, v12;
	v12 =	vld [tilespmem:s17+$0x10]  }
0x1e8: {  	v15 =	vsub.f32 v15, v8;
	v17 =	vsub.f32 v17, v7;
	v14 =	vmul.f32 v14, v14  }
0x1e9: {  	v19 =	vsub.f32 v19, v9;
	v61 =	vmul.f32 v18, v18;
	v11 =	vadd.f32 v16, v11  }
0x1ea: {  	v17 =	vmul.f32 v17, v17;
	v10 =	vadd.f32 v14, v10;
	v14 =	vsub.f32 v20, v7  }
0x1eb: {  	v15 =	vmul.f32 v15, v15;
	v13 =	vmul.f32 v13, v13;
	v11 =	vadd.f32 v61, v11  }
0x1ec: {  	v14 =	vmul.f32 v14, v14;
	vm2 =	vle.f32 v10, $1.600000110e-01;
	v10 =	vsub.f32 v12, v9  }
0x1ed: {  	v62 =	vmul.f32 v19, v19;
	v15 =	vadd.f32 v15, v17;
	vm3 =	vle.f32 v11, $1.600000110e-01  }
0x1ee: {  	v12 =	vsel vm2, $0x1, v1;
	v13 =	vadd.f32 v13, v14;
	v10 =	vmul.f32 v10, v10  }
0x1ef: {  	v11 =	vsel vm3, $0x1, v1;
	(xrf0) =	vadd.scan.msk.s32 $0xffff, v12;
	v12 =	vadd.f32 v62, v15  }
0x1f0: {  	(xrf0) =	vadd.scan.msk.s32 $0xffff, v11;
	v10 =	vadd.f32 v10, v13  }
0x1f1: {  	v11 =	vmpcnt.ones.xlane vm3;
	vm0 =	vle.f32 v12, $1.600000110e-01  }
0x1f2: {  	v14 =	vimm.s32 $0x0;
	v12 =	vsel vm0, $0x1, v1;
	vm1 =	vle.f32 v10, $1.600000110e-01  }
0x1f3: {  	v11 =	vadd.s32 v14, v11;
	(xrf0) =	vadd.scan.msk.s32 $0xffff, v12;
	v12 =	vsel vm1, $0x1, v1  }
0x1f4: {  	vm4 =	vlt.s32 v11, $0x40;
	v10 =	vmpcnt.ones.xlane vm2  }
0x1f5: {  	v15 =	vmpcnt.ones.xlane vm0;
	v11 =	vnsel vm4, $0x40, v11;
	v13, _, _ =	vpop (xrf0);
	(xrf0) =	vadd.scan.msk.s32 $0xffff, v12  }
0x1f6: {  	v10 =	vadd.s32 v10, v11;
	v12, _, _ =	vpop (xrf0)  }
0x1f7: {  	vm13 =	vlt.s32 v10, $0x40;
	v12 =	vadd.s32 v12, v14  }
0x1f8: {  	v11 =	vadd.s32 v11, v13;
	v10 =	vnsel vm13, $0x40, v10;
	v13 =	vadd.s32 $0xFFFFFFFF, v12  }
0x1f9: {  	v12 =	vadd.s32 v15, v10;
	v15, _, _ =	vpop (xrf0)  }
0x1fa: {  	v14 =	vmpcnt.ones.xlane vm1;
	vm14 =	vlt.s32 v12, $0x40;
	v10 =	vadd.s32 v10, v15  }
0x1fb: {  	v11 =	vadd.s32 $0xFFFFFFFF, v11;
	v15 =	vnsel vm14, $0x40, v12;
	v63, _, _ =	vpop (xrf0);
	v12 =	vadd.s32 $0xFFFFFFFF, v10  }
0x1fc: {  	v10 =	vadd.s32 v14, v15;
	v14 =	vor.u32 s25, v2;
	v15 =	vadd.s32 v15, v63  }
0x1fd: {  	[tilespmem:v13+s23+$0x0] =	vst.idx.msk vm3, v14;
	v13 =	vadd.s32 $0xFFFFFFFF, v15  }
0x1fe: {  	s0 =	simm.s32 $0x10  }
0x1ff: {  	s30 =	simm.s32 $0x20;
	vm15 =	vlt.s32 v10, $0x40;
	v14 =	vor.u32 s0, v2  }
0x200: {  	s28 =	simm.s32 $0x30;
	s25 =	simm.s32 $0x40;
	v10 =	vnsel vm15, $0x40, v10;
	[tilespmem:v11+s23+$0x0] =	vst.idx.msk vm2, v14;
	v14 =	vor.u32 s30, v2  }
.LBB2_9:
0x201: {  	[tilespmem:v12+s23+$0x0] =	vst.idx.msk vm0, v14;
	v11 =	vor.u32 s28, v2;
	s14 =	sadd.s32 $0x40, s14;
	s13 =	sadd.s32 $0x40, s13;
	s17 =	sadd.s32 $0x40, s17  }
0x202: {  	p0 =	sne.s32 s25, $0x7C0;
	s28 =	smov.u32 s25;
	s25 =	sadd.s32 $0x40, s25;
	[tilespmem:v13+s23+$0x0] =	vst.idx.msk vm1, v11  }
0x203: {  	v11 =	vld [tilespmem:s13+$0xFFFFFFF0]  }
0x204: {  	v12 =	vld [tilespmem:s14+$0xFFFFFFE0]  }
0x205: {  	v13 =	vld [tilespmem:s14+$0xFFFFFFF0]  }
0x206: {  	v14 =	vld [tilespmem:s13+$0x10]  }
0x207: {  	v15 =	vld [tilespmem:s17+$0xFFFFFFF0]  }
0x208: {  	v11 =	vsub.f32 v11, v8;
	v16 =	vld [tilespmem:s13+$0x0]  }
0x209: {  	v12 =	vsub.f32 v12, v7;
	v17 =	vld [tilespmem:s14+$0x0]  }
0x20a: {  	v18 =	vld [tilespmem:s13+$0xFFFFFFE0];
	v13 =	vsub.f32 v13, v7;
	v11 =	vmul.f32 v11, v11  }
0x20b: {  	v19 =	vld [tilespmem:s17+$0x0];
	v14 =	vsub.f32 v14, v8  }
0x20c: {  	v20 =	vld [tilespmem:s17+$0xFFFFFFE0];
	v15 =	vsub.f32 v15, v9;
	v13 =	vmul.f32 v13, v13  }
0x20d: {  	v16 =	vsub.f32 v16, v8;
	v21 =	vld [tilespmem:s14+$0x10]  }
0x20e: {  	v11 =	vadd.f32 v11, v13;
	v13 =	vmul.f32 v15, v15;
	v15 =	vsub.f32 v17, v7  }
0x20f: {  	v17 =	vsub.f32 v18, v8;
	v18 =	vld [tilespmem:s17+$0x10]  }
0x210: {  	v11 =	vadd.f32 v13, v11;
	v13 =	vmul.f32 v15, v15;
	v15 =	vmul.f32 v16, v16  }
0x211: {  	v16 =	vmul.f32 v17, v17;
	v17 =	vsub.f32 v19, v9  }
0x212: {  	v12 =	vmul.f32 v12, v12;
	v19 =	vsub.f32 v20, v9;
	v20 =	vsub.f32 v21, v7  }
0x213: {  	v14 =	vmul.f32 v14, v14;
	v13 =	vadd.f32 v15, v13;
	v15 =	vmul.f32 v17, v17  }
0x214: {  	v12 =	vadd.f32 v16, v12;
	v16 =	vmul.f32 v19, v19;
	v17 =	vmul.f32 v20, v20  }
0x215: {  	vm2 =	vle.f32 v11, $1.600000110e-01;
	v11 =	vadd.f32 v15, v13;
	v13 =	vsub.f32 v18, v9  }
0x216: {  	v12 =	vadd.f32 v16, v12;
	v15 =	vsel vm2, $0x1, v1;
	v14 =	vadd.f32 v14, v17  }
0x217: {  	v13 =	vmul.f32 v13, v13;
	(xrf0) =	vadd.scan.msk.s32 $0xffff, v15  }
0x218: {  	vm3 =	vle.f32 v12, $1.600000110e-01;
	vm0 =	vle.f32 v11, $1.600000110e-01  }
0x219: {  	v12 =	vsel vm3, $0x1, v1;
	v11 =	vadd.f32 v13, v14;
	v13 =	vmpcnt.ones.xlane vm3  }
0x21a: {  	v14 =	vsel vm0, $0x1, v1;
	(xrf0) =	vadd.scan.msk.s32 $0xffff, v12  }
0x21b: {  	vm1 =	vle.f32 v11, $1.600000110e-01;
	v11 =	vadd.s32 v10, v13;
	(xrf0) =	vadd.scan.msk.s32 $0xffff, v14  }
0x21c: {  	v12 =	vmpcnt.ones.xlane vm2;
	vm4 =	vlt.s32 v11, $0x40;
	v13 =	vsel vm1, $0x1, v1  }
0x21d: {  	v11 =	vnsel vm4, $0x40, v11;
	v14, _, _ =	vpop (xrf0);
	(xrf0) =	vadd.scan.msk.s32 $0xffff, v13  }
0x21e: {  	v13 =	vadd.s32 v11, v14;
	v11 =	vadd.s32 v12, v11;
	v12 =	vmpcnt.ones.xlane vm0  }
0x21f: {  	vm4 =	vlt.s32 v11, $0x40  }
0x220: {  	v11 =	vnsel vm4, $0x40, v11;
	v14, _, _ =	vpop (xrf0)  }
0x221: {  	v10 =	vadd.s32 v14, v10;
	v12 =	vadd.s32 v12, v11;
	v14 =	vmpcnt.ones.xlane vm1;
	v15, _, _ =	vpop (xrf0)  }
0x222: {  	v16 =	vadd.s32 $0xFFFFFFFF, v10;
	v10 =	vadd.s32 v11, v15;
	vm4 =	vlt.s32 v12, $0x40  }
0x223: {  	v15 =	vadd.s32 $0xFFFFFFFF, v13;
	v11 =	vnsel vm4, $0x40, v12;
	v13, _, _ =	vpop (xrf0)  }
.Ltmp3:
0x224: {  	v12 =	vadd.s32 $0xFFFFFFFF, v10;
	v10 =	vadd.s32 v11, v13;
	v11 =	vadd.s32 v14, v11;
	(pc) =	sbr.rel @p0 .LBB2_9-.Ltmp3, $4  }
0x225: {  	v13 =	vadd.s32 $0xFFFFFFFF, v10;
	vm4 =	vlt.s32 v11, $0x40  }
0x226: {  	s0 =	sadd.s32 $0x10, s28;
	v14 =	vor.u32 s28, v2;
	v10 =	vnsel vm4, $0x40, v11  }
0x227: {  	s30 =	sadd.s32 $0x20, s28;
	[tilespmem:v16+s23+$0x0] =	vst.idx.msk vm3, v14;
	v14 =	vor.u32 s0, v2  }
0x228: {  	s28 =	sadd.s32 $0x30, s28;
	[tilespmem:v15+s23+$0x0] =	vst.idx.msk vm2, v14;
	v14 =	vor.u32 s30, v2  }
0x229: {  	_ =	sdelay $0x4  }
0x22a: {  	[tilespmem:v12+s23+$0x0] =	vst.idx.msk vm0, v14;
	v10 =	vor.u32 s28, v2  }
0x22b: {  	[tilespmem:v13+s23+$0x0] =	vst.idx.msk vm1, v10  }
0x22c: {  	v10 =	vld [tilespmem:$0x18C0];
	_ =	sdelay $0x3  }
0x22d: {  	vm12 =	vgt.s32 v11, v2  }
0x22e: {  	v10 =	vnsel vm12, $0x0, v10;
	_ =	sdelay $0x4  }
0x22f: {  	v12 =	vld.idx.msk [tilespmem:v10+s2+$0x0], $0xffff  }
0x230: {  	v13 =	vld.idx.msk [tilespmem:v10+s18+$0x0], $0xffff  }
0x231: {  	v14 =	vld.idx.msk [tilespmem:v10+s19+$0x0], $0xffff;
	_ =	sdelay $0x2  }
0x232: {  	s10 =	sshll.u32 s10, $0x6;
	v60 =	vsel vm12, $0x3F800000, v3;
	v12 =	vsub.f32 v12, v7  }
0x233: {  	[tilespmem:s10+$0x4A10] =	vst v60;
	v13 =	vsub.f32 v13, v8  }
0x234: {  	v14 =	vsub.f32 v14, v9;
	[tilespmem:s10+$0x1A10] =	vst v12  }
0x235: {  	[tilespmem:s10+$0x2A10] =	vst v13  }
0x236: {  	[tilespmem:s10+$0x3A10] =	vst v14  }
0x237: {  	v12 =	vld [tilespmem:$0x18D0];
	_ =	sdelay $0x3  }
0x238: {  	vm13 =	vgt.s32 v11, v4  }
0x239: {  	v12 =	vnsel vm13, $0x0, v12;
	_ =	sdelay $0x2  }
0x23a: {  	v10 =	vadd.s32 v0, v10  }
0x23b: {  	[tilespmem:$0x19D0] =	vst v10  }
0x23c: {  	v10 =	vld.idx.msk [tilespmem:v12+s2+$0x0], $0xffff  }
0x23d: {  	v13 =	vld.idx.msk [tilespmem:v12+s18+$0x0], $0xffff  }
0x23e: {  	v14 =	vld.idx.msk [tilespmem:v12+s19+$0x0], $0xffff;
	_ =	sdelay $0x2  }
0x23f: {  	v61 =	vsel vm13, $0x3F800000, v3;
	v10 =	vsub.f32 v10, v7  }
0x240: {  	[tilespmem:s10+$0x4A20] =	vst v61;
	v13 =	vsub.f32 v13, v8  }
0x241: {  	v14 =	vsub.f32 v14, v9;
	[tilespmem:s10+$0x1A20] =	vst v10  }
0x242: {  	[tilespmem:s10+$0x2A20] =	vst v13  }
0x243: {  	[tilespmem:s10+$0x3A20] =	vst v14  }
0x244: {  	v10 =	vld [tilespmem:$0x18E0];
	_ =	sdelay $0x3  }
0x245: {  	vm14 =	vgt.s32 v11, v5  }
0x246: {  	v10 =	vnsel vm14, $0x0, v10;
	_ =	sdelay $0x2  }
0x247: {  	v12 =	vadd.s32 v0, v12  }
0x248: {  	[tilespmem:$0x19E0] =	vst v12  }
0x249: {  	v12 =	vld.idx.msk [tilespmem:v10+s2+$0x0], $0xffff  }
0x24a: {  	v13 =	vld.idx.msk [tilespmem:v10+s18+$0x0], $0xffff  }
0x24b: {  	v14 =	vld.idx.msk [tilespmem:v10+s19+$0x0], $0xffff;
	_ =	sdelay $0x2  }
0x24c: {  	v62 =	vsel vm14, $0x3F800000, v3;
	v12 =	vsub.f32 v12, v7  }
0x24d: {  	[tilespmem:s10+$0x4A30] =	vst v62;
	v13 =	vsub.f32 v13, v8  }
0x24e: {  	v14 =	vsub.f32 v14, v9;
	[tilespmem:s10+$0x1A30] =	vst v12  }
0x24f: {  	[tilespmem:s10+$0x2A30] =	vst v13  }
0x250: {  	[tilespmem:s10+$0x3A30] =	vst v14  }
0x251: {  	v12 =	vld [tilespmem:$0x18F0];
	_ =	sdelay $0x3  }
0x252: {  	vm15 =	vgt.s32 v11, v6  }
0x253: {  	v11 =	vnsel vm15, $0x0, v12;
	_ =	sdelay $0x2  }
0x254: {  	v10 =	vadd.s32 v0, v10  }
0x255: {  	[tilespmem:$0x19F0] =	vst v10  }
0x256: {  	v10 =	vld.idx.msk [tilespmem:v11+s2+$0x0], $0xffff  }
0x257: {  	v12 =	vld.idx.msk [tilespmem:v11+s18+$0x0], $0xffff  }
0x258: {  	v13 =	vld.idx.msk [tilespmem:v11+s19+$0x0], $0xffff;
	_ =	sdelay $0x2  }
0x259: {  	v7 =	vsub.f32 v10, v7  }
0x25a: {  	v8 =	vsub.f32 v12, v8  }
0x25b: {  	v63 =	vsub.f32 v13, v9;
	[tilespmem:s10+$0x1A40] =	vst v7  }
0x25c: {  	[tilespmem:s10+$0x2A40] =	vst v8  }
0x25d: {  	[tilespmem:s10+$0x3A40] =	vst v63;
	v7 =	vsel vm15, $0x3F800000, v3  }
0x25e: {  	p0 =	seq.s32 s15, $0x0;
	[tilespmem:s10+$0x4A40] =	vst v7;
	v7 =	vadd.s32 v0, v11  }
0x25f: {  	s0 =	simm.s32 @!p0 $0x5;
	[tilespmem:$0x1A00] =	vst v7  }
0x260: {  	_ =	swait.ge @!p0 [sflag:s0], $0x1000  }
0x261: {  	[sflag:s0] =	ssyncset.done @!p0 $0x0  }
0x262: {  	[sflag:s0] =	ssyncadd.s32 @!p0 $0xFFFFF000;
	s0 =	simm.s32 @!p0 $0x6  }
0x263: {  	_ =	swait.ge @!p0 [sflag:s0], $0x1000  }
0x264: {  	[sflag:s0] =	ssyncset.done @!p0 $0x0  }
0x265: {  	[sflag:s0] =	ssyncadd.s32 @!p0 $0xFFFFF000;
	s0 =	simm.s32 @!p0 $0x7  }
0x266: {  	_ =	swait.ge @!p0 [sflag:s0], $0x1000  }
0x267: {  	[sflag:s0] =	ssyncset.done @!p0 $0x0  }
0x268: {  	[sflag:s0] =	ssyncadd.s32 @!p0 $0xFFFFF000;
	s0 =	simm.s32 @!p0 $0x8  }
0x269: {  	_ =	swait.ge @!p0 [sflag:s0], $0x1000  }
0x26a: {  	[sflag:s0] =	ssyncset.done @!p0 $0x0  }
0x26b: {  	s28 =	simm.s32 $0x1910;
	[sflag:s0] =	ssyncadd.s32 @!p0 $0xFFFFF000  }
0x26c: {  	[tilespmem:s26], [sflag:$0x1] =	stream.indirect.gather [hbm4b:s3+s24], $0x40, s28, s24, $0xb8;
	[tilespmem:$0x9A10] =	vst v63  }
0x26d: {  	s30 =	simm.s32 $0x1950  }
0x26e: {  	[tilespmem:s29], [sflag:$0x2] =	stream.indirect.gather [hbm4b:s3+s24], $0x40, s30, s24, $0xb8;
	[tilespmem:$0x9A10] =	vst v63  }
0x26f: {  	s13 =	simm.s32 $0x1990  }
0x270: {  	[tilespmem:s31], [sflag:$0x3] =	stream.indirect.gather [hbm4b:s3+s24], $0x40, s13, s24, $0xb8;
	[tilespmem:$0x9A10] =	vst v63  }
0x271: {  	s14 =	simm.s32 $0x19D0  }
0x272: {  	[tilespmem:s1], [sflag:$0x4] =	stream.indirect.gather [hbm4b:s3+s24], $0x40, s14, s24, $0xb8;
	[tilespmem:$0x9A10] =	vst v63  }
0x273: {  	_ =	swait.ge [sflag:s6], $0x1000  }
0x274: {  	[sflag:s6] =	ssyncset.done $0x0  }
0x275: {  	[sflag:s6] =	ssyncadd.s32 $0xFFFFF000  }
0x276: {  	_ =	swait.ge [sflag:s7], $0x1000  }
0x277: {  	[sflag:s7] =	ssyncset.done $0x0  }
0x278: {  	[sflag:s7] =	ssyncadd.s32 $0xFFFFF000  }
0x279: {  	_ =	swait.ge [sflag:s8], $0x1000  }
0x27a: {  	[sflag:s8] =	ssyncset.done $0x0  }
0x27b: {  	[sflag:s8] =	ssyncadd.s32 $0xFFFFF000  }
0x27c: {  	s17 =	sadd.s32 s5, s16;
	_ =	swait.ge [sflag:s9], $0x1000  }
0x27d: {  	s0 =	sshll.u32 s17, $0x3;
	[sflag:s9] =	ssyncset.done $0x0  }
0x27e: {  	s25 =	sadd.s32 s5, s11;
	s0 =	sadd.s32 s4, s0;
	[sflag:s9] =	ssyncadd.s32 $0xFFFFF000  }
0x27f: {  	[hbm4b:s0+s2] =	stream.linear.scatter [tilespmem:s26], [sflag:$0x5], $0x1000, $0x38;
	[tilespmem:$0x9A10] =	vst v63  }
0x280: {  	s0 =	sshll.u32 s25, $0x3  }
0x281: {  	s0 =	sand.u32 $0x1FFFFA00, s0  }
0x282: {  	s28 =	sadd.s32 s5, s12;
	s0 =	sadd.s32 s4, s0  }
0x283: {  	[hbm4b:s0+s2] =	stream.linear.scatter [tilespmem:s29], [sflag:$0x6], $0x1000, $0x38;
	[tilespmem:$0x9A10] =	vst v63  }
0x284: {  	s0 =	sshll.u32 s28, $0x3  }
0x285: {  	s15 =	sadd.s32 $0x1, s15;
	s0 =	sand.u32 $0x1FFFFC00, s0  }
0x286: {  	p0 =	sne.s32 s15, $0x10;
	s0 =	sadd.s32 s4, s0  }
0x287: {  	[hbm4b:s0+s2] =	stream.linear.scatter [tilespmem:s31], [sflag:$0x7], $0x1000, $0x38;
	[tilespmem:$0x9A10] =	vst v63  }
.Ltmp4:
0x288: {  	s30 =	sadd.s32 s5, s10;
	(pc) =	sbr.rel @p0 .LBB2_2-.Ltmp4, $4  }
0x289: {  	s0 =	sshll.u32 s30, $0x3  }
0x28a: {  	s0 =	sand.u32 $0x1FFFFE00, s0  }
0x28b: {  	s0 =	sadd.s32 s4, s0  }
0x28c: {  	[hbm4b:s0+s2] =	stream.linear.scatter [tilespmem:s1], [sflag:$0x8], $0x1000, $0x38;
	[tilespmem:$0x9A10] =	vst v63  }
0x28d: {  	s0 =	simm.s32 $0x5  }
0x28e: {  	_ =	swait.ge [sflag:s0], $0x1000  }
0x28f: {  	[sflag:s0] =	ssyncset.done $0x0  }
0x290: {  	s30 =	simm.s32 $0x6;
	[sflag:s0] =	ssyncadd.s32 $0xFFFFF000  }
0x291: {  	_ =	swait.ge [sflag:s30], $0x1000  }
0x292: {  	[sflag:s30] =	ssyncset.done $0x0  }
0x293: {  	s10 =	simm.s32 $0x7;
	[sflag:s30] =	ssyncadd.s32 $0xFFFFF000  }
0x294: {  	_ =	swait.ge [sflag:s10], $0x1000  }
0x295: {  	[sflag:s10] =	ssyncset.done $0x0  }
0x296: {  	s11 =	simm.s32 $0x8;
	[sflag:s10] =	ssyncadd.s32 $0xFFFFF000  }
0x297: {  	_ =	swait.ge [sflag:s11], $0x1000  }
0x298: {  	s10 =	simm.s32 $0x1A10;
	[sflag:s11] =	ssyncset.done $0x0  }
0x299: {  	s12 =	rddreg [dreg:$0xa];
	[sflag:s11] =	ssyncadd.s32 $0xFFFFF000;
	s11 =	simm.s32 $0x9  }
0x29a: {  	[hbm4b:s12+s2] =	stream.linear.scatter [tilespmem:s10], [sflag:$0x9], $0x1000, $0x38;
	[tilespmem:$0x9A10] =	vst v63  }
0x29b: {  	_ =	swait.ge [sflag:s11], $0x1000  }
0x29c: {  	[sflag:s11] =	ssyncset.done $0x0  }
0x29d: {  	s14 =	simm.s32 $0x2A10;
	s13 =	rddreg [dreg:$0x9];
	[sflag:s11] =	ssyncadd.s32 $0xFFFFF000  }
0x29e: {  	[hbm4b:s13+s2] =	stream.linear.scatter [tilespmem:s14], [sflag:$0x9], $0x1000, $0x38;
	[tilespmem:$0x9A10] =	vst v63  }
0x29f: {  	_ =	swait.ge [sflag:s11], $0x1000  }
0x2a0: {  	[sflag:s11] =	ssyncset.done $0x0  }
0x2a1: {  	s16 =	simm.s32 $0x3A10;
	s15 =	rddreg [dreg:$0xb];
	[sflag:s11] =	ssyncadd.s32 $0xFFFFF000  }
0x2a2: {  	[hbm4b:s15+s2] =	stream.linear.scatter [tilespmem:s16], [sflag:$0x9], $0x1000, $0x38;
	[tilespmem:$0x9A10] =	vst v63  }
0x2a3: {  	_ =	swait.ge [sflag:s11], $0x1000  }
0x2a4: {  	[sflag:s11] =	ssyncset.done $0x0  }
0x2a5: {  	s25 =	simm.s32 $0x4A10;
	s17 =	rddreg [dreg:$0xc];
	[sflag:s11] =	ssyncadd.s32 $0xFFFFF000  }
0x2a6: {  	[hbm4b:s17+s2] =	stream.linear.scatter [tilespmem:s25], [sflag:$0x9], $0x1000, $0x38;
	[tilespmem:$0x9A10] =	vst v63  }
0x2a7: {  	_ =	swait.ge [sflag:s11], $0x1000  }
0x2a8: {  	s28 =	rddreg [dreg:$0xe]  }
0x2a9: {  	s30 =	rddreg [dreg:$0xd];
	s10 =	sadd.s32 $0x1, s28  }
0x2aa: {  	p0 =	sne.s32 s10, s30  }
.Ltmp5:
0x2ab: {  	_ = 	snop;
	(pc) =	sbr.rel @p0 .LBB2_1-.Ltmp5, $3  }
0x2ac: {  	_ =	sdelay $0x1  }
0x2ad: {  	[sflag:s11] =	ssyncset.done $0x0  }
0x2ae: {  	[sflag:s11] =	ssyncadd.s32 $0xFFFFF000  }
0x2af: {  	_ =	sfence.sel $0x180000  }
0x2b0: {  	[bflag:$0x0] =	sbarrier.arrive $0xFFFF  }
0x2b1: {  	_ =	strace $0x90000047  }
0x2b2: {  	s0 =	stileid.u32;
	[bflag:$0x2] =	sbarrier.arrive $0xFFFF  }
0x2b3: {  	p0 =	sne.s32 s0, $0x0;
	s0 =	rddreg [dreg:$0x2]  }
0x2b4: {  	s0 =	sadd.s32 @!p0 $0x100000, s0  }
0x2b5: {  	[sflag:s0] =	ssyncadd.tile.s32 @!p0 $0x1;
	_ =	shalt  }
.Lfunc_end2:
_tile_overlayer_lowered:
.L_overlay_start_2:
0x2b6: {  	(tag) =	ssettag $0x2  }
0x2b7: {  	s0 =	rddreg [dreg:$0x0];
	s2 =	stileid.u32  }
0x2b8: {  	s1 =	rddreg [dreg:$0x1];
	p0 =	sne.s32 s2, $0x0  }
0x2b9: {  	s3 =	rddreg [dreg:$0x2];
	[bflag:$0x3] =	sbarrier.arrive $0xFFFF;
	s2 =	simm.s32 @!p0 $0x1C09  }
0x2ba: {  	[timem:s3], [sflag:s2] =	dma.local @!p0 [hbm:s0], s1  }
0x2bb: {  	s0 =	simm.s32 @!p0 $0x9  }
0x2bc: {  	_ =	swait.ge @!p0 [sflag:s0], s1  }
0x2bd: {  	s1 =	ssub.s32 @!p0 $0x0, s1;
	[sflag:s0] =	ssyncset.done @!p0 $0x0  }
0x2be: {  	[sflag:s0] =	ssyncadd.s32 @!p0 s1  }
0x2bf: {  	[bflag:$0x3] =	sbarrier.arrive $0xFFFF  }
0x2c0: {  	_ =	shalt  }

</sc_bundles>
